<compile_context>
chip_gen: v7x
topology: tpu7x:2x2x1
jax: 0.10.2.dev20260603
libtpu: 0.0.44.dev20260713+nightly
codegen_flags: <defaults>
</compile_context>

<pallas_src>
import functools

import jax
import jax.numpy as jnp
from jax import lax
from jax.experimental import pallas as pl
from jax.experimental.pallas import tpu as pltpu
from jax.experimental.pallas import tpu_sc as plsc

N = 10000
N_PAD = 10240
E = 320000
D_IN = 128
D_HID = 128
D_OUT = 64

B = 125
GROUPS = E // B
NC = 2
NS = 16
NW = NC * NS
GPW = GROUPS // NW
RPT = N_PAD // NS
CHUNK = 128
LANES = 16


def _fill2d(ref, nrows, ncols, value):
    v = jnp.full((LANES,), value, jnp.float32)

    def row(i, _):
        def col(j, _):
            ref[i, pl.ds(j * LANES, LANES)] = v
            return 0

        return lax.fori_loop(0, ncols // LANES, col, 0)

    lax.fori_loop(0, nrows, row, 0)


def _sc_mesh():
    return plsc.VectorSubcoreMesh(core_axis_name="c", subcore_axis_name="s")


_SC_PARAMS = pltpu.CompilerParams(use_tc_tiling_on_sc=False)


def _make_deg_kernel():
    @functools.partial(
        pl.kernel,
        out_type=jax.ShapeDtypeStruct((NC, N_PAD, LANES), jnp.float32),
        mesh=_sc_mesh(),
        compiler_params=_SC_PARAMS,
        scratch_types=[
            pltpu.VMEM((GPW, B), jnp.int32),
            pltpu.VMEM((B, LANES), jnp.float32),
            pltpu.VMEM((CHUNK, LANES), jnp.float32),
            pltpu.VMEM_SHARED((N_PAD, LANES), jnp.float32),
        ],
    )
    def deg_kernel(dst_hbm, out_hbm, dst_v, ones_v, zw_v, acc):
        c = lax.axis_index("c")
        s = lax.axis_index("s")
        _fill2d(zw_v, CHUNK, LANES, 0.0)
        r0 = s * RPT
        for k in range(RPT // CHUNK):
            pltpu.sync_copy(zw_v, acc.at[pl.ds(r0 + k * CHUNK, CHUNK)])
        g0 = (c * NS + s) * GPW
        pltpu.sync_copy(dst_hbm.at[pl.ds(g0, GPW)], dst_v)
        _fill2d(ones_v, B, LANES, 1.0)
        plsc.subcore_barrier()

        def body(j, _):
            pltpu.sync_copy(ones_v, acc.at[dst_v.at[j]], add=True)
            return 0

        lax.fori_loop(0, GPW, body, 0)
        plsc.subcore_barrier()
        for k in range(RPT // CHUNK):
            pltpu.sync_copy(acc.at[pl.ds(r0 + k * CHUNK, CHUNK)], zw_v)
            pltpu.sync_copy(zw_v, out_hbm.at[c, pl.ds(r0 + k * CHUNK, CHUNK)])

    return deg_kernel


def _make_agg_kernel(D):
    @functools.partial(
        pl.kernel,
        out_type=jax.ShapeDtypeStruct((NC, N_PAD, D), jnp.float32),
        mesh=_sc_mesh(),
        compiler_params=_SC_PARAMS,
        scratch_types=[
            pltpu.VMEM((GPW, B), jnp.int32),
            pltpu.VMEM((GPW, B), jnp.int32),
            pltpu.VMEM((B, D), jnp.float32),
            pltpu.VMEM((CHUNK, D), jnp.float32),
            pltpu.VMEM_SHARED((N_PAD, D), jnp.float32),
            pltpu.SemaphoreType.DMA,
        ],
    )
    def agg_kernel(g_hbm, src_hbm, dst_hbm, out_hbm, src_v, dst_v, rows_v, zw_v, acc, sem):
        c = lax.axis_index("c")
        s = lax.axis_index("s")
        _fill2d(zw_v, CHUNK, D, 0.0)
        r0 = s * RPT
        for k in range(RPT // CHUNK):
            pltpu.sync_copy(zw_v, acc.at[pl.ds(r0 + k * CHUNK, CHUNK)])
        g0 = (c * NS + s) * GPW
        pltpu.sync_copy(src_hbm.at[pl.ds(g0, GPW)], src_v)
        pltpu.sync_copy(dst_hbm.at[pl.ds(g0, GPW)], dst_v)
        plsc.subcore_barrier()

        def body(j, _):
            pltpu.async_copy(g_hbm.at[src_v.at[j]], rows_v, sem).wait()
            pltpu.sync_copy(rows_v, acc.at[dst_v.at[j]], add=True)
            return 0

        lax.fori_loop(0, GPW, body, 0)
        plsc.subcore_barrier()
        for k in range(RPT // CHUNK):
            pltpu.sync_copy(acc.at[pl.ds(r0 + k * CHUNK, CHUNK)], zw_v)
            pltpu.sync_copy(zw_v, out_hbm.at[c, pl.ds(r0 + k * CHUNK, CHUNK)])

    return agg_kernel


_deg = _make_deg_kernel()
_agg64 = _make_agg_kernel(64)


def _tc_matmul1(x, mask1, W1):
    def body(x_ref, m_ref, w_ref, o_ref):
        o_ref[...] = jnp.dot(x_ref[...] * m_ref[...], w_ref[...],
                             preferred_element_type=jnp.float32)

    return pl.pallas_call(
        body, out_shape=jax.ShapeDtypeStruct((N, D_HID), jnp.float32)
    )(x, mask1, W1)


def _tc_scale(h, dega, degb):
    def body(h_ref, da_ref, db_ref, g_ref, dinv_ref):
        dinv = lax.rsqrt(da_ref[...] + db_ref[...] + 1.0)
        dinv_ref[...] = dinv
        g_ref[...] = h_ref[...] * dinv

    return pl.pallas_call(
        body,
        out_shape=[
            jax.ShapeDtypeStruct((N, D_HID), jnp.float32),
            jax.ShapeDtypeStruct((N, 1), jnp.float32),
        ],
    )(h, dega, degb)


def _tc_mid(sa0, sb0, sa1, sb1, g1, dinv, b1, mask2, W2):
    def body(sa0_ref, sb0_ref, sa1_ref, sb1_ref, g1_ref, dinv_ref, b1_ref,
             m2_ref, w2_ref, o_ref):
        s1 = jnp.concatenate(
            [sa0_ref[...] + sb0_ref[...], sa1_ref[...] + sb1_ref[...]], axis=1)
        u = (s1 + g1_ref[...]) * dinv_ref[...] + b1_ref[...]
        u = jnp.maximum(u, 0.0)
        o_ref[...] = jnp.dot(u * m2_ref[...], w2_ref[...],
                             preferred_element_type=jnp.float32) * dinv_ref[...]

    return pl.pallas_call(
        body, out_shape=jax.ShapeDtypeStruct((N, D_OUT), jnp.float32)
    )(sa0, sb0, sa1, sb1, g1, dinv, b1, mask2, W2)


def _tc_final(sa, sb, g2, dinv, b2):
    def body(sa_ref, sb_ref, g2_ref, dinv_ref, b2_ref, o_ref):
        o_ref[...] = (sa_ref[...] + sb_ref[...] + g2_ref[...]) * dinv_ref[...] + b2_ref[...]

    return pl.pallas_call(
        body, out_shape=jax.ShapeDtypeStruct((N, D_OUT), jnp.float32)
    )(sa, sb, g2, dinv, b2)


def kernel(x, edge_index, mask1, W1, b1, mask2, W2, b2):
    src2 = edge_index[0].reshape(GROUPS, B)
    dst2 = edge_index[1].reshape(GROUPS, B)

    degp = _deg(dst2)
    h1 = _tc_matmul1(x, mask1.reshape(1, D_IN), W1)
    dega = degp[0, :N, 0:1]
    degb = degp[1, :N, 0:1]
    g1, dinv = _tc_scale(h1, dega, degb)

    S1l = _agg64(g1[:, :64], src2, dst2)
    S1r = _agg64(g1[:, 64:], src2, dst2)
    g2 = _tc_mid(S1l[0, :N], S1l[1, :N], S1r[0, :N], S1r[1, :N],
                 g1, dinv, b1.reshape(1, D_HID), mask2.reshape(1, D_HID), W2)

    S2 = _agg64(g2, src2, dst2)
    return _tc_final(S2[0, :N], S2[1, :N], g2, dinv, b2.reshape(1, D_OUT))

# --- scband reference (transcript-rebuilt; emitter-appended) ---
"""Pipeline reference for scband-masked-gcnv2-74345883894182 (READ-ONLY COPY).

The authoritative reference and input builder live on the scoring server;
editing this copy changes nothing except your own understanding.
"""

import jax, jax.numpy as jnp
import numpy as np

N = 10000
E = 320000
D_IN = 128
D_HID = 128
D_OUT = 64


def setup_inputs(seed: int = 0) -> dict:
    key = jax.random.key(seed)
    ks = jax.random.split(key, 6)
    x = jax.random.normal(ks[0], (N, D_IN), dtype=jnp.float32)
    edge_index = jax.random.randint(ks[1], (2, E), 0, N, dtype=jnp.int32)
    # Layer 1: MaskedGCNConv(128 -> 128): learnable feature mask + GCN weight/bias
    mask1 = jnp.ones((D_IN,), dtype=jnp.float32)
    W1 = jax.random.normal(ks[2], (D_IN, D_HID), dtype=jnp.float32) * (1.0 / np.sqrt(D_IN))
    b1 = jnp.zeros((D_HID,), dtype=jnp.float32)
    # Layer 2: MaskedGCNConv(128 -> 64)
    mask2 = jnp.ones((D_HID,), dtype=jnp.float32)
    W2 = jax.random.normal(ks[3], (D_HID, D_OUT), dtype=jnp.float32) * (1.0 / np.sqrt(D_HID))
    b2 = jnp.zeros((D_OUT,), dtype=jnp.float32)
    return {"x": x, "edge_index": edge_index, "mask1": mask1, "W1": W1, "b1": b1,
            "mask2": mask2, "W2": W2, "b2": b2}


def _masked_gcn_conv(x, edge_index, mask, W, b):
    # Masked GCN conv: elementwise learnable feature mask, then standard
    # GCN propagation D^-1/2 (A + I) D^-1/2 (X*mask) W + b.
    n = x.shape[0]
    h = (x * mask) @ W
    self_loop = jnp.arange(n, dtype=edge_index.dtype)
    src = jnp.concatenate([edge_index[0], self_loop])
    dst = jnp.concatenate([edge_index[1], self_loop])
    deg = jax.ops.segment_sum(jnp.ones_like(src, dtype=h.dtype), dst, num_segments=n)
    dinv = jnp.where(deg > 0, deg ** -0.5, 0.0)
    norm = dinv[src] * dinv[dst]
    msg = h[src] * norm[:, None]
    out = jax.ops.segment_sum(msg, dst, num_segments=n)
    return out + b


def reference(x, edge_index, mask1, W1, b1, mask2, W2, b2):
    # dropout p=0.0 in eval -> identity; cuda memory stat side-output omitted
    h = jax.nn.relu(_masked_gcn_conv(x, edge_index, mask1, W1, b1))
    logits = _masked_gcn_conv(h, edge_index, mask2, W2, b2)
    return logits

if __name__ == "__main__":
    import jax
    _d = setup_inputs()
    print(jax.jit(kernel)(*tuple(_d.values())))

</pallas_src>

<mosaic_0001>
#map = affine_map<(d0, d1) -> (0, 0)>
#map1 = affine_map<(d0, d1) -> (0, 0, 0)>
module attributes {stable_mosaic.version = 14 : i64} {
  func.func @deg_kernel(%arg0: i32, %arg1: i32, %arg2: memref<2560x125xi32, #tpu.memory_space<hbm>>, %arg3: memref<2x10240x16xf32, #tpu.memory_space<hbm>>, %arg4: memref<80x125xi32, #tpu.memory_space<vmem>>, %arg5: memref<125x16xf32, #tpu.memory_space<vmem>>, %arg6: memref<128x16xf32, #tpu.memory_space<vmem>>, %arg7: memref<10240x16xf32, #tpu.memory_space<vmem_shared>>) attributes {dimension_semantics = [#tpu.dimension_semantics<core_parallel>, #tpu.dimension_semantics<subcore_parallel>], iteration_bounds = array<i64: 2, 16>, scalar_prefetch = 0 : i64, scratch_operands = 4 : i64, tpu.core_type = #tpu.core_type<sc_vector_subcore>, window_params = [{transform_indices = #map}, {transform_indices = #map1}]} {
    %broadcast_in_dim3A = arith.constant 0.000000e+00 : f32
    %broadcast_in_dim3A_0 = vector.broadcast %broadcast_in_dim3A : f32 to vector<16xf32>
    %scan3A = arith.constant 0 : i32
    %scan3A_1 = arith.constant 0 : i32
    %scan3A_2 = arith.constant 128 : i32
    %scan3A_3 = arith.addi %scan3A_1, %scan3A_2 : i32
    %scan3A_4 = arith.constant 1 : i32
    %scan3A_5 = scf.for %scan3A_59 = %scan3A_1 to %scan3A_3 step %scan3A_4 iter_args(%scan3A_60 = %scan3A) -> (i32)  : i32 {
      %scan3A_61 = arith.constant 0 : i32
      %scan3A_62 = arith.constant 0 : i32
      %mul3A_63 = arith.constant 16 : i32
      %mul3A_64 = arith.muli %scan3A_62, %mul3A_63 : i32
      %swap3A = arith.index_cast %scan3A_59 : i32 to index
      %swap3A_65 = arith.index_cast %mul3A_64 : i32 to index
      %swap3A_66 = tpu.vector_load %arg6[%swap3A, %swap3A_65] {strides = array<i32>} : memref<128x16xf32, #tpu.memory_space<vmem>>, vector<1x16xf32>,
      %swap3A_67 = vector.shape_cast %swap3A_66 : vector<1x16xf32> to vector<16xf32>
      %swap3A_68 = vector.shape_cast %broadcast_in_dim3A_0 : vector<16xf32> to vector<1x16xf32>
      tpu.vector_store %arg6[%swap3A, %swap3A_65], %swap3A_68 {strides = array<i32>} : memref<128x16xf32, #tpu.memory_space<vmem>>, vector<1x16xf32>,
      %scan3A_69 = arith.constant 0 : i32
      %scan3A_70 = arith.constant 1 : i32
      scf.yield %scan3A_69 : i32
    }
    %scan3A_6 = arith.constant 128 : i32
    %mul3A = arith.constant 640 : i32
    %mul3A_7 = arith.muli %arg1, %mul3A : i32
    %add3A = arith.constant 0 : i32
    %add3A_8 = arith.addi %mul3A_7, %add3A : i32
    "tpu.region"() ({
      %run_scoped3A = tpu.sem_alloc : memref<!tpu.dma_semaphore, #tpu.memory_space<semaphore_mem>>
      %dma_start3A = arith.constant 0 : i32
      %dma_start3A_59 = tpu.memref_slice %arg7[%add3A_8, %dma_start3A] : memref<10240x16xf32, #tpu.memory_space<vmem_shared>> -> memref<128x16xf32, #tpu.memory_space<vmem_shared>>
      %dma_start3A_60 = arith.constant 0 : i32
      %dma_start3A_61 = tpu.memref_slice %arg7[%add3A_8, %dma_start3A_60] : memref<10240x16xf32, #tpu.memory_space<vmem_shared>> -> memref<128x16xf32, #tpu.memory_space<vmem_shared>>
      tpu.enqueue_dma source(%arg6 : memref<128x16xf32, #tpu.memory_space<vmem>>) target(%dma_start3A_61 : memref<128x16xf32, #tpu.memory_space<vmem_shared>>) target_semaphore(%run_scoped3A : memref<!tpu.dma_semaphore, #tpu.memory_space<semaphore_mem>>)
      %dma_wait3A = arith.constant 0 : i32
      %dma_wait3A_62 = tpu.memref_slice %arg7[%add3A_8, %dma_wait3A] : memref<10240x16xf32, #tpu.memory_space<vmem_shared>> -> memref<128x16xf32, #tpu.memory_space<vmem_shared>>
      %dma_wait3A_63 = arith.constant 0 : i32
      %dma_wait3A_64 = tpu.memref_slice %arg7[%add3A_8, %dma_wait3A_63] : memref<10240x16xf32, #tpu.memory_space<vmem_shared>> -> memref<128x16xf32, #tpu.memory_space<vmem_shared>>
      tpu.wait_dma2 semaphore(%run_scoped3A : memref<!tpu.dma_semaphore, #tpu.memory_space<semaphore_mem>>) src(%arg6 : memref<128x16xf32, #tpu.memory_space<vmem>>) dst(%dma_wait3A_64 : memref<128x16xf32, #tpu.memory_space<vmem_shared>>)
      tpu.yield
    }) : () -> ()
    %add3A_9 = arith.constant 128 : i32
    %add3A_10 = arith.addi %mul3A_7, %add3A_9 : i32
    "tpu.region"() ({
      %run_scoped3A = tpu.sem_alloc : memref<!tpu.dma_semaphore, #tpu.memory_space<semaphore_mem>>
      %dma_start3A = arith.constant 0 : i32
      %dma_start3A_59 = tpu.memref_slice %arg7[%add3A_10, %dma_start3A] : memref<10240x16xf32, #tpu.memory_space<vmem_shared>> -> memref<128x16xf32, #tpu.memory_space<vmem_shared>>
      %dma_start3A_60 = arith.constant 0 : i32
      %dma_start3A_61 = tpu.memref_slice %arg7[%add3A_10, %dma_start3A_60] : memref<10240x16xf32, #tpu.memory_space<vmem_shared>> -> memref<128x16xf32, #tpu.memory_space<vmem_shared>>
      tpu.enqueue_dma source(%arg6 : memref<128x16xf32, #tpu.memory_space<vmem>>) target(%dma_start3A_61 : memref<128x16xf32, #tpu.memory_space<vmem_shared>>) target_semaphore(%run_scoped3A : memref<!tpu.dma_semaphore, #tpu.memory_space<semaphore_mem>>)
      %dma_wait3A = arith.constant 0 : i32
      %dma_wait3A_62 = tpu.memref_slice %arg7[%add3A_10, %dma_wait3A] : memref<10240x16xf32, #tpu.memory_space<vmem_shared>> -> memref<128x16xf32, #tpu.memory_space<vmem_shared>>
      %dma_wait3A_63 = arith.constant 0 : i32
      %dma_wait3A_64 = tpu.memref_slice %arg7[%add3A_10, %dma_wait3A_63] : memref<10240x16xf32, #tpu.memory_space<vmem_shared>> -> memref<128x16xf32, #tpu.memory_space<vmem_shared>>
      tpu.wait_dma2 semaphore(%run_scoped3A : memref<!tpu.dma_semaphore, #tpu.memory_space<semaphore_mem>>) src(%arg6 : memref<128x16xf32, #tpu.memory_space<vmem>>) dst(%dma_wait3A_64 : memref<128x16xf32, #tpu.memory_space<vmem_shared>>)
      tpu.yield
    }) : () -> ()
    %add3A_11 = arith.constant 256 : i32
    %add3A_12 = arith.addi %mul3A_7, %add3A_11 : i32
    "tpu.region"() ({
      %run_scoped3A = tpu.sem_alloc : memref<!tpu.dma_semaphore, #tpu.memory_space<semaphore_mem>>
      %dma_start3A = arith.constant 0 : i32
      %dma_start3A_59 = tpu.memref_slice %arg7[%add3A_12, %dma_start3A] : memref<10240x16xf32, #tpu.memory_space<vmem_shared>> -> memref<128x16xf32, #tpu.memory_space<vmem_shared>>
      %dma_start3A_60 = arith.constant 0 : i32
      %dma_start3A_61 = tpu.memref_slice %arg7[%add3A_12, %dma_start3A_60] : memref<10240x16xf32, #tpu.memory_space<vmem_shared>> -> memref<128x16xf32, #tpu.memory_space<vmem_shared>>
      tpu.enqueue_dma source(%arg6 : memref<128x16xf32, #tpu.memory_space<vmem>>) target(%dma_start3A_61 : memref<128x16xf32, #tpu.memory_space<vmem_shared>>) target_semaphore(%run_scoped3A : memref<!tpu.dma_semaphore, #tpu.memory_space<semaphore_mem>>)
      %dma_wait3A = arith.constant 0 : i32
      %dma_wait3A_62 = tpu.memref_slice %arg7[%add3A_12, %dma_wait3A] : memref<10240x16xf32, #tpu.memory_space<vmem_shared>> -> memref<128x16xf32, #tpu.memory_space<vmem_shared>>
      %dma_wait3A_63 = arith.constant 0 : i32
      %dma_wait3A_64 = tpu.memref_slice %arg7[%add3A_12, %dma_wait3A_63] : memref<10240x16xf32, #tpu.memory_space<vmem_shared>> -> memref<128x16xf32, #tpu.memory_space<vmem_shared>>
      tpu.wait_dma2 semaphore(%run_scoped3A : memref<!tpu.dma_semaphore, #tpu.memory_space<semaphore_mem>>) src(%arg6 : memref<128x16xf32, #tpu.memory_space<vmem>>) dst(%dma_wait3A_64 : memref<128x16xf32, #tpu.memory_space<vmem_shared>>)
      tpu.yield
    }) : () -> ()
    %add3A_13 = arith.constant 384 : i32
    %add3A_14 = arith.addi %mul3A_7, %add3A_13 : i32
    "tpu.region"() ({
      %run_scoped3A = tpu.sem_alloc : memref<!tpu.dma_semaphore, #tpu.memory_space<semaphore_mem>>
      %dma_start3A = arith.constant 0 : i32
      %dma_start3A_59 = tpu.memref_slice %arg7[%add3A_14, %dma_start3A] : memref<10240x16xf32, #tpu.memory_space<vmem_shared>> -> memref<128x16xf32, #tpu.memory_space<vmem_shared>>
      %dma_start3A_60 = arith.constant 0 : i32
      %dma_start3A_61 = tpu.memref_slice %arg7[%add3A_14, %dma_start3A_60] : memref<10240x16xf32, #tpu.memory_space<vmem_shared>> -> memref<128x16xf32, #tpu.memory_space<vmem_shared>>
      tpu.enqueue_dma source(%arg6 : memref<128x16xf32, #tpu.memory_space<vmem>>) target(%dma_start3A_61 : memref<128x16xf32, #tpu.memory_space<vmem_shared>>) target_semaphore(%run_scoped3A : memref<!tpu.dma_semaphore, #tpu.memory_space<semaphore_mem>>)
      %dma_wait3A = arith.constant 0 : i32
      %dma_wait3A_62 = tpu.memref_slice %arg7[%add3A_14, %dma_wait3A] : memref<10240x16xf32, #tpu.memory_space<vmem_shared>> -> memref<128x16xf32, #tpu.memory_space<vmem_shared>>
      %dma_wait3A_63 = arith.constant 0 : i32
      %dma_wait3A_64 = tpu.memref_slice %arg7[%add3A_14, %dma_wait3A_63] : memref<10240x16xf32, #tpu.memory_space<vmem_shared>> -> memref<128x16xf32, #tpu.memory_space<vmem_shared>>
      tpu.wait_dma2 semaphore(%run_scoped3A : memref<!tpu.dma_semaphore, #tpu.memory_space<semaphore_mem>>) src(%arg6 : memref<128x16xf32, #tpu.memory_space<vmem>>) dst(%dma_wait3A_64 : memref<128x16xf32, #tpu.memory_space<vmem_shared>>)
      tpu.yield
    }) : () -> ()
    %add3A_15 = arith.constant 512 : i32
    %add3A_16 = arith.addi %mul3A_7, %add3A_15 : i32
    "tpu.region"() ({
      %run_scoped3A = tpu.sem_alloc : memref<!tpu.dma_semaphore, #tpu.memory_space<semaphore_mem>>
      %dma_start3A = arith.constant 0 : i32
      %dma_start3A_59 = tpu.memref_slice %arg7[%add3A_16, %dma_start3A] : memref<10240x16xf32, #tpu.memory_space<vmem_shared>> -> memref<128x16xf32, #tpu.memory_space<vmem_shared>>
      %dma_start3A_60 = arith.constant 0 : i32
      %dma_start3A_61 = tpu.memref_slice %arg7[%add3A_16, %dma_start3A_60] : memref<10240x16xf32, #tpu.memory_space<vmem_shared>> -> memref<128x16xf32, #tpu.memory_space<vmem_shared>>
      tpu.enqueue_dma source(%arg6 : memref<128x16xf32, #tpu.memory_space<vmem>>) target(%dma_start3A_61 : memref<128x16xf32, #tpu.memory_space<vmem_shared>>) target_semaphore(%run_scoped3A : memref<!tpu.dma_semaphore, #tpu.memory_space<semaphore_mem>>)
      %dma_wait3A = arith.constant 0 : i32
      %dma_wait3A_62 = tpu.memref_slice %arg7[%add3A_16, %dma_wait3A] : memref<10240x16xf32, #tpu.memory_space<vmem_shared>> -> memref<128x16xf32, #tpu.memory_space<vmem_shared>>
      %dma_wait3A_63 = arith.constant 0 : i32
      %dma_wait3A_64 = tpu.memref_slice %arg7[%add3A_16, %dma_wait3A_63] : memref<10240x16xf32, #tpu.memory_space<vmem_shared>> -> memref<128x16xf32, #tpu.memory_space<vmem_shared>>
      tpu.wait_dma2 semaphore(%run_scoped3A : memref<!tpu.dma_semaphore, #tpu.memory_space<semaphore_mem>>) src(%arg6 : memref<128x16xf32, #tpu.memory_space<vmem>>) dst(%dma_wait3A_64 : memref<128x16xf32, #tpu.memory_space<vmem_shared>>)
      tpu.yield
    }) : () -> ()
    %mul3A_17 = arith.constant 16 : i32
    %mul3A_18 = arith.muli %arg0, %mul3A_17 : i32
    %add3A_19 = arith.addi %mul3A_18, %arg1 : i32
    %mul3A_20 = arith.constant 80 : i32
    %mul3A_21 = arith.muli %add3A_19, %mul3A_20 : i32
    "tpu.region"() ({
      %run_scoped3A = tpu.sem_alloc : memref<!tpu.dma_semaphore, #tpu.memory_space<semaphore_mem>>
      %dma_start3A = arith.constant 0 : i32
      %dma_start3A_59 = tpu.memref_slice %arg2[%mul3A_21, %dma_start3A] : memref<2560x125xi32, #tpu.memory_space<hbm>> -> memref<80x125xi32, #tpu.memory_space<hbm>>
      %dma_start3A_60 = arith.constant 0 : i32
      %dma_start3A_61 = tpu.memref_slice %arg2[%mul3A_21, %dma_start3A_60] : memref<2560x125xi32, #tpu.memory_space<hbm>> -> memref<80x125xi32, #tpu.memory_space<hbm>>
      tpu.enqueue_dma source(%dma_start3A_61 : memref<80x125xi32, #tpu.memory_space<hbm>>) target(%arg4 : memref<80x125xi32, #tpu.memory_space<vmem>>) target_semaphore(%run_scoped3A : memref<!tpu.dma_semaphore, #tpu.memory_space<semaphore_mem>>)
      %dma_wait3A = arith.constant 0 : i32
      %dma_wait3A_62 = tpu.memref_slice %arg2[%mul3A_21, %dma_wait3A] : memref<2560x125xi32, #tpu.memory_space<hbm>> -> memref<80x125xi32, #tpu.memory_space<hbm>>
      %dma_wait3A_63 = arith.constant 0 : i32
      %dma_wait3A_64 = tpu.memref_slice %arg2[%mul3A_21, %dma_wait3A_63] : memref<2560x125xi32, #tpu.memory_space<hbm>> -> memref<80x125xi32, #tpu.memory_space<hbm>>
      tpu.wait_dma2 semaphore(%run_scoped3A : memref<!tpu.dma_semaphore, #tpu.memory_space<semaphore_mem>>) src(%dma_wait3A_64 : memref<80x125xi32, #tpu.memory_space<hbm>>) dst(%arg4 : memref<80x125xi32, #tpu.memory_space<vmem>>)
      tpu.yield
    }) : () -> ()
    %broadcast_in_dim3A_22 = arith.constant 1.000000e+00 : f32
    %broadcast_in_dim3A_23 = vector.broadcast %broadcast_in_dim3A_22 : f32 to vector<16xf32>
    %scan3A_24 = arith.constant 0 : i32
    %scan3A_25 = arith.constant 0 : i32
    %scan3A_26 = arith.constant 125 : i32
    %scan3A_27 = arith.addi %scan3A_25, %scan3A_26 : i32
    %scan3A_28 = arith.constant 1 : i32
    %scan3A_29 = scf.for %scan3A_59 = %scan3A_25 to %scan3A_27 step %scan3A_28 iter_args(%scan3A_60 = %scan3A_24) -> (i32)  : i32 {
      %scan3A_61 = arith.constant 0 : i32
      %scan3A_62 = arith.constant 0 : i32
      %mul3A_63 = arith.constant 16 : i32
      %mul3A_64 = arith.muli %scan3A_62, %mul3A_63 : i32
      %swap3A = arith.index_cast %scan3A_59 : i32 to index
      %swap3A_65 = arith.index_cast %mul3A_64 : i32 to index
      %swap3A_66 = tpu.vector_load %arg5[%swap3A, %swap3A_65] {strides = array<i32>} : memref<125x16xf32, #tpu.memory_space<vmem>>, vector<1x16xf32>,
      %swap3A_67 = vector.shape_cast %swap3A_66 : vector<1x16xf32> to vector<16xf32>
      %swap3A_68 = vector.shape_cast %broadcast_in_dim3A_23 : vector<16xf32> to vector<1x16xf32>
      tpu.vector_store %arg5[%swap3A, %swap3A_65], %swap3A_68 {strides = array<i32>} : memref<125x16xf32, #tpu.memory_space<vmem>>, vector<1x16xf32>,
      %scan3A_69 = arith.constant 0 : i32
      %scan3A_70 = arith.constant 1 : i32
      scf.yield %scan3A_69 : i32
    }
    %scan3A_30 = arith.constant 125 : i32
    %barrier3A = arith.constant 0 : index
    tpu.barrier barrier_id(%barrier3A)
    %scan3A_31 = arith.constant 0 : i32
    %scan3A_32 = arith.constant 0 : i32
    %scan3A_33 = arith.constant 80 : i32
    %scan3A_34 = arith.addi %scan3A_32, %scan3A_33 : i32
    %scan3A_35 = arith.constant 1 : i32
    %scan3A_36 = scf.for %scan3A_59 = %scan3A_32 to %scan3A_34 step %scan3A_35 iter_args(%scan3A_60 = %scan3A_31) -> (i32)  : i32 {
      "tpu.region"() ({
        %run_scoped3A = tpu.sem_alloc : memref<!tpu.dma_semaphore, #tpu.memory_space<semaphore_mem>>
        %dma_start3A = arith.constant 0 : i32
        %dma_start3A_62 = tpu.memref_slice %arg4[%scan3A_59, %dma_start3A] : memref<80x125xi32, #tpu.memory_space<vmem>> -> memref<1x125xi32, #tpu.memory_space<vmem>>
        %dma_start3A_63 = tpu.memref_squeeze %dma_start3A_62 : memref<1x125xi32, #tpu.memory_space<vmem>> -> memref<125xi32, #tpu.memory_space<vmem>>
        %dma_start3A_64 = arith.constant 0 : i32
        %dma_start3A_65 = arith.constant 0 : i32
        %dma_start3A_66 = tpu.memref_slice %arg7[%dma_start3A_64, %dma_start3A_65] : memref<10240x16xf32, #tpu.memory_space<vmem_shared>> -> memref<10240x16xf32, #tpu.memory_space<vmem_shared>>
        tpu.enqueue_indirect_dma source(%arg5 : memref<125x16xf32, #tpu.memory_space<vmem>>) target(%dma_start3A_66 : memref<10240x16xf32, #tpu.memory_space<vmem_shared>>) offsets(%dma_start3A_63 : memref<125xi32, #tpu.memory_space<vmem>>) semaphore(%run_scoped3A : memref<!tpu.dma_semaphore, #tpu.memory_space<semaphore_mem>>) {add = true}
        %dma_wait3A = arith.constant 0 : i32
        %dma_wait3A_67 = tpu.memref_slice %arg4[%scan3A_59, %dma_wait3A] : memref<80x125xi32, #tpu.memory_space<vmem>> -> memref<1x125xi32, #tpu.memory_space<vmem>>
        %dma_wait3A_68 = tpu.memref_squeeze %dma_wait3A_67 : memref<1x125xi32, #tpu.memory_space<vmem>> -> memref<125xi32, #tpu.memory_space<vmem>>
        %dma_wait3A_69 = arith.constant 0 : i32
        %dma_wait3A_70 = arith.constant 0 : i32
        %dma_wait3A_71 = tpu.memref_slice %arg7[%dma_wait3A_69, %dma_wait3A_70] : memref<10240x16xf32, #tpu.memory_space<vmem_shared>> -> memref<10240x16xf32, #tpu.memory_space<vmem_shared>>
        tpu.wait_indirect_dma semaphore(%run_scoped3A : memref<!tpu.dma_semaphore, #tpu.memory_space<semaphore_mem>>) src(%arg5 : memref<125x16xf32, #tpu.memory_space<vmem>>) dst(%dma_wait3A_71 : memref<10240x16xf32, #tpu.memory_space<vmem_shared>>)
        tpu.yield
      }) : () -> ()
      %scan3A_61 = arith.constant 0 : i32
      scf.yield %scan3A_61 : i32
    }
    %scan3A_37 = arith.constant 80 : i32
    %barrier3A_38 = arith.constant 0 : index
    tpu.barrier barrier_id(%barrier3A_38)
    %add3A_39 = arith.constant 0 : i32
    %add3A_40 = arith.addi %mul3A_7, %add3A_39 : i32
    "tpu.region"() ({
      %run_scoped3A = tpu.sem_alloc : memref<!tpu.dma_semaphore, #tpu.memory_space<semaphore_mem>>
      %dma_start3A = arith.constant 0 : i32
      %dma_start3A_59 = tpu.memref_slice %arg7[%add3A_40, %dma_start3A] : memref<10240x16xf32, #tpu.memory_space<vmem_shared>> -> memref<128x16xf32, #tpu.memory_space<vmem_shared>>
      %dma_start3A_60 = arith.constant 0 : i32
      %dma_start3A_61 = tpu.memref_slice %arg7[%add3A_40, %dma_start3A_60] : memref<10240x16xf32, #tpu.memory_space<vmem_shared>> -> memref<128x16xf32, #tpu.memory_space<vmem_shared>>
      tpu.enqueue_dma source(%dma_start3A_61 : memref<128x16xf32, #tpu.memory_space<vmem_shared>>) target(%arg6 : memref<128x16xf32, #tpu.memory_space<vmem>>) target_semaphore(%run_scoped3A : memref<!tpu.dma_semaphore, #tpu.memory_space<semaphore_mem>>)
      %dma_wait3A = arith.constant 0 : i32
      %dma_wait3A_62 = tpu.memref_slice %arg7[%add3A_40, %dma_wait3A] : memref<10240x16xf32, #tpu.memory_space<vmem_shared>> -> memref<128x16xf32, #tpu.memory_space<vmem_shared>>
      %dma_wait3A_63 = arith.constant 0 : i32
      %dma_wait3A_64 = tpu.memref_slice %arg7[%add3A_40, %dma_wait3A_63] : memref<10240x16xf32, #tpu.memory_space<vmem_shared>> -> memref<128x16xf32, #tpu.memory_space<vmem_shared>>
      tpu.wait_dma2 semaphore(%run_scoped3A : memref<!tpu.dma_semaphore, #tpu.memory_space<semaphore_mem>>) src(%dma_wait3A_64 : memref<128x16xf32, #tpu.memory_space<vmem_shared>>) dst(%arg6 : memref<128x16xf32, #tpu.memory_space<vmem>>)
      tpu.yield
    }) : () -> ()
    %add3A_41 = arith.constant 0 : i32
    %add3A_42 = arith.addi %mul3A_7, %add3A_41 : i32
    "tpu.region"() ({
      %run_scoped3A = tpu.sem_alloc : memref<!tpu.dma_semaphore, #tpu.memory_space<semaphore_mem>>
      %dma_start3A = arith.constant 0 : i32
      %dma_start3A_59 = tpu.memref_slice %arg3[%arg0, %add3A_42, %dma_start3A] : memref<2x10240x16xf32, #tpu.memory_space<hbm>> -> memref<1x128x16xf32, #tpu.memory_space<hbm>>
      %dma_start3A_60 = tpu.memref_squeeze %dma_start3A_59 : memref<1x128x16xf32, #tpu.memory_space<hbm>> -> memref<128x16xf32, #tpu.memory_space<hbm>>
      %dma_start3A_61 = arith.constant 0 : i32
      %dma_start3A_62 = tpu.memref_slice %arg3[%arg0, %add3A_42, %dma_start3A_61] : memref<2x10240x16xf32, #tpu.memory_space<hbm>> -> memref<1x128x16xf32, #tpu.memory_space<hbm>>
      %dma_start3A_63 = tpu.memref_squeeze %dma_start3A_62 : memref<1x128x16xf32, #tpu.memory_space<hbm>> -> memref<128x16xf32, #tpu.memory_space<hbm>>
      tpu.enqueue_dma source(%arg6 : memref<128x16xf32, #tpu.memory_space<vmem>>) target(%dma_start3A_63 : memref<128x16xf32, #tpu.memory_space<hbm>>) target_semaphore(%run_scoped3A : memref<!tpu.dma_semaphore, #tpu.memory_space<semaphore_mem>>)
      %dma_wait3A = arith.constant 0 : i32
      %dma_wait3A_64 = tpu.memref_slice %arg3[%arg0, %add3A_42, %dma_wait3A] : memref<2x10240x16xf32, #tpu.memory_space<hbm>> -> memref<1x128x16xf32, #tpu.memory_space<hbm>>
      %dma_wait3A_65 = tpu.memref_squeeze %dma_wait3A_64 : memref<1x128x16xf32, #tpu.memory_space<hbm>> -> memref<128x16xf32, #tpu.memory_space<hbm>>
      %dma_wait3A_66 = arith.constant 0 : i32
      %dma_wait3A_67 = tpu.memref_slice %arg3[%arg0, %add3A_42, %dma_wait3A_66] : memref<2x10240x16xf32, #tpu.memory_space<hbm>> -> memref<1x128x16xf32, #tpu.memory_space<hbm>>
      %dma_wait3A_68 = tpu.memref_squeeze %dma_wait3A_67 : memref<1x128x16xf32, #tpu.memory_space<hbm>> -> memref<128x16xf32, #tpu.memory_space<hbm>>
      tpu.wait_dma2 semaphore(%run_scoped3A : memref<!tpu.dma_semaphore, #tpu.memory_space<semaphore_mem>>) src(%arg6 : memref<128x16xf32, #tpu.memory_space<vmem>>) dst(%dma_wait3A_68 : memref<128x16xf32, #tpu.memory_space<hbm>>)
      tpu.yield
    }) : () -> ()
    %add3A_43 = arith.constant 128 : i32
    %add3A_44 = arith.addi %mul3A_7, %add3A_43 : i32
    "tpu.region"() ({
      %run_scoped3A = tpu.sem_alloc : memref<!tpu.dma_semaphore, #tpu.memory_space<semaphore_mem>>
      %dma_start3A = arith.constant 0 : i32
      %dma_start3A_59 = tpu.memref_slice %arg7[%add3A_44, %dma_start3A] : memref<10240x16xf32, #tpu.memory_space<vmem_shared>> -> memref<128x16xf32, #tpu.memory_space<vmem_shared>>
      %dma_start3A_60 = arith.constant 0 : i32
      %dma_start3A_61 = tpu.memref_slice %arg7[%add3A_44, %dma_start3A_60] : memref<10240x16xf32, #tpu.memory_space<vmem_shared>> -> memref<128x16xf32, #tpu.memory_space<vmem_shared>>
      tpu.enqueue_dma source(%dma_start3A_61 : memref<128x16xf32, #tpu.memory_space<vmem_shared>>) target(%arg6 : memref<128x16xf32, #tpu.memory_space<vmem>>) target_semaphore(%run_scoped3A : memref<!tpu.dma_semaphore, #tpu.memory_space<semaphore_mem>>)
      %dma_wait3A = arith.constant 0 : i32
      %dma_wait3A_62 = tpu.memref_slice %arg7[%add3A_44, %dma_wait3A] : memref<10240x16xf32, #tpu.memory_space<vmem_shared>> -> memref<128x16xf32, #tpu.memory_space<vmem_shared>>
      %dma_wait3A_63 = arith.constant 0 : i32
      %dma_wait3A_64 = tpu.memref_slice %arg7[%add3A_44, %dma_wait3A_63] : memref<10240x16xf32, #tpu.memory_space<vmem_shared>> -> memref<128x16xf32, #tpu.memory_space<vmem_shared>>
      tpu.wait_dma2 semaphore(%run_scoped3A : memref<!tpu.dma_semaphore, #tpu.memory_space<semaphore_mem>>) src(%dma_wait3A_64 : memref<128x16xf32, #tpu.memory_space<vmem_shared>>) dst(%arg6 : memref<128x16xf32, #tpu.memory_space<vmem>>)
      tpu.yield
    }) : () -> ()
    %add3A_45 = arith.constant 128 : i32
    %add3A_46 = arith.addi %mul3A_7, %add3A_45 : i32
    "tpu.region"() ({
      %run_scoped3A = tpu.sem_alloc : memref<!tpu.dma_semaphore, #tpu.memory_space<semaphore_mem>>
      %dma_start3A = arith.constant 0 : i32
      %dma_start3A_59 = tpu.memref_slice %arg3[%arg0, %add3A_46, %dma_start3A] : memref<2x10240x16xf32, #tpu.memory_space<hbm>> -> memref<1x128x16xf32, #tpu.memory_space<hbm>>
      %dma_start3A_60 = tpu.memref_squeeze %dma_start3A_59 : memref<1x128x16xf32, #tpu.memory_space<hbm>> -> memref<128x16xf32, #tpu.memory_space<hbm>>
      %dma_start3A_61 = arith.constant 0 : i32
      %dma_start3A_62 = tpu.memref_slice %arg3[%arg0, %add3A_46, %dma_start3A_61] : memref<2x10240x16xf32, #tpu.memory_space<hbm>> -> memref<1x128x16xf32, #tpu.memory_space<hbm>>
      %dma_start3A_63 = tpu.memref_squeeze %dma_start3A_62 : memref<1x128x16xf32, #tpu.memory_space<hbm>> -> memref<128x16xf32, #tpu.memory_space<hbm>>
      tpu.enqueue_dma source(%arg6 : memref<128x16xf32, #tpu.memory_space<vmem>>) target(%dma_start3A_63 : memref<128x16xf32, #tpu.memory_space<hbm>>) target_semaphore(%run_scoped3A : memref<!tpu.dma_semaphore, #tpu.memory_space<semaphore_mem>>)
      %dma_wait3A = arith.constant 0 : i32
      %dma_wait3A_64 = tpu.memref_slice %arg3[%arg0, %add3A_46, %dma_wait3A] : memref<2x10240x16xf32, #tpu.memory_space<hbm>> -> memref<1x128x16xf32, #tpu.memory_space<hbm>>
      %dma_wait3A_65 = tpu.memref_squeeze %dma_wait3A_64 : memref<1x128x16xf32, #tpu.memory_space<hbm>> -> memref<128x16xf32, #tpu.memory_space<hbm>>
      %dma_wait3A_66 = arith.constant 0 : i32
      %dma_wait3A_67 = tpu.memref_slice %arg3[%arg0, %add3A_46, %dma_wait3A_66] : memref<2x10240x16xf32, #tpu.memory_space<hbm>> -> memref<1x128x16xf32, #tpu.memory_space<hbm>>
      %dma_wait3A_68 = tpu.memref_squeeze %dma_wait3A_67 : memref<1x128x16xf32, #tpu.memory_space<hbm>> -> memref<128x16xf32, #tpu.memory_space<hbm>>
      tpu.wait_dma2 semaphore(%run_scoped3A : memref<!tpu.dma_semaphore, #tpu.memory_space<semaphore_mem>>) src(%arg6 : memref<128x16xf32, #tpu.memory_space<vmem>>) dst(%dma_wait3A_68 : memref<128x16xf32, #tpu.memory_space<hbm>>)
      tpu.yield
    }) : () -> ()
    %add3A_47 = arith.constant 256 : i32
    %add3A_48 = arith.addi %mul3A_7, %add3A_47 : i32
    "tpu.region"() ({
      %run_scoped3A = tpu.sem_alloc : memref<!tpu.dma_semaphore, #tpu.memory_space<semaphore_mem>>
      %dma_start3A = arith.constant 0 : i32
      %dma_start3A_59 = tpu.memref_slice %arg7[%add3A_48, %dma_start3A] : memref<10240x16xf32, #tpu.memory_space<vmem_shared>> -> memref<128x16xf32, #tpu.memory_space<vmem_shared>>
      %dma_start3A_60 = arith.constant 0 : i32
      %dma_start3A_61 = tpu.memref_slice %arg7[%add3A_48, %dma_start3A_60] : memref<10240x16xf32, #tpu.memory_space<vmem_shared>> -> memref<128x16xf32, #tpu.memory_space<vmem_shared>>
      tpu.enqueue_dma source(%dma_start3A_61 : memref<128x16xf32, #tpu.memory_space<vmem_shared>>) target(%arg6 : memref<128x16xf32, #tpu.memory_space<vmem>>) target_semaphore(%run_scoped3A : memref<!tpu.dma_semaphore, #tpu.memory_space<semaphore_mem>>)
      %dma_wait3A = arith.constant 0 : i32
      %dma_wait3A_62 = tpu.memref_slice %arg7[%add3A_48, %dma_wait3A] : memref<10240x16xf32, #tpu.memory_space<vmem_shared>> -> memref<128x16xf32, #tpu.memory_space<vmem_shared>>
      %dma_wait3A_63 = arith.constant 0 : i32
      %dma_wait3A_64 = tpu.memref_slice %arg7[%add3A_48, %dma_wait3A_63] : memref<10240x16xf32, #tpu.memory_space<vmem_shared>> -> memref<128x16xf32, #tpu.memory_space<vmem_shared>>
      tpu.wait_dma2 semaphore(%run_scoped3A : memref<!tpu.dma_semaphore, #tpu.memory_space<semaphore_mem>>) src(%dma_wait3A_64 : memref<128x16xf32, #tpu.memory_space<vmem_shared>>) dst(%arg6 : memref<128x16xf32, #tpu.memory_space<vmem>>)
      tpu.yield
    }) : () -> ()
    %add3A_49 = arith.constant 256 : i32
    %add3A_50 = arith.addi %mul3A_7, %add3A_49 : i32
    "tpu.region"() ({
      %run_scoped3A = tpu.sem_alloc : memref<!tpu.dma_semaphore, #tpu.memory_space<semaphore_mem>>
      %dma_start3A = arith.constant 0 : i32
      %dma_start3A_59 = tpu.memref_slice %arg3[%arg0, %add3A_50, %dma_start3A] : memref<2x10240x16xf32, #tpu.memory_space<hbm>> -> memref<1x128x16xf32, #tpu.memory_space<hbm>>
      %dma_start3A_60 = tpu.memref_squeeze %dma_start3A_59 : memref<1x128x16xf32, #tpu.memory_space<hbm>> -> memref<128x16xf32, #tpu.memory_space<hbm>>
      %dma_start3A_61 = arith.constant 0 : i32
      %dma_start3A_62 = tpu.memref_slice %arg3[%arg0, %add3A_50, %dma_start3A_61] : memref<2x10240x16xf32, #tpu.memory_space<hbm>> -> memref<1x128x16xf32, #tpu.memory_space<hbm>>
      %dma_start3A_63 = tpu.memref_squeeze %dma_start3A_62 : memref<1x128x16xf32, #tpu.memory_space<hbm>> -> memref<128x16xf32, #tpu.memory_space<hbm>>
      tpu.enqueue_dma source(%arg6 : memref<128x16xf32, #tpu.memory_space<vmem>>) target(%dma_start3A_63 : memref<128x16xf32, #tpu.memory_space<hbm>>) target_semaphore(%run_scoped3A : memref<!tpu.dma_semaphore, #tpu.memory_space<semaphore_mem>>)
      %dma_wait3A = arith.constant 0 : i32
      %dma_wait3A_64 = tpu.memref_slice %arg3[%arg0, %add3A_50, %dma_wait3A] : memref<2x10240x16xf32, #tpu.memory_space<hbm>> -> memref<1x128x16xf32, #tpu.memory_space<hbm>>
      %dma_wait3A_65 = tpu.memref_squeeze %dma_wait3A_64 : memref<1x128x16xf32, #tpu.memory_space<hbm>> -> memref<128x16xf32, #tpu.memory_space<hbm>>
      %dma_wait3A_66 = arith.constant 0 : i32
      %dma_wait3A_67 = tpu.memref_slice %arg3[%arg0, %add3A_50, %dma_wait3A_66] : memref<2x10240x16xf32, #tpu.memory_space<hbm>> -> memref<1x128x16xf32, #tpu.memory_space<hbm>>
      %dma_wait3A_68 = tpu.memref_squeeze %dma_wait3A_67 : memref<1x128x16xf32, #tpu.memory_space<hbm>> -> memref<128x16xf32, #tpu.memory_space<hbm>>
      tpu.wait_dma2 semaphore(%run_scoped3A : memref<!tpu.dma_semaphore, #tpu.memory_space<semaphore_mem>>) src(%arg6 : memref<128x16xf32, #tpu.memory_space<vmem>>) dst(%dma_wait3A_68 : memref<128x16xf32, #tpu.memory_space<hbm>>)
      tpu.yield
    }) : () -> ()
    %add3A_51 = arith.constant 384 : i32
    %add3A_52 = arith.addi %mul3A_7, %add3A_51 : i32
    "tpu.region"() ({
      %run_scoped3A = tpu.sem_alloc : memref<!tpu.dma_semaphore, #tpu.memory_space<semaphore_mem>>
      %dma_start3A = arith.constant 0 : i32
      %dma_start3A_59 = tpu.memref_slice %arg7[%add3A_52, %dma_start3A] : memref<10240x16xf32, #tpu.memory_space<vmem_shared>> -> memref<128x16xf32, #tpu.memory_space<vmem_shared>>
      %dma_start3A_60 = arith.constant 0 : i32
      %dma_start3A_61 = tpu.memref_slice %arg7[%add3A_52, %dma_start3A_60] : memref<10240x16xf32, #tpu.memory_space<vmem_shared>> -> memref<128x16xf32, #tpu.memory_space<vmem_shared>>
      tpu.enqueue_dma source(%dma_start3A_61 : memref<128x16xf32, #tpu.memory_space<vmem_shared>>) target(%arg6 : memref<128x16xf32, #tpu.memory_space<vmem>>) target_semaphore(%run_scoped3A : memref<!tpu.dma_semaphore, #tpu.memory_space<semaphore_mem>>)
      %dma_wait3A = arith.constant 0 : i32
      %dma_wait3A_62 = tpu.memref_slice %arg7[%add3A_52, %dma_wait3A] : memref<10240x16xf32, #tpu.memory_space<vmem_shared>> -> memref<128x16xf32, #tpu.memory_space<vmem_shared>>
      %dma_wait3A_63 = arith.constant 0 : i32
      %dma_wait3A_64 = tpu.memref_slice %arg7[%add3A_52, %dma_wait3A_63] : memref<10240x16xf32, #tpu.memory_space<vmem_shared>> -> memref<128x16xf32, #tpu.memory_space<vmem_shared>>
      tpu.wait_dma2 semaphore(%run_scoped3A : memref<!tpu.dma_semaphore, #tpu.memory_space<semaphore_mem>>) src(%dma_wait3A_64 : memref<128x16xf32, #tpu.memory_space<vmem_shared>>) dst(%arg6 : memref<128x16xf32, #tpu.memory_space<vmem>>)
      tpu.yield
    }) : () -> ()
    %add3A_53 = arith.constant 384 : i32
    %add3A_54 = arith.addi %mul3A_7, %add3A_53 : i32
    "tpu.region"() ({
      %run_scoped3A = tpu.sem_alloc : memref<!tpu.dma_semaphore, #tpu.memory_space<semaphore_mem>>
      %dma_start3A = arith.constant 0 : i32
      %dma_start3A_59 = tpu.memref_slice %arg3[%arg0, %add3A_54, %dma_start3A] : memref<2x10240x16xf32, #tpu.memory_space<hbm>> -> memref<1x128x16xf32, #tpu.memory_space<hbm>>
      %dma_start3A_60 = tpu.memref_squeeze %dma_start3A_59 : memref<1x128x16xf32, #tpu.memory_space<hbm>> -> memref<128x16xf32, #tpu.memory_space<hbm>>
      %dma_start3A_61 = arith.constant 0 : i32
      %dma_start3A_62 = tpu.memref_slice %arg3[%arg0, %add3A_54, %dma_start3A_61] : memref<2x10240x16xf32, #tpu.memory_space<hbm>> -> memref<1x128x16xf32, #tpu.memory_space<hbm>>
      %dma_start3A_63 = tpu.memref_squeeze %dma_start3A_62 : memref<1x128x16xf32, #tpu.memory_space<hbm>> -> memref<128x16xf32, #tpu.memory_space<hbm>>
      tpu.enqueue_dma source(%arg6 : memref<128x16xf32, #tpu.memory_space<vmem>>) target(%dma_start3A_63 : memref<128x16xf32, #tpu.memory_space<hbm>>) target_semaphore(%run_scoped3A : memref<!tpu.dma_semaphore, #tpu.memory_space<semaphore_mem>>)
      %dma_wait3A = arith.constant 0 : i32
      %dma_wait3A_64 = tpu.memref_slice %arg3[%arg0, %add3A_54, %dma_wait3A] : memref<2x10240x16xf32, #tpu.memory_space<hbm>> -> memref<1x128x16xf32, #tpu.memory_space<hbm>>
      %dma_wait3A_65 = tpu.memref_squeeze %dma_wait3A_64 : memref<1x128x16xf32, #tpu.memory_space<hbm>> -> memref<128x16xf32, #tpu.memory_space<hbm>>
      %dma_wait3A_66 = arith.constant 0 : i32
      %dma_wait3A_67 = tpu.memref_slice %arg3[%arg0, %add3A_54, %dma_wait3A_66] : memref<2x10240x16xf32, #tpu.memory_space<hbm>> -> memref<1x128x16xf32, #tpu.memory_space<hbm>>
      %dma_wait3A_68 = tpu.memref_squeeze %dma_wait3A_67 : memref<1x128x16xf32, #tpu.memory_space<hbm>> -> memref<128x16xf32, #tpu.memory_space<hbm>>
      tpu.wait_dma2 semaphore(%run_scoped3A : memref<!tpu.dma_semaphore, #tpu.memory_space<semaphore_mem>>) src(%arg6 : memref<128x16xf32, #tpu.memory_space<vmem>>) dst(%dma_wait3A_68 : memref<128x16xf32, #tpu.memory_space<hbm>>)
      tpu.yield
    }) : () -> ()
    %add3A_55 = arith.constant 512 : i32
    %add3A_56 = arith.addi %mul3A_7, %add3A_55 : i32
    "tpu.region"() ({
      %run_scoped3A = tpu.sem_alloc : memref<!tpu.dma_semaphore, #tpu.memory_space<semaphore_mem>>
      %dma_start3A = arith.constant 0 : i32
      %dma_start3A_59 = tpu.memref_slice %arg7[%add3A_56, %dma_start3A] : memref<10240x16xf32, #tpu.memory_space<vmem_shared>> -> memref<128x16xf32, #tpu.memory_space<vmem_shared>>
      %dma_start3A_60 = arith.constant 0 : i32
      %dma_start3A_61 = tpu.memref_slice %arg7[%add3A_56, %dma_start3A_60] : memref<10240x16xf32, #tpu.memory_space<vmem_shared>> -> memref<128x16xf32, #tpu.memory_space<vmem_shared>>
      tpu.enqueue_dma source(%dma_start3A_61 : memref<128x16xf32, #tpu.memory_space<vmem_shared>>) target(%arg6 : memref<128x16xf32, #tpu.memory_space<vmem>>) target_semaphore(%run_scoped3A : memref<!tpu.dma_semaphore, #tpu.memory_space<semaphore_mem>>)
      %dma_wait3A = arith.constant 0 : i32
      %dma_wait3A_62 = tpu.memref_slice %arg7[%add3A_56, %dma_wait3A] : memref<10240x16xf32, #tpu.memory_space<vmem_shared>> -> memref<128x16xf32, #tpu.memory_space<vmem_shared>>
      %dma_wait3A_63 = arith.constant 0 : i32
      %dma_wait3A_64 = tpu.memref_slice %arg7[%add3A_56, %dma_wait3A_63] : memref<10240x16xf32, #tpu.memory_space<vmem_shared>> -> memref<128x16xf32, #tpu.memory_space<vmem_shared>>
      tpu.wait_dma2 semaphore(%run_scoped3A : memref<!tpu.dma_semaphore, #tpu.memory_space<semaphore_mem>>) src(%dma_wait3A_64 : memref<128x16xf32, #tpu.memory_space<vmem_shared>>) dst(%arg6 : memref<128x16xf32, #tpu.memory_space<vmem>>)
      tpu.yield
    }) : () -> ()
    %add3A_57 = arith.constant 512 : i32
    %add3A_58 = arith.addi %mul3A_7, %add3A_57 : i32
    "tpu.region"() ({
      %run_scoped3A = tpu.sem_alloc : memref<!tpu.dma_semaphore, #tpu.memory_space<semaphore_mem>>
      %dma_start3A = arith.constant 0 : i32
      %dma_start3A_59 = tpu.memref_slice %arg3[%arg0, %add3A_58, %dma_start3A] : memref<2x10240x16xf32, #tpu.memory_space<hbm>> -> memref<1x128x16xf32, #tpu.memory_space<hbm>>
      %dma_start3A_60 = tpu.memref_squeeze %dma_start3A_59 : memref<1x128x16xf32, #tpu.memory_space<hbm>> -> memref<128x16xf32, #tpu.memory_space<hbm>>
      %dma_start3A_61 = arith.constant 0 : i32
      %dma_start3A_62 = tpu.memref_slice %arg3[%arg0, %add3A_58, %dma_start3A_61] : memref<2x10240x16xf32, #tpu.memory_space<hbm>> -> memref<1x128x16xf32, #tpu.memory_space<hbm>>
      %dma_start3A_63 = tpu.memref_squeeze %dma_start3A_62 : memref<1x128x16xf32, #tpu.memory_space<hbm>> -> memref<128x16xf32, #tpu.memory_space<hbm>>
      tpu.enqueue_dma source(%arg6 : memref<128x16xf32, #tpu.memory_space<vmem>>) target(%dma_start3A_63 : memref<128x16xf32, #tpu.memory_space<hbm>>) target_semaphore(%run_scoped3A : memref<!tpu.dma_semaphore, #tpu.memory_space<semaphore_mem>>)
      %dma_wait3A = arith.constant 0 : i32
      %dma_wait3A_64 = tpu.memref_slice %arg3[%arg0, %add3A_58, %dma_wait3A] : memref<2x10240x16xf32, #tpu.memory_space<hbm>> -> memref<1x128x16xf32, #tpu.memory_space<hbm>>
      %dma_wait3A_65 = tpu.memref_squeeze %dma_wait3A_64 : memref<1x128x16xf32, #tpu.memory_space<hbm>> -> memref<128x16xf32, #tpu.memory_space<hbm>>
      %dma_wait3A_66 = arith.constant 0 : i32
      %dma_wait3A_67 = tpu.memref_slice %arg3[%arg0, %add3A_58, %dma_wait3A_66] : memref<2x10240x16xf32, #tpu.memory_space<hbm>> -> memref<1x128x16xf32, #tpu.memory_space<hbm>>
      %dma_wait3A_68 = tpu.memref_squeeze %dma_wait3A_67 : memref<1x128x16xf32, #tpu.memory_space<hbm>> -> memref<128x16xf32, #tpu.memory_space<hbm>>
      tpu.wait_dma2 semaphore(%run_scoped3A : memref<!tpu.dma_semaphore, #tpu.memory_space<semaphore_mem>>) src(%arg6 : memref<128x16xf32, #tpu.memory_space<vmem>>) dst(%dma_wait3A_68 : memref<128x16xf32, #tpu.memory_space<hbm>>)
      tpu.yield
    }) : () -> ()
    return
  }
}

#map = affine_map<(d0, d1) -> (0, 0)>
#map1 = affine_map<(d0, d1) -> (0, 0, 0)>
module attributes {stable_mosaic.version = 14 : i64} {
  func.func @agg_kernel(%arg0: i32, %arg1: i32, %arg2: memref<10000x64xf32, #tpu.memory_space<hbm>>, %arg3: memref<2560x125xi32, #tpu.memory_space<hbm>>, %arg4: memref<2560x125xi32, #tpu.memory_space<hbm>>, %arg5: memref<2x10240x64xf32, #tpu.memory_space<hbm>>, %arg6: memref<80x125xi32, #tpu.memory_space<vmem>>, %arg7: memref<80x125xi32, #tpu.memory_space<vmem>>, %arg8: memref<125x64xf32, #tpu.memory_space<vmem>>, %arg9: memref<128x64xf32, #tpu.memory_space<vmem>>, %arg10: memref<10240x64xf32, #tpu.memory_space<vmem_shared>>, %arg11: memref<!tpu.dma_semaphore, #tpu.memory_space<semaphore_mem>>) attributes {dimension_semantics = [#tpu.dimension_semantics<core_parallel>, #tpu.dimension_semantics<subcore_parallel>], iteration_bounds = array<i64: 2, 16>, scalar_prefetch = 0 : i64, scratch_operands = 6 : i64, tpu.core_type = #tpu.core_type<sc_vector_subcore>, window_params = [{transform_indices = #map}, {transform_indices = #map}, {transform_indices = #map}, {transform_indices = #map1}]} {
    %broadcast_in_dim3A = arith.constant 0.000000e+00 : f32
    %broadcast_in_dim3A_0 = vector.broadcast %broadcast_in_dim3A : f32 to vector<16xf32>
    %scan3A = arith.constant 0 : i32
    %scan3A_1 = arith.constant 0 : i32
    %scan3A_2 = arith.constant 128 : i32
    %scan3A_3 = arith.addi %scan3A_1, %scan3A_2 : i32
    %scan3A_4 = arith.constant 1 : i32
    %scan3A_5 = scf.for %scan3A_50 = %scan3A_1 to %scan3A_3 step %scan3A_4 iter_args(%scan3A_51 = %scan3A) -> (i32)  : i32 {
      %scan3A_52 = arith.constant 0 : i32
      %scan3A_53 = arith.constant 0 : i32
      %scan3A_54 = arith.constant 4 : i32
      %scan3A_55 = arith.addi %scan3A_53, %scan3A_54 : i32
      %scan3A_56 = arith.constant 1 : i32
      %scan3A_57 = scf.for %scan3A_59 = %scan3A_53 to %scan3A_55 step %scan3A_56 iter_args(%scan3A_60 = %scan3A_52) -> (i32)  : i32 {
        %mul3A_61 = arith.constant 16 : i32
        %mul3A_62 = arith.muli %scan3A_59, %mul3A_61 : i32
        %swap3A = arith.index_cast %scan3A_50 : i32 to index
        %swap3A_63 = arith.index_cast %mul3A_62 : i32 to index
        %swap3A_64 = tpu.vector_load %arg9[%swap3A, %swap3A_63] {strides = array<i32>} : memref<128x64xf32, #tpu.memory_space<vmem>>, vector<1x16xf32>,
        %swap3A_65 = vector.shape_cast %swap3A_64 : vector<1x16xf32> to vector<16xf32>
        %swap3A_66 = vector.shape_cast %broadcast_in_dim3A_0 : vector<16xf32> to vector<1x16xf32>
        tpu.vector_store %arg9[%swap3A, %swap3A_63], %swap3A_66 {strides = array<i32>} : memref<128x64xf32, #tpu.memory_space<vmem>>, vector<1x16xf32>,
        %scan3A_67 = arith.constant 0 : i32
        scf.yield %scan3A_67 : i32
      }
      %scan3A_58 = arith.constant 4 : i32
      scf.yield %scan3A_57 : i32
    }
    %scan3A_6 = arith.constant 128 : i32
    %mul3A = arith.constant 640 : i32
    %mul3A_7 = arith.muli %arg1, %mul3A : i32
    %add3A = arith.constant 0 : i32
    %add3A_8 = arith.addi %mul3A_7, %add3A : i32
    "tpu.region"() ({
      %run_scoped3A = tpu.sem_alloc : memref<!tpu.dma_semaphore, #tpu.memory_space<semaphore_mem>>
      %dma_start3A = arith.constant 0 : i32
      %dma_start3A_50 = tpu.memref_slice %arg10[%add3A_8, %dma_start3A] : memref<10240x64xf32, #tpu.memory_space<vmem_shared>> -> memref<128x64xf32, #tpu.memory_space<vmem_shared>>
      %dma_start3A_51 = arith.constant 0 : i32
      %dma_start3A_52 = tpu.memref_slice %arg10[%add3A_8, %dma_start3A_51] : memref<10240x64xf32, #tpu.memory_space<vmem_shared>> -> memref<128x64xf32, #tpu.memory_space<vmem_shared>>
      tpu.enqueue_dma source(%arg9 : memref<128x64xf32, #tpu.memory_space<vmem>>) target(%dma_start3A_52 : memref<128x64xf32, #tpu.memory_space<vmem_shared>>) target_semaphore(%run_scoped3A : memref<!tpu.dma_semaphore, #tpu.memory_space<semaphore_mem>>)
      %dma_wait3A = arith.constant 0 : i32
      %dma_wait3A_53 = tpu.memref_slice %arg10[%add3A_8, %dma_wait3A] : memref<10240x64xf32, #tpu.memory_space<vmem_shared>> -> memref<128x64xf32, #tpu.memory_space<vmem_shared>>
      %dma_wait3A_54 = arith.constant 0 : i32
      %dma_wait3A_55 = tpu.memref_slice %arg10[%add3A_8, %dma_wait3A_54] : memref<10240x64xf32, #tpu.memory_space<vmem_shared>> -> memref<128x64xf32, #tpu.memory_space<vmem_shared>>
      tpu.wait_dma2 semaphore(%run_scoped3A : memref<!tpu.dma_semaphore, #tpu.memory_space<semaphore_mem>>) src(%arg9 : memref<128x64xf32, #tpu.memory_space<vmem>>) dst(%dma_wait3A_55 : memref<128x64xf32, #tpu.memory_space<vmem_shared>>)
      tpu.yield
    }) : () -> ()
    %add3A_9 = arith.constant 128 : i32
    %add3A_10 = arith.addi %mul3A_7, %add3A_9 : i32
    "tpu.region"() ({
      %run_scoped3A = tpu.sem_alloc : memref<!tpu.dma_semaphore, #tpu.memory_space<semaphore_mem>>
      %dma_start3A = arith.constant 0 : i32
      %dma_start3A_50 = tpu.memref_slice %arg10[%add3A_10, %dma_start3A] : memref<10240x64xf32, #tpu.memory_space<vmem_shared>> -> memref<128x64xf32, #tpu.memory_space<vmem_shared>>
      %dma_start3A_51 = arith.constant 0 : i32
      %dma_start3A_52 = tpu.memref_slice %arg10[%add3A_10, %dma_start3A_51] : memref<10240x64xf32, #tpu.memory_space<vmem_shared>> -> memref<128x64xf32, #tpu.memory_space<vmem_shared>>
      tpu.enqueue_dma source(%arg9 : memref<128x64xf32, #tpu.memory_space<vmem>>) target(%dma_start3A_52 : memref<128x64xf32, #tpu.memory_space<vmem_shared>>) target_semaphore(%run_scoped3A : memref<!tpu.dma_semaphore, #tpu.memory_space<semaphore_mem>>)
      %dma_wait3A = arith.constant 0 : i32
      %dma_wait3A_53 = tpu.memref_slice %arg10[%add3A_10, %dma_wait3A] : memref<10240x64xf32, #tpu.memory_space<vmem_shared>> -> memref<128x64xf32, #tpu.memory_space<vmem_shared>>
      %dma_wait3A_54 = arith.constant 0 : i32
      %dma_wait3A_55 = tpu.memref_slice %arg10[%add3A_10, %dma_wait3A_54] : memref<10240x64xf32, #tpu.memory_space<vmem_shared>> -> memref<128x64xf32, #tpu.memory_space<vmem_shared>>
      tpu.wait_dma2 semaphore(%run_scoped3A : memref<!tpu.dma_semaphore, #tpu.memory_space<semaphore_mem>>) src(%arg9 : memref<128x64xf32, #tpu.memory_space<vmem>>) dst(%dma_wait3A_55 : memref<128x64xf32, #tpu.memory_space<vmem_shared>>)
      tpu.yield
    }) : () -> ()
    %add3A_11 = arith.constant 256 : i32
    %add3A_12 = arith.addi %mul3A_7, %add3A_11 : i32
    "tpu.region"() ({
      %run_scoped3A = tpu.sem_alloc : memref<!tpu.dma_semaphore, #tpu.memory_space<semaphore_mem>>
      %dma_start3A = arith.constant 0 : i32
      %dma_start3A_50 = tpu.memref_slice %arg10[%add3A_12, %dma_start3A] : memref<10240x64xf32, #tpu.memory_space<vmem_shared>> -> memref<128x64xf32, #tpu.memory_space<vmem_shared>>
      %dma_start3A_51 = arith.constant 0 : i32
      %dma_start3A_52 = tpu.memref_slice %arg10[%add3A_12, %dma_start3A_51] : memref<10240x64xf32, #tpu.memory_space<vmem_shared>> -> memref<128x64xf32, #tpu.memory_space<vmem_shared>>
      tpu.enqueue_dma source(%arg9 : memref<128x64xf32, #tpu.memory_space<vmem>>) target(%dma_start3A_52 : memref<128x64xf32, #tpu.memory_space<vmem_shared>>) target_semaphore(%run_scoped3A : memref<!tpu.dma_semaphore, #tpu.memory_space<semaphore_mem>>)
      %dma_wait3A = arith.constant 0 : i32
      %dma_wait3A_53 = tpu.memref_slice %arg10[%add3A_12, %dma_wait3A] : memref<10240x64xf32, #tpu.memory_space<vmem_shared>> -> memref<128x64xf32, #tpu.memory_space<vmem_shared>>
      %dma_wait3A_54 = arith.constant 0 : i32
      %dma_wait3A_55 = tpu.memref_slice %arg10[%add3A_12, %dma_wait3A_54] : memref<10240x64xf32, #tpu.memory_space<vmem_shared>> -> memref<128x64xf32, #tpu.memory_space<vmem_shared>>
      tpu.wait_dma2 semaphore(%run_scoped3A : memref<!tpu.dma_semaphore, #tpu.memory_space<semaphore_mem>>) src(%arg9 : memref<128x64xf32, #tpu.memory_space<vmem>>) dst(%dma_wait3A_55 : memref<128x64xf32, #tpu.memory_space<vmem_shared>>)
      tpu.yield
    }) : () -> ()
    %add3A_13 = arith.constant 384 : i32
    %add3A_14 = arith.addi %mul3A_7, %add3A_13 : i32
    "tpu.region"() ({
      %run_scoped3A = tpu.sem_alloc : memref<!tpu.dma_semaphore, #tpu.memory_space<semaphore_mem>>
      %dma_start3A = arith.constant 0 : i32
      %dma_start3A_50 = tpu.memref_slice %arg10[%add3A_14, %dma_start3A] : memref<10240x64xf32, #tpu.memory_space<vmem_shared>> -> memref<128x64xf32, #tpu.memory_space<vmem_shared>>
      %dma_start3A_51 = arith.constant 0 : i32
      %dma_start3A_52 = tpu.memref_slice %arg10[%add3A_14, %dma_start3A_51] : memref<10240x64xf32, #tpu.memory_space<vmem_shared>> -> memref<128x64xf32, #tpu.memory_space<vmem_shared>>
      tpu.enqueue_dma source(%arg9 : memref<128x64xf32, #tpu.memory_space<vmem>>) target(%dma_start3A_52 : memref<128x64xf32, #tpu.memory_space<vmem_shared>>) target_semaphore(%run_scoped3A : memref<!tpu.dma_semaphore, #tpu.memory_space<semaphore_mem>>)
      %dma_wait3A = arith.constant 0 : i32
      %dma_wait3A_53 = tpu.memref_slice %arg10[%add3A_14, %dma_wait3A] : memref<10240x64xf32, #tpu.memory_space<vmem_shared>> -> memref<128x64xf32, #tpu.memory_space<vmem_shared>>
      %dma_wait3A_54 = arith.constant 0 : i32
      %dma_wait3A_55 = tpu.memref_slice %arg10[%add3A_14, %dma_wait3A_54] : memref<10240x64xf32, #tpu.memory_space<vmem_shared>> -> memref<128x64xf32, #tpu.memory_space<vmem_shared>>
      tpu.wait_dma2 semaphore(%run_scoped3A : memref<!tpu.dma_semaphore, #tpu.memory_space<semaphore_mem>>) src(%arg9 : memref<128x64xf32, #tpu.memory_space<vmem>>) dst(%dma_wait3A_55 : memref<128x64xf32, #tpu.memory_space<vmem_shared>>)
      tpu.yield
    }) : () -> ()
    %add3A_15 = arith.constant 512 : i32
    %add3A_16 = arith.addi %mul3A_7, %add3A_15 : i32
    "tpu.region"() ({
      %run_scoped3A = tpu.sem_alloc : memref<!tpu.dma_semaphore, #tpu.memory_space<semaphore_mem>>
      %dma_start3A = arith.constant 0 : i32
      %dma_start3A_50 = tpu.memref_slice %arg10[%add3A_16, %dma_start3A] : memref<10240x64xf32, #tpu.memory_space<vmem_shared>> -> memref<128x64xf32, #tpu.memory_space<vmem_shared>>
      %dma_start3A_51 = arith.constant 0 : i32
      %dma_start3A_52 = tpu.memref_slice %arg10[%add3A_16, %dma_start3A_51] : memref<10240x64xf32, #tpu.memory_space<vmem_shared>> -> memref<128x64xf32, #tpu.memory_space<vmem_shared>>
      tpu.enqueue_dma source(%arg9 : memref<128x64xf32, #tpu.memory_space<vmem>>) target(%dma_start3A_52 : memref<128x64xf32, #tpu.memory_space<vmem_shared>>) target_semaphore(%run_scoped3A : memref<!tpu.dma_semaphore, #tpu.memory_space<semaphore_mem>>)
      %dma_wait3A = arith.constant 0 : i32
      %dma_wait3A_53 = tpu.memref_slice %arg10[%add3A_16, %dma_wait3A] : memref<10240x64xf32, #tpu.memory_space<vmem_shared>> -> memref<128x64xf32, #tpu.memory_space<vmem_shared>>
      %dma_wait3A_54 = arith.constant 0 : i32
      %dma_wait3A_55 = tpu.memref_slice %arg10[%add3A_16, %dma_wait3A_54] : memref<10240x64xf32, #tpu.memory_space<vmem_shared>> -> memref<128x64xf32, #tpu.memory_space<vmem_shared>>
      tpu.wait_dma2 semaphore(%run_scoped3A : memref<!tpu.dma_semaphore, #tpu.memory_space<semaphore_mem>>) src(%arg9 : memref<128x64xf32, #tpu.memory_space<vmem>>) dst(%dma_wait3A_55 : memref<128x64xf32, #tpu.memory_space<vmem_shared>>)
      tpu.yield
    }) : () -> ()
    %mul3A_17 = arith.constant 16 : i32
    %mul3A_18 = arith.muli %arg0, %mul3A_17 : i32
    %add3A_19 = arith.addi %mul3A_18, %arg1 : i32
    %mul3A_20 = arith.constant 80 : i32
    %mul3A_21 = arith.muli %add3A_19, %mul3A_20 : i32
    "tpu.region"() ({
      %run_scoped3A = tpu.sem_alloc : memref<!tpu.dma_semaphore, #tpu.memory_space<semaphore_mem>>
      %dma_start3A = arith.constant 0 : i32
      %dma_start3A_50 = tpu.memref_slice %arg3[%mul3A_21, %dma_start3A] : memref<2560x125xi32, #tpu.memory_space<hbm>> -> memref<80x125xi32, #tpu.memory_space<hbm>>
      %dma_start3A_51 = arith.constant 0 : i32
      %dma_start3A_52 = tpu.memref_slice %arg3[%mul3A_21, %dma_start3A_51] : memref<2560x125xi32, #tpu.memory_space<hbm>> -> memref<80x125xi32, #tpu.memory_space<hbm>>
      tpu.enqueue_dma source(%dma_start3A_52 : memref<80x125xi32, #tpu.memory_space<hbm>>) target(%arg6 : memref<80x125xi32, #tpu.memory_space<vmem>>) target_semaphore(%run_scoped3A : memref<!tpu.dma_semaphore, #tpu.memory_space<semaphore_mem>>)
      %dma_wait3A = arith.constant 0 : i32
      %dma_wait3A_53 = tpu.memref_slice %arg3[%mul3A_21, %dma_wait3A] : memref<2560x125xi32, #tpu.memory_space<hbm>> -> memref<80x125xi32, #tpu.memory_space<hbm>>
      %dma_wait3A_54 = arith.constant 0 : i32
      %dma_wait3A_55 = tpu.memref_slice %arg3[%mul3A_21, %dma_wait3A_54] : memref<2560x125xi32, #tpu.memory_space<hbm>> -> memref<80x125xi32, #tpu.memory_space<hbm>>
      tpu.wait_dma2 semaphore(%run_scoped3A : memref<!tpu.dma_semaphore, #tpu.memory_space<semaphore_mem>>) src(%dma_wait3A_55 : memref<80x125xi32, #tpu.memory_space<hbm>>) dst(%arg6 : memref<80x125xi32, #tpu.memory_space<vmem>>)
      tpu.yield
    }) : () -> ()
    "tpu.region"() ({
      %run_scoped3A = tpu.sem_alloc : memref<!tpu.dma_semaphore, #tpu.memory_space<semaphore_mem>>
      %dma_start3A = arith.constant 0 : i32
      %dma_start3A_50 = tpu.memref_slice %arg4[%mul3A_21, %dma_start3A] : memref<2560x125xi32, #tpu.memory_space<hbm>> -> memref<80x125xi32, #tpu.memory_space<hbm>>
      %dma_start3A_51 = arith.constant 0 : i32
      %dma_start3A_52 = tpu.memref_slice %arg4[%mul3A_21, %dma_start3A_51] : memref<2560x125xi32, #tpu.memory_space<hbm>> -> memref<80x125xi32, #tpu.memory_space<hbm>>
      tpu.enqueue_dma source(%dma_start3A_52 : memref<80x125xi32, #tpu.memory_space<hbm>>) target(%arg7 : memref<80x125xi32, #tpu.memory_space<vmem>>) target_semaphore(%run_scoped3A : memref<!tpu.dma_semaphore, #tpu.memory_space<semaphore_mem>>)
      %dma_wait3A = arith.constant 0 : i32
      %dma_wait3A_53 = tpu.memref_slice %arg4[%mul3A_21, %dma_wait3A] : memref<2560x125xi32, #tpu.memory_space<hbm>> -> memref<80x125xi32, #tpu.memory_space<hbm>>
      %dma_wait3A_54 = arith.constant 0 : i32
      %dma_wait3A_55 = tpu.memref_slice %arg4[%mul3A_21, %dma_wait3A_54] : memref<2560x125xi32, #tpu.memory_space<hbm>> -> memref<80x125xi32, #tpu.memory_space<hbm>>
      tpu.wait_dma2 semaphore(%run_scoped3A : memref<!tpu.dma_semaphore, #tpu.memory_space<semaphore_mem>>) src(%dma_wait3A_55 : memref<80x125xi32, #tpu.memory_space<hbm>>) dst(%arg7 : memref<80x125xi32, #tpu.memory_space<vmem>>)
      tpu.yield
    }) : () -> ()
    %barrier3A = arith.constant 0 : index
    tpu.barrier barrier_id(%barrier3A)
    %scan3A_22 = arith.constant 0 : i32
    %scan3A_23 = arith.constant 0 : i32
    %scan3A_24 = arith.constant 80 : i32
    %scan3A_25 = arith.addi %scan3A_23, %scan3A_24 : i32
    %scan3A_26 = arith.constant 1 : i32
    %scan3A_27 = scf.for %scan3A_50 = %scan3A_23 to %scan3A_25 step %scan3A_26 iter_args(%scan3A_51 = %scan3A_22) -> (i32)  : i32 {
      %dma_start3A = arith.constant 0 : i32
      %dma_start3A_52 = tpu.memref_slice %arg6[%scan3A_50, %dma_start3A] : memref<80x125xi32, #tpu.memory_space<vmem>> -> memref<1x125xi32, #tpu.memory_space<vmem>>
      %dma_start3A_53 = tpu.memref_squeeze %dma_start3A_52 : memref<1x125xi32, #tpu.memory_space<vmem>> -> memref<125xi32, #tpu.memory_space<vmem>>
      %dma_start3A_54 = arith.constant 0 : i32
      %dma_start3A_55 = arith.constant 0 : i32
      %dma_start3A_56 = tpu.memref_slice %arg2[%dma_start3A_54, %dma_start3A_55] : memref<10000x64xf32, #tpu.memory_space<hbm>> -> memref<10000x64xf32, #tpu.memory_space<hbm>>
      tpu.enqueue_indirect_dma source(%dma_start3A_56 : memref<10000x64xf32, #tpu.memory_space<hbm>>) target(%arg8 : memref<125x64xf32, #tpu.memory_space<vmem>>) offsets(%dma_start3A_53 : memref<125xi32, #tpu.memory_space<vmem>>) semaphore(%arg11 : memref<!tpu.dma_semaphore, #tpu.memory_space<semaphore_mem>>)
      %dma_wait3A = arith.constant 0 : i32
      %dma_wait3A_57 = tpu.memref_slice %arg6[%scan3A_50, %dma_wait3A] : memref<80x125xi32, #tpu.memory_space<vmem>> -> memref<1x125xi32, #tpu.memory_space<vmem>>
      %dma_wait3A_58 = tpu.memref_squeeze %dma_wait3A_57 : memref<1x125xi32, #tpu.memory_space<vmem>> -> memref<125xi32, #tpu.memory_space<vmem>>
      %dma_wait3A_59 = arith.constant 0 : i32
      %dma_wait3A_60 = arith.constant 0 : i32
      %dma_wait3A_61 = tpu.memref_slice %arg2[%dma_wait3A_59, %dma_wait3A_60] : memref<10000x64xf32, #tpu.memory_space<hbm>> -> memref<10000x64xf32, #tpu.memory_space<hbm>>
      tpu.wait_indirect_dma semaphore(%arg11 : memref<!tpu.dma_semaphore, #tpu.memory_space<semaphore_mem>>) src(%dma_wait3A_61 : memref<10000x64xf32, #tpu.memory_space<hbm>>) dst(%arg8 : memref<125x64xf32, #tpu.memory_space<vmem>>)
      "tpu.region"() ({
        %run_scoped3A = tpu.sem_alloc : memref<!tpu.dma_semaphore, #tpu.memory_space<semaphore_mem>>
        %dma_start3A_63 = arith.constant 0 : i32
        %dma_start3A_64 = tpu.memref_slice %arg7[%scan3A_50, %dma_start3A_63] : memref<80x125xi32, #tpu.memory_space<vmem>> -> memref<1x125xi32, #tpu.memory_space<vmem>>
        %dma_start3A_65 = tpu.memref_squeeze %dma_start3A_64 : memref<1x125xi32, #tpu.memory_space<vmem>> -> memref<125xi32, #tpu.memory_space<vmem>>
        %dma_start3A_66 = arith.constant 0 : i32
        %dma_start3A_67 = arith.constant 0 : i32
        %dma_start3A_68 = tpu.memref_slice %arg10[%dma_start3A_66, %dma_start3A_67] : memref<10240x64xf32, #tpu.memory_space<vmem_shared>> -> memref<10240x64xf32, #tpu.memory_space<vmem_shared>>
        tpu.enqueue_indirect_dma source(%arg8 : memref<125x64xf32, #tpu.memory_space<vmem>>) target(%dma_start3A_68 : memref<10240x64xf32, #tpu.memory_space<vmem_shared>>) offsets(%dma_start3A_65 : memref<125xi32, #tpu.memory_space<vmem>>) semaphore(%run_scoped3A : memref<!tpu.dma_semaphore, #tpu.memory_space<semaphore_mem>>) {add = true}
        %dma_wait3A_69 = arith.constant 0 : i32
        %dma_wait3A_70 = tpu.memref_slice %arg7[%scan3A_50, %dma_wait3A_69] : memref<80x125xi32, #tpu.memory_space<vmem>> -> memref<1x125xi32, #tpu.memory_space<vmem>>
        %dma_wait3A_71 = tpu.memref_squeeze %dma_wait3A_70 : memref<1x125xi32, #tpu.memory_space<vmem>> -> memref<125xi32, #tpu.memory_space<vmem>>
        %dma_wait3A_72 = arith.constant 0 : i32
        %dma_wait3A_73 = arith.constant 0 : i32
        %dma_wait3A_74 = tpu.memref_slice %arg10[%dma_wait3A_72, %dma_wait3A_73] : memref<10240x64xf32, #tpu.memory_space<vmem_shared>> -> memref<10240x64xf32, #tpu.memory_space<vmem_shared>>
        tpu.wait_indirect_dma semaphore(%run_scoped3A : memref<!tpu.dma_semaphore, #tpu.memory_space<semaphore_mem>>) src(%arg8 : memref<125x64xf32, #tpu.memory_space<vmem>>) dst(%dma_wait3A_74 : memref<10240x64xf32, #tpu.memory_space<vmem_shared>>)
        tpu.yield
      }) : () -> ()
      %scan3A_62 = arith.constant 0 : i32
      scf.yield %scan3A_62 : i32
    }
    %scan3A_28 = arith.constant 80 : i32
    %barrier3A_29 = arith.constant 0 : index
    tpu.barrier barrier_id(%barrier3A_29)
    %add3A_30 = arith.constant 0 : i32
    %add3A_31 = arith.addi %mul3A_7, %add3A_30 : i32
    "tpu.region"() ({
      %run_scoped3A = tpu.sem_alloc : memref<!tpu.dma_semaphore, #tpu.memory_space<semaphore_mem>>
      %dma_start3A = arith.constant 0 : i32
      %dma_start3A_50 = tpu.memref_slice %arg10[%add3A_31, %dma_start3A] : memref<10240x64xf32, #tpu.memory_space<vmem_shared>> -> memref<128x64xf32, #tpu.memory_space<vmem_shared>>
      %dma_start3A_51 = arith.constant 0 : i32
      %dma_start3A_52 = tpu.memref_slice %arg10[%add3A_31, %dma_start3A_51] : memref<10240x64xf32, #tpu.memory_space<vmem_shared>> -> memref<128x64xf32, #tpu.memory_space<vmem_shared>>
      tpu.enqueue_dma source(%dma_start3A_52 : memref<128x64xf32, #tpu.memory_space<vmem_shared>>) target(%arg9 : memref<128x64xf32, #tpu.memory_space<vmem>>) target_semaphore(%run_scoped3A : memref<!tpu.dma_semaphore, #tpu.memory_space<semaphore_mem>>)
      %dma_wait3A = arith.constant 0 : i32
      %dma_wait3A_53 = tpu.memref_slice %arg10[%add3A_31, %dma_wait3A] : memref<10240x64xf32, #tpu.memory_space<vmem_shared>> -> memref<128x64xf32, #tpu.memory_space<vmem_shared>>
      %dma_wait3A_54 = arith.constant 0 : i32
      %dma_wait3A_55 = tpu.memref_slice %arg10[%add3A_31, %dma_wait3A_54] : memref<10240x64xf32, #tpu.memory_space<vmem_shared>> -> memref<128x64xf32, #tpu.memory_space<vmem_shared>>
      tpu.wait_dma2 semaphore(%run_scoped3A : memref<!tpu.dma_semaphore, #tpu.memory_space<semaphore_mem>>) src(%dma_wait3A_55 : memref<128x64xf32, #tpu.memory_space<vmem_shared>>) dst(%arg9 : memref<128x64xf32, #tpu.memory_space<vmem>>)
      tpu.yield
    }) : () -> ()
    %add3A_32 = arith.constant 0 : i32
    %add3A_33 = arith.addi %mul3A_7, %add3A_32 : i32
    "tpu.region"() ({
      %run_scoped3A = tpu.sem_alloc : memref<!tpu.dma_semaphore, #tpu.memory_space<semaphore_mem>>
      %dma_start3A = arith.constant 0 : i32
      %dma_start3A_50 = tpu.memref_slice %arg5[%arg0, %add3A_33, %dma_start3A] : memref<2x10240x64xf32, #tpu.memory_space<hbm>> -> memref<1x128x64xf32, #tpu.memory_space<hbm>>
      %dma_start3A_51 = tpu.memref_squeeze %dma_start3A_50 : memref<1x128x64xf32, #tpu.memory_space<hbm>> -> memref<128x64xf32, #tpu.memory_space<hbm>>
      %dma_start3A_52 = arith.constant 0 : i32
      %dma_start3A_53 = tpu.memref_slice %arg5[%arg0, %add3A_33, %dma_start3A_52] : memref<2x10240x64xf32, #tpu.memory_space<hbm>> -> memref<1x128x64xf32, #tpu.memory_space<hbm>>
      %dma_start3A_54 = tpu.memref_squeeze %dma_start3A_53 : memref<1x128x64xf32, #tpu.memory_space<hbm>> -> memref<128x64xf32, #tpu.memory_space<hbm>>
      tpu.enqueue_dma source(%arg9 : memref<128x64xf32, #tpu.memory_space<vmem>>) target(%dma_start3A_54 : memref<128x64xf32, #tpu.memory_space<hbm>>) target_semaphore(%run_scoped3A : memref<!tpu.dma_semaphore, #tpu.memory_space<semaphore_mem>>)
      %dma_wait3A = arith.constant 0 : i32
      %dma_wait3A_55 = tpu.memref_slice %arg5[%arg0, %add3A_33, %dma_wait3A] : memref<2x10240x64xf32, #tpu.memory_space<hbm>> -> memref<1x128x64xf32, #tpu.memory_space<hbm>>
      %dma_wait3A_56 = tpu.memref_squeeze %dma_wait3A_55 : memref<1x128x64xf32, #tpu.memory_space<hbm>> -> memref<128x64xf32, #tpu.memory_space<hbm>>
      %dma_wait3A_57 = arith.constant 0 : i32
      %dma_wait3A_58 = tpu.memref_slice %arg5[%arg0, %add3A_33, %dma_wait3A_57] : memref<2x10240x64xf32, #tpu.memory_space<hbm>> -> memref<1x128x64xf32, #tpu.memory_space<hbm>>
      %dma_wait3A_59 = tpu.memref_squeeze %dma_wait3A_58 : memref<1x128x64xf32, #tpu.memory_space<hbm>> -> memref<128x64xf32, #tpu.memory_space<hbm>>
      tpu.wait_dma2 semaphore(%run_scoped3A : memref<!tpu.dma_semaphore, #tpu.memory_space<semaphore_mem>>) src(%arg9 : memref<128x64xf32, #tpu.memory_space<vmem>>) dst(%dma_wait3A_59 : memref<128x64xf32, #tpu.memory_space<hbm>>)
      tpu.yield
    }) : () -> ()
    %add3A_34 = arith.constant 128 : i32
    %add3A_35 = arith.addi %mul3A_7, %add3A_34 : i32
    "tpu.region"() ({
      %run_scoped3A = tpu.sem_alloc : memref<!tpu.dma_semaphore, #tpu.memory_space<semaphore_mem>>
      %dma_start3A = arith.constant 0 : i32
      %dma_start3A_50 = tpu.memref_slice %arg10[%add3A_35, %dma_start3A] : memref<10240x64xf32, #tpu.memory_space<vmem_shared>> -> memref<128x64xf32, #tpu.memory_space<vmem_shared>>
      %dma_start3A_51 = arith.constant 0 : i32
      %dma_start3A_52 = tpu.memref_slice %arg10[%add3A_35, %dma_start3A_51] : memref<10240x64xf32, #tpu.memory_space<vmem_shared>> -> memref<128x64xf32, #tpu.memory_space<vmem_shared>>
      tpu.enqueue_dma source(%dma_start3A_52 : memref<128x64xf32, #tpu.memory_space<vmem_shared>>) target(%arg9 : memref<128x64xf32, #tpu.memory_space<vmem>>) target_semaphore(%run_scoped3A : memref<!tpu.dma_semaphore, #tpu.memory_space<semaphore_mem>>)
      %dma_wait3A = arith.constant 0 : i32
      %dma_wait3A_53 = tpu.memref_slice %arg10[%add3A_35, %dma_wait3A] : memref<10240x64xf32, #tpu.memory_space<vmem_shared>> -> memref<128x64xf32, #tpu.memory_space<vmem_shared>>
      %dma_wait3A_54 = arith.constant 0 : i32
      %dma_wait3A_55 = tpu.memref_slice %arg10[%add3A_35, %dma_wait3A_54] : memref<10240x64xf32, #tpu.memory_space<vmem_shared>> -> memref<128x64xf32, #tpu.memory_space<vmem_shared>>
      tpu.wait_dma2 semaphore(%run_scoped3A : memref<!tpu.dma_semaphore, #tpu.memory_space<semaphore_mem>>) src(%dma_wait3A_55 : memref<128x64xf32, #tpu.memory_space<vmem_shared>>) dst(%arg9 : memref<128x64xf32, #tpu.memory_space<vmem>>)
      tpu.yield
    }) : () -> ()
    %add3A_36 = arith.constant 128 : i32
    %add3A_37 = arith.addi %mul3A_7, %add3A_36 : i32
    "tpu.region"() ({
      %run_scoped3A = tpu.sem_alloc : memref<!tpu.dma_semaphore, #tpu.memory_space<semaphore_mem>>
      %dma_start3A = arith.constant 0 : i32
      %dma_start3A_50 = tpu.memref_slice %arg5[%arg0, %add3A_37, %dma_start3A] : memref<2x10240x64xf32, #tpu.memory_space<hbm>> -> memref<1x128x64xf32, #tpu.memory_space<hbm>>
      %dma_start3A_51 = tpu.memref_squeeze %dma_start3A_50 : memref<1x128x64xf32, #tpu.memory_space<hbm>> -> memref<128x64xf32, #tpu.memory_space<hbm>>
      %dma_start3A_52 = arith.constant 0 : i32
      %dma_start3A_53 = tpu.memref_slice %arg5[%arg0, %add3A_37, %dma_start3A_52] : memref<2x10240x64xf32, #tpu.memory_space<hbm>> -> memref<1x128x64xf32, #tpu.memory_space<hbm>>
      %dma_start3A_54 = tpu.memref_squeeze %dma_start3A_53 : memref<1x128x64xf32, #tpu.memory_space<hbm>> -> memref<128x64xf32, #tpu.memory_space<hbm>>
      tpu.enqueue_dma source(%arg9 : memref<128x64xf32, #tpu.memory_space<vmem>>) target(%dma_start3A_54 : memref<128x64xf32, #tpu.memory_space<hbm>>) target_semaphore(%run_scoped3A : memref<!tpu.dma_semaphore, #tpu.memory_space<semaphore_mem>>)
      %dma_wait3A = arith.constant 0 : i32
      %dma_wait3A_55 = tpu.memref_slice %arg5[%arg0, %add3A_37, %dma_wait3A] : memref<2x10240x64xf32, #tpu.memory_space<hbm>> -> memref<1x128x64xf32, #tpu.memory_space<hbm>>
      %dma_wait3A_56 = tpu.memref_squeeze %dma_wait3A_55 : memref<1x128x64xf32, #tpu.memory_space<hbm>> -> memref<128x64xf32, #tpu.memory_space<hbm>>
      %dma_wait3A_57 = arith.constant 0 : i32
      %dma_wait3A_58 = tpu.memref_slice %arg5[%arg0, %add3A_37, %dma_wait3A_57] : memref<2x10240x64xf32, #tpu.memory_space<hbm>> -> memref<1x128x64xf32, #tpu.memory_space<hbm>>
      %dma_wait3A_59 = tpu.memref_squeeze %dma_wait3A_58 : memref<1x128x64xf32, #tpu.memory_space<hbm>> -> memref<128x64xf32, #tpu.memory_space<hbm>>
      tpu.wait_dma2 semaphore(%run_scoped3A : memref<!tpu.dma_semaphore, #tpu.memory_space<semaphore_mem>>) src(%arg9 : memref<128x64xf32, #tpu.memory_space<vmem>>) dst(%dma_wait3A_59 : memref<128x64xf32, #tpu.memory_space<hbm>>)
      tpu.yield
    }) : () -> ()
    %add3A_38 = arith.constant 256 : i32
    %add3A_39 = arith.addi %mul3A_7, %add3A_38 : i32
    "tpu.region"() ({
      %run_scoped3A = tpu.sem_alloc : memref<!tpu.dma_semaphore, #tpu.memory_space<semaphore_mem>>
      %dma_start3A = arith.constant 0 : i32
      %dma_start3A_50 = tpu.memref_slice %arg10[%add3A_39, %dma_start3A] : memref<10240x64xf32, #tpu.memory_space<vmem_shared>> -> memref<128x64xf32, #tpu.memory_space<vmem_shared>>
      %dma_start3A_51 = arith.constant 0 : i32
      %dma_start3A_52 = tpu.memref_slice %arg10[%add3A_39, %dma_start3A_51] : memref<10240x64xf32, #tpu.memory_space<vmem_shared>> -> memref<128x64xf32, #tpu.memory_space<vmem_shared>>
      tpu.enqueue_dma source(%dma_start3A_52 : memref<128x64xf32, #tpu.memory_space<vmem_shared>>) target(%arg9 : memref<128x64xf32, #tpu.memory_space<vmem>>) target_semaphore(%run_scoped3A : memref<!tpu.dma_semaphore, #tpu.memory_space<semaphore_mem>>)
      %dma_wait3A = arith.constant 0 : i32
      %dma_wait3A_53 = tpu.memref_slice %arg10[%add3A_39, %dma_wait3A] : memref<10240x64xf32, #tpu.memory_space<vmem_shared>> -> memref<128x64xf32, #tpu.memory_space<vmem_shared>>
      %dma_wait3A_54 = arith.constant 0 : i32
      %dma_wait3A_55 = tpu.memref_slice %arg10[%add3A_39, %dma_wait3A_54] : memref<10240x64xf32, #tpu.memory_space<vmem_shared>> -> memref<128x64xf32, #tpu.memory_space<vmem_shared>>
      tpu.wait_dma2 semaphore(%run_scoped3A : memref<!tpu.dma_semaphore, #tpu.memory_space<semaphore_mem>>) src(%dma_wait3A_55 : memref<128x64xf32, #tpu.memory_space<vmem_shared>>) dst(%arg9 : memref<128x64xf32, #tpu.memory_space<vmem>>)
      tpu.yield
    }) : () -> ()
    %add3A_40 = arith.constant 256 : i32
    %add3A_41 = arith.addi %mul3A_7, %add3A_40 : i32
    "tpu.region"() ({
      %run_scoped3A = tpu.sem_alloc : memref<!tpu.dma_semaphore, #tpu.memory_space<semaphore_mem>>
      %dma_start3A = arith.constant 0 : i32
      %dma_start3A_50 = tpu.memref_slice %arg5[%arg0, %add3A_41, %dma_start3A] : memref<2x10240x64xf32, #tpu.memory_space<hbm>> -> memref<1x128x64xf32, #tpu.memory_space<hbm>>
      %dma_start3A_51 = tpu.memref_squeeze %dma_start3A_50 : memref<1x128x64xf32, #tpu.memory_space<hbm>> -> memref<128x64xf32, #tpu.memory_space<hbm>>
      %dma_start3A_52 = arith.constant 0 : i32
      %dma_start3A_53 = tpu.memref_slice %arg5[%arg0, %add3A_41, %dma_start3A_52] : memref<2x10240x64xf32, #tpu.memory_space<hbm>> -> memref<1x128x64xf32, #tpu.memory_space<hbm>>
      %dma_start3A_54 = tpu.memref_squeeze %dma_start3A_53 : memref<1x128x64xf32, #tpu.memory_space<hbm>> -> memref<128x64xf32, #tpu.memory_space<hbm>>
      tpu.enqueue_dma source(%arg9 : memref<128x64xf32, #tpu.memory_space<vmem>>) target(%dma_start3A_54 : memref<128x64xf32, #tpu.memory_space<hbm>>) target_semaphore(%run_scoped3A : memref<!tpu.dma_semaphore, #tpu.memory_space<semaphore_mem>>)
      %dma_wait3A = arith.constant 0 : i32
      %dma_wait3A_55 = tpu.memref_slice %arg5[%arg0, %add3A_41, %dma_wait3A] : memref<2x10240x64xf32, #tpu.memory_space<hbm>> -> memref<1x128x64xf32, #tpu.memory_space<hbm>>
      %dma_wait3A_56 = tpu.memref_squeeze %dma_wait3A_55 : memref<1x128x64xf32, #tpu.memory_space<hbm>> -> memref<128x64xf32, #tpu.memory_space<hbm>>
      %dma_wait3A_57 = arith.constant 0 : i32
      %dma_wait3A_58 = tpu.memref_slice %arg5[%arg0, %add3A_41, %dma_wait3A_57] : memref<2x10240x64xf32, #tpu.memory_space<hbm>> -> memref<1x128x64xf32, #tpu.memory_space<hbm>>
      %dma_wait3A_59 = tpu.memref_squeeze %dma_wait3A_58 : memref<1x128x64xf32, #tpu.memory_space<hbm>> -> memref<128x64xf32, #tpu.memory_space<hbm>>
      tpu.wait_dma2 semaphore(%run_scoped3A : memref<!tpu.dma_semaphore, #tpu.memory_space<semaphore_mem>>) src(%arg9 : memref<128x64xf32, #tpu.memory_space<vmem>>) dst(%dma_wait3A_59 : memref<128x64xf32, #tpu.memory_space<hbm>>)
      tpu.yield
    }) : () -> ()
    %add3A_42 = arith.constant 384 : i32
    %add3A_43 = arith.addi %mul3A_7, %add3A_42 : i32
    "tpu.region"() ({
      %run_scoped3A = tpu.sem_alloc : memref<!tpu.dma_semaphore, #tpu.memory_space<semaphore_mem>>
      %dma_start3A = arith.constant 0 : i32
      %dma_start3A_50 = tpu.memref_slice %arg10[%add3A_43, %dma_start3A] : memref<10240x64xf32, #tpu.memory_space<vmem_shared>> -> memref<128x64xf32, #tpu.memory_space<vmem_shared>>
      %dma_start3A_51 = arith.constant 0 : i32
      %dma_start3A_52 = tpu.memref_slice %arg10[%add3A_43, %dma_start3A_51] : memref<10240x64xf32, #tpu.memory_space<vmem_shared>> -> memref<128x64xf32, #tpu.memory_space<vmem_shared>>
      tpu.enqueue_dma source(%dma_start3A_52 : memref<128x64xf32, #tpu.memory_space<vmem_shared>>) target(%arg9 : memref<128x64xf32, #tpu.memory_space<vmem>>) target_semaphore(%run_scoped3A : memref<!tpu.dma_semaphore, #tpu.memory_space<semaphore_mem>>)
      %dma_wait3A = arith.constant 0 : i32
      %dma_wait3A_53 = tpu.memref_slice %arg10[%add3A_43, %dma_wait3A] : memref<10240x64xf32, #tpu.memory_space<vmem_shared>> -> memref<128x64xf32, #tpu.memory_space<vmem_shared>>
      %dma_wait3A_54 = arith.constant 0 : i32
      %dma_wait3A_55 = tpu.memref_slice %arg10[%add3A_43, %dma_wait3A_54] : memref<10240x64xf32, #tpu.memory_space<vmem_shared>> -> memref<128x64xf32, #tpu.memory_space<vmem_shared>>
      tpu.wait_dma2 semaphore(%run_scoped3A : memref<!tpu.dma_semaphore, #tpu.memory_space<semaphore_mem>>) src(%dma_wait3A_55 : memref<128x64xf32, #tpu.memory_space<vmem_shared>>) dst(%arg9 : memref<128x64xf32, #tpu.memory_space<vmem>>)
      tpu.yield
    }) : () -> ()
    %add3A_44 = arith.constant 384 : i32
    %add3A_45 = arith.addi %mul3A_7, %add3A_44 : i32
    "tpu.region"() ({
      %run_scoped3A = tpu.sem_alloc : memref<!tpu.dma_semaphore, #tpu.memory_space<semaphore_mem>>
      %dma_start3A = arith.constant 0 : i32
      %dma_start3A_50 = tpu.memref_slice %arg5[%arg0, %add3A_45, %dma_start3A] : memref<2x10240x64xf32, #tpu.memory_space<hbm>> -> memref<1x128x64xf32, #tpu.memory_space<hbm>>
      %dma_start3A_51 = tpu.memref_squeeze %dma_start3A_50 : memref<1x128x64xf32, #tpu.memory_space<hbm>> -> memref<128x64xf32, #tpu.memory_space<hbm>>
      %dma_start3A_52 = arith.constant 0 : i32
      %dma_start3A_53 = tpu.memref_slice %arg5[%arg0, %add3A_45, %dma_start3A_52] : memref<2x10240x64xf32, #tpu.memory_space<hbm>> -> memref<1x128x64xf32, #tpu.memory_space<hbm>>
      %dma_start3A_54 = tpu.memref_squeeze %dma_start3A_53 : memref<1x128x64xf32, #tpu.memory_space<hbm>> -> memref<128x64xf32, #tpu.memory_space<hbm>>
      tpu.enqueue_dma source(%arg9 : memref<128x64xf32, #tpu.memory_space<vmem>>) target(%dma_start3A_54 : memref<128x64xf32, #tpu.memory_space<hbm>>) target_semaphore(%run_scoped3A : memref<!tpu.dma_semaphore, #tpu.memory_space<semaphore_mem>>)
      %dma_wait3A = arith.constant 0 : i32
      %dma_wait3A_55 = tpu.memref_slice %arg5[%arg0, %add3A_45, %dma_wait3A] : memref<2x10240x64xf32, #tpu.memory_space<hbm>> -> memref<1x128x64xf32, #tpu.memory_space<hbm>>
      %dma_wait3A_56 = tpu.memref_squeeze %dma_wait3A_55 : memref<1x128x64xf32, #tpu.memory_space<hbm>> -> memref<128x64xf32, #tpu.memory_space<hbm>>
      %dma_wait3A_57 = arith.constant 0 : i32
      %dma_wait3A_58 = tpu.memref_slice %arg5[%arg0, %add3A_45, %dma_wait3A_57] : memref<2x10240x64xf32, #tpu.memory_space<hbm>> -> memref<1x128x64xf32, #tpu.memory_space<hbm>>
      %dma_wait3A_59 = tpu.memref_squeeze %dma_wait3A_58 : memref<1x128x64xf32, #tpu.memory_space<hbm>> -> memref<128x64xf32, #tpu.memory_space<hbm>>
      tpu.wait_dma2 semaphore(%run_scoped3A : memref<!tpu.dma_semaphore, #tpu.memory_space<semaphore_mem>>) src(%arg9 : memref<128x64xf32, #tpu.memory_space<vmem>>) dst(%dma_wait3A_59 : memref<128x64xf32, #tpu.memory_space<hbm>>)
      tpu.yield
    }) : () -> ()
    %add3A_46 = arith.constant 512 : i32
    %add3A_47 = arith.addi %mul3A_7, %add3A_46 : i32
    "tpu.region"() ({
      %run_scoped3A = tpu.sem_alloc : memref<!tpu.dma_semaphore, #tpu.memory_space<semaphore_mem>>
      %dma_start3A = arith.constant 0 : i32
      %dma_start3A_50 = tpu.memref_slice %arg10[%add3A_47, %dma_start3A] : memref<10240x64xf32, #tpu.memory_space<vmem_shared>> -> memref<128x64xf32, #tpu.memory_space<vmem_shared>>
      %dma_start3A_51 = arith.constant 0 : i32
      %dma_start3A_52 = tpu.memref_slice %arg10[%add3A_47, %dma_start3A_51] : memref<10240x64xf32, #tpu.memory_space<vmem_shared>> -> memref<128x64xf32, #tpu.memory_space<vmem_shared>>
      tpu.enqueue_dma source(%dma_start3A_52 : memref<128x64xf32, #tpu.memory_space<vmem_shared>>) target(%arg9 : memref<128x64xf32, #tpu.memory_space<vmem>>) target_semaphore(%run_scoped3A : memref<!tpu.dma_semaphore, #tpu.memory_space<semaphore_mem>>)
      %dma_wait3A = arith.constant 0 : i32
      %dma_wait3A_53 = tpu.memref_slice %arg10[%add3A_47, %dma_wait3A] : memref<10240x64xf32, #tpu.memory_space<vmem_shared>> -> memref<128x64xf32, #tpu.memory_space<vmem_shared>>
      %dma_wait3A_54 = arith.constant 0 : i32
      %dma_wait3A_55 = tpu.memref_slice %arg10[%add3A_47, %dma_wait3A_54] : memref<10240x64xf32, #tpu.memory_space<vmem_shared>> -> memref<128x64xf32, #tpu.memory_space<vmem_shared>>
      tpu.wait_dma2 semaphore(%run_scoped3A : memref<!tpu.dma_semaphore, #tpu.memory_space<semaphore_mem>>) src(%dma_wait3A_55 : memref<128x64xf32, #tpu.memory_space<vmem_shared>>) dst(%arg9 : memref<128x64xf32, #tpu.memory_space<vmem>>)
      tpu.yield
    }) : () -> ()
    %add3A_48 = arith.constant 512 : i32
    %add3A_49 = arith.addi %mul3A_7, %add3A_48 : i32
    "tpu.region"() ({
      %run_scoped3A = tpu.sem_alloc : memref<!tpu.dma_semaphore, #tpu.memory_space<semaphore_mem>>
      %dma_start3A = arith.constant 0 : i32
      %dma_start3A_50 = tpu.memref_slice %arg5[%arg0, %add3A_49, %dma_start3A] : memref<2x10240x64xf32, #tpu.memory_space<hbm>> -> memref<1x128x64xf32, #tpu.memory_space<hbm>>
      %dma_start3A_51 = tpu.memref_squeeze %dma_start3A_50 : memref<1x128x64xf32, #tpu.memory_space<hbm>> -> memref<128x64xf32, #tpu.memory_space<hbm>>
      %dma_start3A_52 = arith.constant 0 : i32
      %dma_start3A_53 = tpu.memref_slice %arg5[%arg0, %add3A_49, %dma_start3A_52] : memref<2x10240x64xf32, #tpu.memory_space<hbm>> -> memref<1x128x64xf32, #tpu.memory_space<hbm>>
      %dma_start3A_54 = tpu.memref_squeeze %dma_start3A_53 : memref<1x128x64xf32, #tpu.memory_space<hbm>> -> memref<128x64xf32, #tpu.memory_space<hbm>>
      tpu.enqueue_dma source(%arg9 : memref<128x64xf32, #tpu.memory_space<vmem>>) target(%dma_start3A_54 : memref<128x64xf32, #tpu.memory_space<hbm>>) target_semaphore(%run_scoped3A : memref<!tpu.dma_semaphore, #tpu.memory_space<semaphore_mem>>)
      %dma_wait3A = arith.constant 0 : i32
      %dma_wait3A_55 = tpu.memref_slice %arg5[%arg0, %add3A_49, %dma_wait3A] : memref<2x10240x64xf32, #tpu.memory_space<hbm>> -> memref<1x128x64xf32, #tpu.memory_space<hbm>>
      %dma_wait3A_56 = tpu.memref_squeeze %dma_wait3A_55 : memref<1x128x64xf32, #tpu.memory_space<hbm>> -> memref<128x64xf32, #tpu.memory_space<hbm>>
      %dma_wait3A_57 = arith.constant 0 : i32
      %dma_wait3A_58 = tpu.memref_slice %arg5[%arg0, %add3A_49, %dma_wait3A_57] : memref<2x10240x64xf32, #tpu.memory_space<hbm>> -> memref<1x128x64xf32, #tpu.memory_space<hbm>>
      %dma_wait3A_59 = tpu.memref_squeeze %dma_wait3A_58 : memref<1x128x64xf32, #tpu.memory_space<hbm>> -> memref<128x64xf32, #tpu.memory_space<hbm>>
      tpu.wait_dma2 semaphore(%run_scoped3A : memref<!tpu.dma_semaphore, #tpu.memory_space<semaphore_mem>>) src(%arg9 : memref<128x64xf32, #tpu.memory_space<vmem>>) dst(%dma_wait3A_59 : memref<128x64xf32, #tpu.memory_space<hbm>>)
      tpu.yield
    }) : () -> ()
    return
  }
}

#map = affine_map<(d0, d1) -> (0, 0)>
#map1 = affine_map<(d0, d1) -> (0, 0, 0)>
module attributes {stable_mosaic.version = 14 : i64} {
  func.func @agg_kernel(%arg0: i32, %arg1: i32, %arg2: memref<10000x64xf32, #tpu.memory_space<hbm>>, %arg3: memref<2560x125xi32, #tpu.memory_space<hbm>>, %arg4: memref<2560x125xi32, #tpu.memory_space<hbm>>, %arg5: memref<2x10240x64xf32, #tpu.memory_space<hbm>>, %arg6: memref<80x125xi32, #tpu.memory_space<vmem>>, %arg7: memref<80x125xi32, #tpu.memory_space<vmem>>, %arg8: memref<125x64xf32, #tpu.memory_space<vmem>>, %arg9: memref<128x64xf32, #tpu.memory_space<vmem>>, %arg10: memref<10240x64xf32, #tpu.memory_space<vmem_shared>>, %arg11: memref<!tpu.dma_semaphore, #tpu.memory_space<semaphore_mem>>) attributes {dimension_semantics = [#tpu.dimension_semantics<core_parallel>, #tpu.dimension_semantics<subcore_parallel>], iteration_bounds = array<i64: 2, 16>, scalar_prefetch = 0 : i64, scratch_operands = 6 : i64, tpu.core_type = #tpu.core_type<sc_vector_subcore>, window_params = [{transform_indices = #map}, {transform_indices = #map}, {transform_indices = #map}, {transform_indices = #map1}]} {
    %broadcast_in_dim3A = arith.constant 0.000000e+00 : f32
    %broadcast_in_dim3A_0 = vector.broadcast %broadcast_in_dim3A : f32 to vector<16xf32>
    %scan3A = arith.constant 0 : i32
    %scan3A_1 = arith.constant 0 : i32
    %scan3A_2 = arith.constant 128 : i32
    %scan3A_3 = arith.addi %scan3A_1, %scan3A_2 : i32
    %scan3A_4 = arith.constant 1 : i32
    %scan3A_5 = scf.for %scan3A_50 = %scan3A_1 to %scan3A_3 step %scan3A_4 iter_args(%scan3A_51 = %scan3A) -> (i32)  : i32 {
      %scan3A_52 = arith.constant 0 : i32
      %scan3A_53 = arith.constant 0 : i32
      %scan3A_54 = arith.constant 4 : i32
      %scan3A_55 = arith.addi %scan3A_53, %scan3A_54 : i32
      %scan3A_56 = arith.constant 1 : i32
      %scan3A_57 = scf.for %scan3A_59 = %scan3A_53 to %scan3A_55 step %scan3A_56 iter_args(%scan3A_60 = %scan3A_52) -> (i32)  : i32 {
        %mul3A_61 = arith.constant 16 : i32
        %mul3A_62 = arith.muli %scan3A_59, %mul3A_61 : i32
        %swap3A = arith.index_cast %scan3A_50 : i32 to index
        %swap3A_63 = arith.index_cast %mul3A_62 : i32 to index
        %swap3A_64 = tpu.vector_load %arg9[%swap3A, %swap3A_63] {strides = array<i32>} : memref<128x64xf32, #tpu.memory_space<vmem>>, vector<1x16xf32>,
        %swap3A_65 = vector.shape_cast %swap3A_64 : vector<1x16xf32> to vector<16xf32>
        %swap3A_66 = vector.shape_cast %broadcast_in_dim3A_0 : vector<16xf32> to vector<1x16xf32>
        tpu.vector_store %arg9[%swap3A, %swap3A_63], %swap3A_66 {strides = array<i32>} : memref<128x64xf32, #tpu.memory_space<vmem>>, vector<1x16xf32>,
        %scan3A_67 = arith.constant 0 : i32
        scf.yield %scan3A_67 : i32
      }
      %scan3A_58 = arith.constant 4 : i32
      scf.yield %scan3A_57 : i32
    }
    %scan3A_6 = arith.constant 128 : i32
    %mul3A = arith.constant 640 : i32
    %mul3A_7 = arith.muli %arg1, %mul3A : i32
    %add3A = arith.constant 0 : i32
    %add3A_8 = arith.addi %mul3A_7, %add3A : i32
    "tpu.region"() ({
      %run_scoped3A = tpu.sem_alloc : memref<!tpu.dma_semaphore, #tpu.memory_space<semaphore_mem>>
      %dma_start3A = arith.constant 0 : i32
      %dma_start3A_50 = tpu.memref_slice %arg10[%add3A_8, %dma_start3A] : memref<10240x64xf32, #tpu.memory_space<vmem_shared>> -> memref<128x64xf32, #tpu.memory_space<vmem_shared>>
      %dma_start3A_51 = arith.constant 0 : i32
      %dma_start3A_52 = tpu.memref_slice %arg10[%add3A_8, %dma_start3A_51] : memref<10240x64xf32, #tpu.memory_space<vmem_shared>> -> memref<128x64xf32, #tpu.memory_space<vmem_shared>>
      tpu.enqueue_dma source(%arg9 : memref<128x64xf32, #tpu.memory_space<vmem>>) target(%dma_start3A_52 : memref<128x64xf32, #tpu.memory_space<vmem_shared>>) target_semaphore(%run_scoped3A : memref<!tpu.dma_semaphore, #tpu.memory_space<semaphore_mem>>)
      %dma_wait3A = arith.constant 0 : i32
      %dma_wait3A_53 = tpu.memref_slice %arg10[%add3A_8, %dma_wait3A] : memref<10240x64xf32, #tpu.memory_space<vmem_shared>> -> memref<128x64xf32, #tpu.memory_space<vmem_shared>>
      %dma_wait3A_54 = arith.constant 0 : i32
      %dma_wait3A_55 = tpu.memref_slice %arg10[%add3A_8, %dma_wait3A_54] : memref<10240x64xf32, #tpu.memory_space<vmem_shared>> -> memref<128x64xf32, #tpu.memory_space<vmem_shared>>
      tpu.wait_dma2 semaphore(%run_scoped3A : memref<!tpu.dma_semaphore, #tpu.memory_space<semaphore_mem>>) src(%arg9 : memref<128x64xf32, #tpu.memory_space<vmem>>) dst(%dma_wait3A_55 : memref<128x64xf32, #tpu.memory_space<vmem_shared>>)
      tpu.yield
    }) : () -> ()
    %add3A_9 = arith.constant 128 : i32
    %add3A_10 = arith.addi %mul3A_7, %add3A_9 : i32
    "tpu.region"() ({
      %run_scoped3A = tpu.sem_alloc : memref<!tpu.dma_semaphore, #tpu.memory_space<semaphore_mem>>
      %dma_start3A = arith.constant 0 : i32
      %dma_start3A_50 = tpu.memref_slice %arg10[%add3A_10, %dma_start3A] : memref<10240x64xf32, #tpu.memory_space<vmem_shared>> -> memref<128x64xf32, #tpu.memory_space<vmem_shared>>
      %dma_start3A_51 = arith.constant 0 : i32
      %dma_start3A_52 = tpu.memref_slice %arg10[%add3A_10, %dma_start3A_51] : memref<10240x64xf32, #tpu.memory_space<vmem_shared>> -> memref<128x64xf32, #tpu.memory_space<vmem_shared>>
      tpu.enqueue_dma source(%arg9 : memref<128x64xf32, #tpu.memory_space<vmem>>) target(%dma_start3A_52 : memref<128x64xf32, #tpu.memory_space<vmem_shared>>) target_semaphore(%run_scoped3A : memref<!tpu.dma_semaphore, #tpu.memory_space<semaphore_mem>>)
      %dma_wait3A = arith.constant 0 : i32
      %dma_wait3A_53 = tpu.memref_slice %arg10[%add3A_10, %dma_wait3A] : memref<10240x64xf32, #tpu.memory_space<vmem_shared>> -> memref<128x64xf32, #tpu.memory_space<vmem_shared>>
      %dma_wait3A_54 = arith.constant 0 : i32
      %dma_wait3A_55 = tpu.memref_slice %arg10[%add3A_10, %dma_wait3A_54] : memref<10240x64xf32, #tpu.memory_space<vmem_shared>> -> memref<128x64xf32, #tpu.memory_space<vmem_shared>>
      tpu.wait_dma2 semaphore(%run_scoped3A : memref<!tpu.dma_semaphore, #tpu.memory_space<semaphore_mem>>) src(%arg9 : memref<128x64xf32, #tpu.memory_space<vmem>>) dst(%dma_wait3A_55 : memref<128x64xf32, #tpu.memory_space<vmem_shared>>)
      tpu.yield
    }) : () -> ()
    %add3A_11 = arith.constant 256 : i32
    %add3A_12 = arith.addi %mul3A_7, %add3A_11 : i32
    "tpu.region"() ({
      %run_scoped3A = tpu.sem_alloc : memref<!tpu.dma_semaphore, #tpu.memory_space<semaphore_mem>>
      %dma_start3A = arith.constant 0 : i32
      %dma_start3A_50 = tpu.memref_slice %arg10[%add3A_12, %dma_start3A] : memref<10240x64xf32, #tpu.memory_space<vmem_shared>> -> memref<128x64xf32, #tpu.memory_space<vmem_shared>>
      %dma_start3A_51 = arith.constant 0 : i32
      %dma_start3A_52 = tpu.memref_slice %arg10[%add3A_12, %dma_start3A_51] : memref<10240x64xf32, #tpu.memory_space<vmem_shared>> -> memref<128x64xf32, #tpu.memory_space<vmem_shared>>
      tpu.enqueue_dma source(%arg9 : memref<128x64xf32, #tpu.memory_space<vmem>>) target(%dma_start3A_52 : memref<128x64xf32, #tpu.memory_space<vmem_shared>>) target_semaphore(%run_scoped3A : memref<!tpu.dma_semaphore, #tpu.memory_space<semaphore_mem>>)
      %dma_wait3A = arith.constant 0 : i32
      %dma_wait3A_53 = tpu.memref_slice %arg10[%add3A_12, %dma_wait3A] : memref<10240x64xf32, #tpu.memory_space<vmem_shared>> -> memref<128x64xf32, #tpu.memory_space<vmem_shared>>
      %dma_wait3A_54 = arith.constant 0 : i32
      %dma_wait3A_55 = tpu.memref_slice %arg10[%add3A_12, %dma_wait3A_54] : memref<10240x64xf32, #tpu.memory_space<vmem_shared>> -> memref<128x64xf32, #tpu.memory_space<vmem_shared>>
      tpu.wait_dma2 semaphore(%run_scoped3A : memref<!tpu.dma_semaphore, #tpu.memory_space<semaphore_mem>>) src(%arg9 : memref<128x64xf32, #tpu.memory_space<vmem>>) dst(%dma_wait3A_55 : memref<128x64xf32, #tpu.memory_space<vmem_shared>>)
      tpu.yield
    }) : () -> ()
    %add3A_13 = arith.constant 384 : i32
    %add3A_14 = arith.addi %mul3A_7, %add3A_13 : i32
    "tpu.region"() ({
      %run_scoped3A = tpu.sem_alloc : memref<!tpu.dma_semaphore, #tpu.memory_space<semaphore_mem>>
      %dma_start3A = arith.constant 0 : i32
      %dma_start3A_50 = tpu.memref_slice %arg10[%add3A_14, %dma_start3A] : memref<10240x64xf32, #tpu.memory_space<vmem_shared>> -> memref<128x64xf32, #tpu.memory_space<vmem_shared>>
      %dma_start3A_51 = arith.constant 0 : i32
      %dma_start3A_52 = tpu.memref_slice %arg10[%add3A_14, %dma_start3A_51] : memref<10240x64xf32, #tpu.memory_space<vmem_shared>> -> memref<128x64xf32, #tpu.memory_space<vmem_shared>>
      tpu.enqueue_dma source(%arg9 : memref<128x64xf32, #tpu.memory_space<vmem>>) target(%dma_start3A_52 : memref<128x64xf32, #tpu.memory_space<vmem_shared>>) target_semaphore(%run_scoped3A : memref<!tpu.dma_semaphore, #tpu.memory_space<semaphore_mem>>)
      %dma_wait3A = arith.constant 0 : i32
      %dma_wait3A_53 = tpu.memref_slice %arg10[%add3A_14, %dma_wait3A] : memref<10240x64xf32, #tpu.memory_space<vmem_shared>> -> memref<128x64xf32, #tpu.memory_space<vmem_shared>>
      %dma_wait3A_54 = arith.constant 0 : i32
      %dma_wait3A_55 = tpu.memref_slice %arg10[%add3A_14, %dma_wait3A_54] : memref<10240x64xf32, #tpu.memory_space<vmem_shared>> -> memref<128x64xf32, #tpu.memory_space<vmem_shared>>
      tpu.wait_dma2 semaphore(%run_scoped3A : memref<!tpu.dma_semaphore, #tpu.memory_space<semaphore_mem>>) src(%arg9 : memref<128x64xf32, #tpu.memory_space<vmem>>) dst(%dma_wait3A_55 : memref<128x64xf32, #tpu.memory_space<vmem_shared>>)
      tpu.yield
    }) : () -> ()
    %add3A_15 = arith.constant 512 : i32
    %add3A_16 = arith.addi %mul3A_7, %add3A_15 : i32
    "tpu.region"() ({
      %run_scoped3A = tpu.sem_alloc : memref<!tpu.dma_semaphore, #tpu.memory_space<semaphore_mem>>
      %dma_start3A = arith.constant 0 : i32
      %dma_start3A_50 = tpu.memref_slice %arg10[%add3A_16, %dma_start3A] : memref<10240x64xf32, #tpu.memory_space<vmem_shared>> -> memref<128x64xf32, #tpu.memory_space<vmem_shared>>
      %dma_start3A_51 = arith.constant 0 : i32
      %dma_start3A_52 = tpu.memref_slice %arg10[%add3A_16, %dma_start3A_51] : memref<10240x64xf32, #tpu.memory_space<vmem_shared>> -> memref<128x64xf32, #tpu.memory_space<vmem_shared>>
      tpu.enqueue_dma source(%arg9 : memref<128x64xf32, #tpu.memory_space<vmem>>) target(%dma_start3A_52 : memref<128x64xf32, #tpu.memory_space<vmem_shared>>) target_semaphore(%run_scoped3A : memref<!tpu.dma_semaphore, #tpu.memory_space<semaphore_mem>>)
      %dma_wait3A = arith.constant 0 : i32
      %dma_wait3A_53 = tpu.memref_slice %arg10[%add3A_16, %dma_wait3A] : memref<10240x64xf32, #tpu.memory_space<vmem_shared>> -> memref<128x64xf32, #tpu.memory_space<vmem_shared>>
      %dma_wait3A_54 = arith.constant 0 : i32
      %dma_wait3A_55 = tpu.memref_slice %arg10[%add3A_16, %dma_wait3A_54] : memref<10240x64xf32, #tpu.memory_space<vmem_shared>> -> memref<128x64xf32, #tpu.memory_space<vmem_shared>>
      tpu.wait_dma2 semaphore(%run_scoped3A : memref<!tpu.dma_semaphore, #tpu.memory_space<semaphore_mem>>) src(%arg9 : memref<128x64xf32, #tpu.memory_space<vmem>>) dst(%dma_wait3A_55 : memref<128x64xf32, #tpu.memory_space<vmem_shared>>)
      tpu.yield
    }) : () -> ()
    %mul3A_17 = arith.constant 16 : i32
    %mul3A_18 = arith.muli %arg0, %mul3A_17 : i32
    %add3A_19 = arith.addi %mul3A_18, %arg1 : i32
    %mul3A_20 = arith.constant 80 : i32
    %mul3A_21 = arith.muli %add3A_19, %mul3A_20 : i32
    "tpu.region"() ({
      %run_scoped3A = tpu.sem_alloc : memref<!tpu.dma_semaphore, #tpu.memory_space<semaphore_mem>>
      %dma_start3A = arith.constant 0 : i32
      %dma_start3A_50 = tpu.memref_slice %arg3[%mul3A_21, %dma_start3A] : memref<2560x125xi32, #tpu.memory_space<hbm>> -> memref<80x125xi32, #tpu.memory_space<hbm>>
      %dma_start3A_51 = arith.constant 0 : i32
      %dma_start3A_52 = tpu.memref_slice %arg3[%mul3A_21, %dma_start3A_51] : memref<2560x125xi32, #tpu.memory_space<hbm>> -> memref<80x125xi32, #tpu.memory_space<hbm>>
      tpu.enqueue_dma source(%dma_start3A_52 : memref<80x125xi32, #tpu.memory_space<hbm>>) target(%arg6 : memref<80x125xi32, #tpu.memory_space<vmem>>) target_semaphore(%run_scoped3A : memref<!tpu.dma_semaphore, #tpu.memory_space<semaphore_mem>>)
      %dma_wait3A = arith.constant 0 : i32
      %dma_wait3A_53 = tpu.memref_slice %arg3[%mul3A_21, %dma_wait3A] : memref<2560x125xi32, #tpu.memory_space<hbm>> -> memref<80x125xi32, #tpu.memory_space<hbm>>
      %dma_wait3A_54 = arith.constant 0 : i32
      %dma_wait3A_55 = tpu.memref_slice %arg3[%mul3A_21, %dma_wait3A_54] : memref<2560x125xi32, #tpu.memory_space<hbm>> -> memref<80x125xi32, #tpu.memory_space<hbm>>
      tpu.wait_dma2 semaphore(%run_scoped3A : memref<!tpu.dma_semaphore, #tpu.memory_space<semaphore_mem>>) src(%dma_wait3A_55 : memref<80x125xi32, #tpu.memory_space<hbm>>) dst(%arg6 : memref<80x125xi32, #tpu.memory_space<vmem>>)
      tpu.yield
    }) : () -> ()
    "tpu.region"() ({
      %run_scoped3A = tpu.sem_alloc : memref<!tpu.dma_semaphore, #tpu.memory_space<semaphore_mem>>
      %dma_start3A = arith.constant 0 : i32
      %dma_start3A_50 = tpu.memref_slice %arg4[%mul3A_21, %dma_start3A] : memref<2560x125xi32, #tpu.memory_space<hbm>> -> memref<80x125xi32, #tpu.memory_space<hbm>>
      %dma_start3A_51 = arith.constant 0 : i32
      %dma_start3A_52 = tpu.memref_slice %arg4[%mul3A_21, %dma_start3A_51] : memref<2560x125xi32, #tpu.memory_space<hbm>> -> memref<80x125xi32, #tpu.memory_space<hbm>>
      tpu.enqueue_dma source(%dma_start3A_52 : memref<80x125xi32, #tpu.memory_space<hbm>>) target(%arg7 : memref<80x125xi32, #tpu.memory_space<vmem>>) target_semaphore(%run_scoped3A : memref<!tpu.dma_semaphore, #tpu.memory_space<semaphore_mem>>)
      %dma_wait3A = arith.constant 0 : i32
      %dma_wait3A_53 = tpu.memref_slice %arg4[%mul3A_21, %dma_wait3A] : memref<2560x125xi32, #tpu.memory_space<hbm>> -> memref<80x125xi32, #tpu.memory_space<hbm>>
      %dma_wait3A_54 = arith.constant 0 : i32
      %dma_wait3A_55 = tpu.memref_slice %arg4[%mul3A_21, %dma_wait3A_54] : memref<2560x125xi32, #tpu.memory_space<hbm>> -> memref<80x125xi32, #tpu.memory_space<hbm>>
      tpu.wait_dma2 semaphore(%run_scoped3A : memref<!tpu.dma_semaphore, #tpu.memory_space<semaphore_mem>>) src(%dma_wait3A_55 : memref<80x125xi32, #tpu.memory_space<hbm>>) dst(%arg7 : memref<80x125xi32, #tpu.memory_space<vmem>>)
      tpu.yield
    }) : () -> ()
    %barrier3A = arith.constant 0 : index
    tpu.barrier barrier_id(%barrier3A)
    %scan3A_22 = arith.constant 0 : i32
    %scan3A_23 = arith.constant 0 : i32
    %scan3A_24 = arith.constant 80 : i32
    %scan3A_25 = arith.addi %scan3A_23, %scan3A_24 : i32
    %scan3A_26 = arith.constant 1 : i32
    %scan3A_27 = scf.for %scan3A_50 = %scan3A_23 to %scan3A_25 step %scan3A_26 iter_args(%scan3A_51 = %scan3A_22) -> (i32)  : i32 {
      %dma_start3A = arith.constant 0 : i32
      %dma_start3A_52 = tpu.memref_slice %arg6[%scan3A_50, %dma_start3A] : memref<80x125xi32, #tpu.memory_space<vmem>> -> memref<1x125xi32, #tpu.memory_space<vmem>>
      %dma_start3A_53 = tpu.memref_squeeze %dma_start3A_52 : memref<1x125xi32, #tpu.memory_space<vmem>> -> memref<125xi32, #tpu.memory_space<vmem>>
      %dma_start3A_54 = arith.constant 0 : i32
      %dma_start3A_55 = arith.constant 0 : i32
      %dma_start3A_56 = tpu.memref_slice %arg2[%dma_start3A_54, %dma_start3A_55] : memref<10000x64xf32, #tpu.memory_space<hbm>> -> memref<10000x64xf32, #tpu.memory_space<hbm>>
      tpu.enqueue_indirect_dma source(%dma_start3A_56 : memref<10000x64xf32, #tpu.memory_space<hbm>>) target(%arg8 : memref<125x64xf32, #tpu.memory_space<vmem>>) offsets(%dma_start3A_53 : memref<125xi32, #tpu.memory_space<vmem>>) semaphore(%arg11 : memref<!tpu.dma_semaphore, #tpu.memory_space<semaphore_mem>>)
      %dma_wait3A = arith.constant 0 : i32
      %dma_wait3A_57 = tpu.memref_slice %arg6[%scan3A_50, %dma_wait3A] : memref<80x125xi32, #tpu.memory_space<vmem>> -> memref<1x125xi32, #tpu.memory_space<vmem>>
      %dma_wait3A_58 = tpu.memref_squeeze %dma_wait3A_57 : memref<1x125xi32, #tpu.memory_space<vmem>> -> memref<125xi32, #tpu.memory_space<vmem>>
      %dma_wait3A_59 = arith.constant 0 : i32
      %dma_wait3A_60 = arith.constant 0 : i32
      %dma_wait3A_61 = tpu.memref_slice %arg2[%dma_wait3A_59, %dma_wait3A_60] : memref<10000x64xf32, #tpu.memory_space<hbm>> -> memref<10000x64xf32, #tpu.memory_space<hbm>>
      tpu.wait_indirect_dma semaphore(%arg11 : memref<!tpu.dma_semaphore, #tpu.memory_space<semaphore_mem>>) src(%dma_wait3A_61 : memref<10000x64xf32, #tpu.memory_space<hbm>>) dst(%arg8 : memref<125x64xf32, #tpu.memory_space<vmem>>)
      "tpu.region"() ({
        %run_scoped3A = tpu.sem_alloc : memref<!tpu.dma_semaphore, #tpu.memory_space<semaphore_mem>>
        %dma_start3A_63 = arith.constant 0 : i32
        %dma_start3A_64 = tpu.memref_slice %arg7[%scan3A_50, %dma_start3A_63] : memref<80x125xi32, #tpu.memory_space<vmem>> -> memref<1x125xi32, #tpu.memory_space<vmem>>
        %dma_start3A_65 = tpu.memref_squeeze %dma_start3A_64 : memref<1x125xi32, #tpu.memory_space<vmem>> -> memref<125xi32, #tpu.memory_space<vmem>>
        %dma_start3A_66 = arith.constant 0 : i32
        %dma_start3A_67 = arith.constant 0 : i32
        %dma_start3A_68 = tpu.memref_slice %arg10[%dma_start3A_66, %dma_start3A_67] : memref<10240x64xf32, #tpu.memory_space<vmem_shared>> -> memref<10240x64xf32, #tpu.memory_space<vmem_shared>>
        tpu.enqueue_indirect_dma source(%arg8 : memref<125x64xf32, #tpu.memory_space<vmem>>) target(%dma_start3A_68 : memref<10240x64xf32, #tpu.memory_space<vmem_shared>>) offsets(%dma_start3A_65 : memref<125xi32, #tpu.memory_space<vmem>>) semaphore(%run_scoped3A : memref<!tpu.dma_semaphore, #tpu.memory_space<semaphore_mem>>) {add = true}
        %dma_wait3A_69 = arith.constant 0 : i32
        %dma_wait3A_70 = tpu.memref_slice %arg7[%scan3A_50, %dma_wait3A_69] : memref<80x125xi32, #tpu.memory_space<vmem>> -> memref<1x125xi32, #tpu.memory_space<vmem>>
        %dma_wait3A_71 = tpu.memref_squeeze %dma_wait3A_70 : memref<1x125xi32, #tpu.memory_space<vmem>> -> memref<125xi32, #tpu.memory_space<vmem>>
        %dma_wait3A_72 = arith.constant 0 : i32
        %dma_wait3A_73 = arith.constant 0 : i32
        %dma_wait3A_74 = tpu.memref_slice %arg10[%dma_wait3A_72, %dma_wait3A_73] : memref<10240x64xf32, #tpu.memory_space<vmem_shared>> -> memref<10240x64xf32, #tpu.memory_space<vmem_shared>>
        tpu.wait_indirect_dma semaphore(%run_scoped3A : memref<!tpu.dma_semaphore, #tpu.memory_space<semaphore_mem>>) src(%arg8 : memref<125x64xf32, #tpu.memory_space<vmem>>) dst(%dma_wait3A_74 : memref<10240x64xf32, #tpu.memory_space<vmem_shared>>)
        tpu.yield
      }) : () -> ()
      %scan3A_62 = arith.constant 0 : i32
      scf.yield %scan3A_62 : i32
    }
    %scan3A_28 = arith.constant 80 : i32
    %barrier3A_29 = arith.constant 0 : index
    tpu.barrier barrier_id(%barrier3A_29)
    %add3A_30 = arith.constant 0 : i32
    %add3A_31 = arith.addi %mul3A_7, %add3A_30 : i32
    "tpu.region"() ({
      %run_scoped3A = tpu.sem_alloc : memref<!tpu.dma_semaphore, #tpu.memory_space<semaphore_mem>>
      %dma_start3A = arith.constant 0 : i32
      %dma_start3A_50 = tpu.memref_slice %arg10[%add3A_31, %dma_start3A] : memref<10240x64xf32, #tpu.memory_space<vmem_shared>> -> memref<128x64xf32, #tpu.memory_space<vmem_shared>>
      %dma_start3A_51 = arith.constant 0 : i32
      %dma_start3A_52 = tpu.memref_slice %arg10[%add3A_31, %dma_start3A_51] : memref<10240x64xf32, #tpu.memory_space<vmem_shared>> -> memref<128x64xf32, #tpu.memory_space<vmem_shared>>
      tpu.enqueue_dma source(%dma_start3A_52 : memref<128x64xf32, #tpu.memory_space<vmem_shared>>) target(%arg9 : memref<128x64xf32, #tpu.memory_space<vmem>>) target_semaphore(%run_scoped3A : memref<!tpu.dma_semaphore, #tpu.memory_space<semaphore_mem>>)
      %dma_wait3A = arith.constant 0 : i32
      %dma_wait3A_53 = tpu.memref_slice %arg10[%add3A_31, %dma_wait3A] : memref<10240x64xf32, #tpu.memory_space<vmem_shared>> -> memref<128x64xf32, #tpu.memory_space<vmem_shared>>
      %dma_wait3A_54 = arith.constant 0 : i32
      %dma_wait3A_55 = tpu.memref_slice %arg10[%add3A_31, %dma_wait3A_54] : memref<10240x64xf32, #tpu.memory_space<vmem_shared>> -> memref<128x64xf32, #tpu.memory_space<vmem_shared>>
      tpu.wait_dma2 semaphore(%run_scoped3A : memref<!tpu.dma_semaphore, #tpu.memory_space<semaphore_mem>>) src(%dma_wait3A_55 : memref<128x64xf32, #tpu.memory_space<vmem_shared>>) dst(%arg9 : memref<128x64xf32, #tpu.memory_space<vmem>>)
      tpu.yield
    }) : () -> ()
    %add3A_32 = arith.constant 0 : i32
    %add3A_33 = arith.addi %mul3A_7, %add3A_32 : i32
    "tpu.region"() ({
      %run_scoped3A = tpu.sem_alloc : memref<!tpu.dma_semaphore, #tpu.memory_space<semaphore_mem>>
      %dma_start3A = arith.constant 0 : i32
      %dma_start3A_50 = tpu.memref_slice %arg5[%arg0, %add3A_33, %dma_start3A] : memref<2x10240x64xf32, #tpu.memory_space<hbm>> -> memref<1x128x64xf32, #tpu.memory_space<hbm>>
      %dma_start3A_51 = tpu.memref_squeeze %dma_start3A_50 : memref<1x128x64xf32, #tpu.memory_space<hbm>> -> memref<128x64xf32, #tpu.memory_space<hbm>>
      %dma_start3A_52 = arith.constant 0 : i32
      %dma_start3A_53 = tpu.memref_slice %arg5[%arg0, %add3A_33, %dma_start3A_52] : memref<2x10240x64xf32, #tpu.memory_space<hbm>> -> memref<1x128x64xf32, #tpu.memory_space<hbm>>
      %dma_start3A_54 = tpu.memref_squeeze %dma_start3A_53 : memref<1x128x64xf32, #tpu.memory_space<hbm>> -> memref<128x64xf32, #tpu.memory_space<hbm>>
      tpu.enqueue_dma source(%arg9 : memref<128x64xf32, #tpu.memory_space<vmem>>) target(%dma_start3A_54 : memref<128x64xf32, #tpu.memory_space<hbm>>) target_semaphore(%run_scoped3A : memref<!tpu.dma_semaphore, #tpu.memory_space<semaphore_mem>>)
      %dma_wait3A = arith.constant 0 : i32
      %dma_wait3A_55 = tpu.memref_slice %arg5[%arg0, %add3A_33, %dma_wait3A] : memref<2x10240x64xf32, #tpu.memory_space<hbm>> -> memref<1x128x64xf32, #tpu.memory_space<hbm>>
      %dma_wait3A_56 = tpu.memref_squeeze %dma_wait3A_55 : memref<1x128x64xf32, #tpu.memory_space<hbm>> -> memref<128x64xf32, #tpu.memory_space<hbm>>
      %dma_wait3A_57 = arith.constant 0 : i32
      %dma_wait3A_58 = tpu.memref_slice %arg5[%arg0, %add3A_33, %dma_wait3A_57] : memref<2x10240x64xf32, #tpu.memory_space<hbm>> -> memref<1x128x64xf32, #tpu.memory_space<hbm>>
      %dma_wait3A_59 = tpu.memref_squeeze %dma_wait3A_58 : memref<1x128x64xf32, #tpu.memory_space<hbm>> -> memref<128x64xf32, #tpu.memory_space<hbm>>
      tpu.wait_dma2 semaphore(%run_scoped3A : memref<!tpu.dma_semaphore, #tpu.memory_space<semaphore_mem>>) src(%arg9 : memref<128x64xf32, #tpu.memory_space<vmem>>) dst(%dma_wait3A_59 : memref<128x64xf32, #tpu.memory_space<hbm>>)
      tpu.yield
    }) : () -> ()
    %add3A_34 = arith.constant 128 : i32
    %add3A_35 = arith.addi %mul3A_7, %add3A_34 : i32
    "tpu.region"() ({
      %run_scoped3A = tpu.sem_alloc : memref<!tpu.dma_semaphore, #tpu.memory_space<semaphore_mem>>
      %dma_start3A = arith.constant 0 : i32
      %dma_start3A_50 = tpu.memref_slice %arg10[%add3A_35, %dma_start3A] : memref<10240x64xf32, #tpu.memory_space<vmem_shared>> -> memref<128x64xf32, #tpu.memory_space<vmem_shared>>
      %dma_start3A_51 = arith.constant 0 : i32
      %dma_start3A_52 = tpu.memref_slice %arg10[%add3A_35, %dma_start3A_51] : memref<10240x64xf32, #tpu.memory_space<vmem_shared>> -> memref<128x64xf32, #tpu.memory_space<vmem_shared>>
      tpu.enqueue_dma source(%dma_start3A_52 : memref<128x64xf32, #tpu.memory_space<vmem_shared>>) target(%arg9 : memref<128x64xf32, #tpu.memory_space<vmem>>) target_semaphore(%run_scoped3A : memref<!tpu.dma_semaphore, #tpu.memory_space<semaphore_mem>>)
      %dma_wait3A = arith.constant 0 : i32
      %dma_wait3A_53 = tpu.memref_slice %arg10[%add3A_35, %dma_wait3A] : memref<10240x64xf32, #tpu.memory_space<vmem_shared>> -> memref<128x64xf32, #tpu.memory_space<vmem_shared>>
      %dma_wait3A_54 = arith.constant 0 : i32
      %dma_wait3A_55 = tpu.memref_slice %arg10[%add3A_35, %dma_wait3A_54] : memref<10240x64xf32, #tpu.memory_space<vmem_shared>> -> memref<128x64xf32, #tpu.memory_space<vmem_shared>>
      tpu.wait_dma2 semaphore(%run_scoped3A : memref<!tpu.dma_semaphore, #tpu.memory_space<semaphore_mem>>) src(%dma_wait3A_55 : memref<128x64xf32, #tpu.memory_space<vmem_shared>>) dst(%arg9 : memref<128x64xf32, #tpu.memory_space<vmem>>)
      tpu.yield
    }) : () -> ()
    %add3A_36 = arith.constant 128 : i32
    %add3A_37 = arith.addi %mul3A_7, %add3A_36 : i32
    "tpu.region"() ({
      %run_scoped3A = tpu.sem_alloc : memref<!tpu.dma_semaphore, #tpu.memory_space<semaphore_mem>>
      %dma_start3A = arith.constant 0 : i32
      %dma_start3A_50 = tpu.memref_slice %arg5[%arg0, %add3A_37, %dma_start3A] : memref<2x10240x64xf32, #tpu.memory_space<hbm>> -> memref<1x128x64xf32, #tpu.memory_space<hbm>>
      %dma_start3A_51 = tpu.memref_squeeze %dma_start3A_50 : memref<1x128x64xf32, #tpu.memory_space<hbm>> -> memref<128x64xf32, #tpu.memory_space<hbm>>
      %dma_start3A_52 = arith.constant 0 : i32
      %dma_start3A_53 = tpu.memref_slice %arg5[%arg0, %add3A_37, %dma_start3A_52] : memref<2x10240x64xf32, #tpu.memory_space<hbm>> -> memref<1x128x64xf32, #tpu.memory_space<hbm>>
      %dma_start3A_54 = tpu.memref_squeeze %dma_start3A_53 : memref<1x128x64xf32, #tpu.memory_space<hbm>> -> memref<128x64xf32, #tpu.memory_space<hbm>>
      tpu.enqueue_dma source(%arg9 : memref<128x64xf32, #tpu.memory_space<vmem>>) target(%dma_start3A_54 : memref<128x64xf32, #tpu.memory_space<hbm>>) target_semaphore(%run_scoped3A : memref<!tpu.dma_semaphore, #tpu.memory_space<semaphore_mem>>)
      %dma_wait3A = arith.constant 0 : i32
      %dma_wait3A_55 = tpu.memref_slice %arg5[%arg0, %add3A_37, %dma_wait3A] : memref<2x10240x64xf32, #tpu.memory_space<hbm>> -> memref<1x128x64xf32, #tpu.memory_space<hbm>>
      %dma_wait3A_56 = tpu.memref_squeeze %dma_wait3A_55 : memref<1x128x64xf32, #tpu.memory_space<hbm>> -> memref<128x64xf32, #tpu.memory_space<hbm>>
      %dma_wait3A_57 = arith.constant 0 : i32
      %dma_wait3A_58 = tpu.memref_slice %arg5[%arg0, %add3A_37, %dma_wait3A_57] : memref<2x10240x64xf32, #tpu.memory_space<hbm>> -> memref<1x128x64xf32, #tpu.memory_space<hbm>>
      %dma_wait3A_59 = tpu.memref_squeeze %dma_wait3A_58 : memref<1x128x64xf32, #tpu.memory_space<hbm>> -> memref<128x64xf32, #tpu.memory_space<hbm>>
      tpu.wait_dma2 semaphore(%run_scoped3A : memref<!tpu.dma_semaphore, #tpu.memory_space<semaphore_mem>>) src(%arg9 : memref<128x64xf32, #tpu.memory_space<vmem>>) dst(%dma_wait3A_59 : memref<128x64xf32, #tpu.memory_space<hbm>>)
      tpu.yield
    }) : () -> ()
    %add3A_38 = arith.constant 256 : i32
    %add3A_39 = arith.addi %mul3A_7, %add3A_38 : i32
    "tpu.region"() ({
      %run_scoped3A = tpu.sem_alloc : memref<!tpu.dma_semaphore, #tpu.memory_space<semaphore_mem>>
      %dma_start3A = arith.constant 0 : i32
      %dma_start3A_50 = tpu.memref_slice %arg10[%add3A_39, %dma_start3A] : memref<10240x64xf32, #tpu.memory_space<vmem_shared>> -> memref<128x64xf32, #tpu.memory_space<vmem_shared>>
      %dma_start3A_51 = arith.constant 0 : i32
      %dma_start3A_52 = tpu.memref_slice %arg10[%add3A_39, %dma_start3A_51] : memref<10240x64xf32, #tpu.memory_space<vmem_shared>> -> memref<128x64xf32, #tpu.memory_space<vmem_shared>>
      tpu.enqueue_dma source(%dma_start3A_52 : memref<128x64xf32, #tpu.memory_space<vmem_shared>>) target(%arg9 : memref<128x64xf32, #tpu.memory_space<vmem>>) target_semaphore(%run_scoped3A : memref<!tpu.dma_semaphore, #tpu.memory_space<semaphore_mem>>)
      %dma_wait3A = arith.constant 0 : i32
      %dma_wait3A_53 = tpu.memref_slice %arg10[%add3A_39, %dma_wait3A] : memref<10240x64xf32, #tpu.memory_space<vmem_shared>> -> memref<128x64xf32, #tpu.memory_space<vmem_shared>>
      %dma_wait3A_54 = arith.constant 0 : i32
      %dma_wait3A_55 = tpu.memref_slice %arg10[%add3A_39, %dma_wait3A_54] : memref<10240x64xf32, #tpu.memory_space<vmem_shared>> -> memref<128x64xf32, #tpu.memory_space<vmem_shared>>
      tpu.wait_dma2 semaphore(%run_scoped3A : memref<!tpu.dma_semaphore, #tpu.memory_space<semaphore_mem>>) src(%dma_wait3A_55 : memref<128x64xf32, #tpu.memory_space<vmem_shared>>) dst(%arg9 : memref<128x64xf32, #tpu.memory_space<vmem>>)
      tpu.yield
    }) : () -> ()
    %add3A_40 = arith.constant 256 : i32
    %add3A_41 = arith.addi %mul3A_7, %add3A_40 : i32
    "tpu.region"() ({
      %run_scoped3A = tpu.sem_alloc : memref<!tpu.dma_semaphore, #tpu.memory_space<semaphore_mem>>
      %dma_start3A = arith.constant 0 : i32
      %dma_start3A_50 = tpu.memref_slice %arg5[%arg0, %add3A_41, %dma_start3A] : memref<2x10240x64xf32, #tpu.memory_space<hbm>> -> memref<1x128x64xf32, #tpu.memory_space<hbm>>
      %dma_start3A_51 = tpu.memref_squeeze %dma_start3A_50 : memref<1x128x64xf32, #tpu.memory_space<hbm>> -> memref<128x64xf32, #tpu.memory_space<hbm>>
      %dma_start3A_52 = arith.constant 0 : i32
      %dma_start3A_53 = tpu.memref_slice %arg5[%arg0, %add3A_41, %dma_start3A_52] : memref<2x10240x64xf32, #tpu.memory_space<hbm>> -> memref<1x128x64xf32, #tpu.memory_space<hbm>>
      %dma_start3A_54 = tpu.memref_squeeze %dma_start3A_53 : memref<1x128x64xf32, #tpu.memory_space<hbm>> -> memref<128x64xf32, #tpu.memory_space<hbm>>
      tpu.enqueue_dma source(%arg9 : memref<128x64xf32, #tpu.memory_space<vmem>>) target(%dma_start3A_54 : memref<128x64xf32, #tpu.memory_space<hbm>>) target_semaphore(%run_scoped3A : memref<!tpu.dma_semaphore, #tpu.memory_space<semaphore_mem>>)
      %dma_wait3A = arith.constant 0 : i32
      %dma_wait3A_55 = tpu.memref_slice %arg5[%arg0, %add3A_41, %dma_wait3A] : memref<2x10240x64xf32, #tpu.memory_space<hbm>> -> memref<1x128x64xf32, #tpu.memory_space<hbm>>
      %dma_wait3A_56 = tpu.memref_squeeze %dma_wait3A_55 : memref<1x128x64xf32, #tpu.memory_space<hbm>> -> memref<128x64xf32, #tpu.memory_space<hbm>>
      %dma_wait3A_57 = arith.constant 0 : i32
      %dma_wait3A_58 = tpu.memref_slice %arg5[%arg0, %add3A_41, %dma_wait3A_57] : memref<2x10240x64xf32, #tpu.memory_space<hbm>> -> memref<1x128x64xf32, #tpu.memory_space<hbm>>
      %dma_wait3A_59 = tpu.memref_squeeze %dma_wait3A_58 : memref<1x128x64xf32, #tpu.memory_space<hbm>> -> memref<128x64xf32, #tpu.memory_space<hbm>>
      tpu.wait_dma2 semaphore(%run_scoped3A : memref<!tpu.dma_semaphore, #tpu.memory_space<semaphore_mem>>) src(%arg9 : memref<128x64xf32, #tpu.memory_space<vmem>>) dst(%dma_wait3A_59 : memref<128x64xf32, #tpu.memory_space<hbm>>)
      tpu.yield
    }) : () -> ()
    %add3A_42 = arith.constant 384 : i32
    %add3A_43 = arith.addi %mul3A_7, %add3A_42 : i32
    "tpu.region"() ({
      %run_scoped3A = tpu.sem_alloc : memref<!tpu.dma_semaphore, #tpu.memory_space<semaphore_mem>>
      %dma_start3A = arith.constant 0 : i32
      %dma_start3A_50 = tpu.memref_slice %arg10[%add3A_43, %dma_start3A] : memref<10240x64xf32, #tpu.memory_space<vmem_shared>> -> memref<128x64xf32, #tpu.memory_space<vmem_shared>>
      %dma_start3A_51 = arith.constant 0 : i32
      %dma_start3A_52 = tpu.memref_slice %arg10[%add3A_43, %dma_start3A_51] : memref<10240x64xf32, #tpu.memory_space<vmem_shared>> -> memref<128x64xf32, #tpu.memory_space<vmem_shared>>
      tpu.enqueue_dma source(%dma_start3A_52 : memref<128x64xf32, #tpu.memory_space<vmem_shared>>) target(%arg9 : memref<128x64xf32, #tpu.memory_space<vmem>>) target_semaphore(%run_scoped3A : memref<!tpu.dma_semaphore, #tpu.memory_space<semaphore_mem>>)
      %dma_wait3A = arith.constant 0 : i32
      %dma_wait3A_53 = tpu.memref_slice %arg10[%add3A_43, %dma_wait3A] : memref<10240x64xf32, #tpu.memory_space<vmem_shared>> -> memref<128x64xf32, #tpu.memory_space<vmem_shared>>
      %dma_wait3A_54 = arith.constant 0 : i32
      %dma_wait3A_55 = tpu.memref_slice %arg10[%add3A_43, %dma_wait3A_54] : memref<10240x64xf32, #tpu.memory_space<vmem_shared>> -> memref<128x64xf32, #tpu.memory_space<vmem_shared>>
      tpu.wait_dma2 semaphore(%run_scoped3A : memref<!tpu.dma_semaphore, #tpu.memory_space<semaphore_mem>>) src(%dma_wait3A_55 : memref<128x64xf32, #tpu.memory_space<vmem_shared>>) dst(%arg9 : memref<128x64xf32, #tpu.memory_space<vmem>>)
      tpu.yield
    }) : () -> ()
    %add3A_44 = arith.constant 384 : i32
    %add3A_45 = arith.addi %mul3A_7, %add3A_44 : i32
    "tpu.region"() ({
      %run_scoped3A = tpu.sem_alloc : memref<!tpu.dma_semaphore, #tpu.memory_space<semaphore_mem>>
      %dma_start3A = arith.constant 0 : i32
      %dma_start3A_50 = tpu.memref_slice %arg5[%arg0, %add3A_45, %dma_start3A] : memref<2x10240x64xf32, #tpu.memory_space<hbm>> -> memref<1x128x64xf32, #tpu.memory_space<hbm>>
      %dma_start3A_51 = tpu.memref_squeeze %dma_start3A_50 : memref<1x128x64xf32, #tpu.memory_space<hbm>> -> memref<128x64xf32, #tpu.memory_space<hbm>>
      %dma_start3A_52 = arith.constant 0 : i32
      %dma_start3A_53 = tpu.memref_slice %arg5[%arg0, %add3A_45, %dma_start3A_52] : memref<2x10240x64xf32, #tpu.memory_space<hbm>> -> memref<1x128x64xf32, #tpu.memory_space<hbm>>
      %dma_start3A_54 = tpu.memref_squeeze %dma_start3A_53 : memref<1x128x64xf32, #tpu.memory_space<hbm>> -> memref<128x64xf32, #tpu.memory_space<hbm>>
      tpu.enqueue_dma source(%arg9 : memref<128x64xf32, #tpu.memory_space<vmem>>) target(%dma_start3A_54 : memref<128x64xf32, #tpu.memory_space<hbm>>) target_semaphore(%run_scoped3A : memref<!tpu.dma_semaphore, #tpu.memory_space<semaphore_mem>>)
      %dma_wait3A = arith.constant 0 : i32
      %dma_wait3A_55 = tpu.memref_slice %arg5[%arg0, %add3A_45, %dma_wait3A] : memref<2x10240x64xf32, #tpu.memory_space<hbm>> -> memref<1x128x64xf32, #tpu.memory_space<hbm>>
      %dma_wait3A_56 = tpu.memref_squeeze %dma_wait3A_55 : memref<1x128x64xf32, #tpu.memory_space<hbm>> -> memref<128x64xf32, #tpu.memory_space<hbm>>
      %dma_wait3A_57 = arith.constant 0 : i32
      %dma_wait3A_58 = tpu.memref_slice %arg5[%arg0, %add3A_45, %dma_wait3A_57] : memref<2x10240x64xf32, #tpu.memory_space<hbm>> -> memref<1x128x64xf32, #tpu.memory_space<hbm>>
      %dma_wait3A_59 = tpu.memref_squeeze %dma_wait3A_58 : memref<1x128x64xf32, #tpu.memory_space<hbm>> -> memref<128x64xf32, #tpu.memory_space<hbm>>
      tpu.wait_dma2 semaphore(%run_scoped3A : memref<!tpu.dma_semaphore, #tpu.memory_space<semaphore_mem>>) src(%arg9 : memref<128x64xf32, #tpu.memory_space<vmem>>) dst(%dma_wait3A_59 : memref<128x64xf32, #tpu.memory_space<hbm>>)
      tpu.yield
    }) : () -> ()
    %add3A_46 = arith.constant 512 : i32
    %add3A_47 = arith.addi %mul3A_7, %add3A_46 : i32
    "tpu.region"() ({
      %run_scoped3A = tpu.sem_alloc : memref<!tpu.dma_semaphore, #tpu.memory_space<semaphore_mem>>
      %dma_start3A = arith.constant 0 : i32
      %dma_start3A_50 = tpu.memref_slice %arg10[%add3A_47, %dma_start3A] : memref<10240x64xf32, #tpu.memory_space<vmem_shared>> -> memref<128x64xf32, #tpu.memory_space<vmem_shared>>
      %dma_start3A_51 = arith.constant 0 : i32
      %dma_start3A_52 = tpu.memref_slice %arg10[%add3A_47, %dma_start3A_51] : memref<10240x64xf32, #tpu.memory_space<vmem_shared>> -> memref<128x64xf32, #tpu.memory_space<vmem_shared>>
      tpu.enqueue_dma source(%dma_start3A_52 : memref<128x64xf32, #tpu.memory_space<vmem_shared>>) target(%arg9 : memref<128x64xf32, #tpu.memory_space<vmem>>) target_semaphore(%run_scoped3A : memref<!tpu.dma_semaphore, #tpu.memory_space<semaphore_mem>>)
      %dma_wait3A = arith.constant 0 : i32
      %dma_wait3A_53 = tpu.memref_slice %arg10[%add3A_47, %dma_wait3A] : memref<10240x64xf32, #tpu.memory_space<vmem_shared>> -> memref<128x64xf32, #tpu.memory_space<vmem_shared>>
      %dma_wait3A_54 = arith.constant 0 : i32
      %dma_wait3A_55 = tpu.memref_slice %arg10[%add3A_47, %dma_wait3A_54] : memref<10240x64xf32, #tpu.memory_space<vmem_shared>> -> memref<128x64xf32, #tpu.memory_space<vmem_shared>>
      tpu.wait_dma2 semaphore(%run_scoped3A : memref<!tpu.dma_semaphore, #tpu.memory_space<semaphore_mem>>) src(%dma_wait3A_55 : memref<128x64xf32, #tpu.memory_space<vmem_shared>>) dst(%arg9 : memref<128x64xf32, #tpu.memory_space<vmem>>)
      tpu.yield
    }) : () -> ()
    %add3A_48 = arith.constant 512 : i32
    %add3A_49 = arith.addi %mul3A_7, %add3A_48 : i32
    "tpu.region"() ({
      %run_scoped3A = tpu.sem_alloc : memref<!tpu.dma_semaphore, #tpu.memory_space<semaphore_mem>>
      %dma_start3A = arith.constant 0 : i32
      %dma_start3A_50 = tpu.memref_slice %arg5[%arg0, %add3A_49, %dma_start3A] : memref<2x10240x64xf32, #tpu.memory_space<hbm>> -> memref<1x128x64xf32, #tpu.memory_space<hbm>>
      %dma_start3A_51 = tpu.memref_squeeze %dma_start3A_50 : memref<1x128x64xf32, #tpu.memory_space<hbm>> -> memref<128x64xf32, #tpu.memory_space<hbm>>
      %dma_start3A_52 = arith.constant 0 : i32
      %dma_start3A_53 = tpu.memref_slice %arg5[%arg0, %add3A_49, %dma_start3A_52] : memref<2x10240x64xf32, #tpu.memory_space<hbm>> -> memref<1x128x64xf32, #tpu.memory_space<hbm>>
      %dma_start3A_54 = tpu.memref_squeeze %dma_start3A_53 : memref<1x128x64xf32, #tpu.memory_space<hbm>> -> memref<128x64xf32, #tpu.memory_space<hbm>>
      tpu.enqueue_dma source(%arg9 : memref<128x64xf32, #tpu.memory_space<vmem>>) target(%dma_start3A_54 : memref<128x64xf32, #tpu.memory_space<hbm>>) target_semaphore(%run_scoped3A : memref<!tpu.dma_semaphore, #tpu.memory_space<semaphore_mem>>)
      %dma_wait3A = arith.constant 0 : i32
      %dma_wait3A_55 = tpu.memref_slice %arg5[%arg0, %add3A_49, %dma_wait3A] : memref<2x10240x64xf32, #tpu.memory_space<hbm>> -> memref<1x128x64xf32, #tpu.memory_space<hbm>>
      %dma_wait3A_56 = tpu.memref_squeeze %dma_wait3A_55 : memref<1x128x64xf32, #tpu.memory_space<hbm>> -> memref<128x64xf32, #tpu.memory_space<hbm>>
      %dma_wait3A_57 = arith.constant 0 : i32
      %dma_wait3A_58 = tpu.memref_slice %arg5[%arg0, %add3A_49, %dma_wait3A_57] : memref<2x10240x64xf32, #tpu.memory_space<hbm>> -> memref<1x128x64xf32, #tpu.memory_space<hbm>>
      %dma_wait3A_59 = tpu.memref_squeeze %dma_wait3A_58 : memref<1x128x64xf32, #tpu.memory_space<hbm>> -> memref<128x64xf32, #tpu.memory_space<hbm>>
      tpu.wait_dma2 semaphore(%run_scoped3A : memref<!tpu.dma_semaphore, #tpu.memory_space<semaphore_mem>>) src(%arg9 : memref<128x64xf32, #tpu.memory_space<vmem>>) dst(%dma_wait3A_59 : memref<128x64xf32, #tpu.memory_space<hbm>>)
      tpu.yield
    }) : () -> ()
    return
  }
}

#map = affine_map<(d0, d1) -> (0, 0)>
#map1 = affine_map<(d0, d1) -> (0, 0, 0)>
module attributes {stable_mosaic.version = 14 : i64} {
  func.func @agg_kernel(%arg0: i32, %arg1: i32, %arg2: memref<10000x64xf32, #tpu.memory_space<hbm>>, %arg3: memref<2560x125xi32, #tpu.memory_space<hbm>>, %arg4: memref<2560x125xi32, #tpu.memory_space<hbm>>, %arg5: memref<2x10240x64xf32, #tpu.memory_space<hbm>>, %arg6: memref<80x125xi32, #tpu.memory_space<vmem>>, %arg7: memref<80x125xi32, #tpu.memory_space<vmem>>, %arg8: memref<125x64xf32, #tpu.memory_space<vmem>>, %arg9: memref<128x64xf32, #tpu.memory_space<vmem>>, %arg10: memref<10240x64xf32, #tpu.memory_space<vmem_shared>>, %arg11: memref<!tpu.dma_semaphore, #tpu.memory_space<semaphore_mem>>) attributes {dimension_semantics = [#tpu.dimension_semantics<core_parallel>, #tpu.dimension_semantics<subcore_parallel>], iteration_bounds = array<i64: 2, 16>, scalar_prefetch = 0 : i64, scratch_operands = 6 : i64, tpu.core_type = #tpu.core_type<sc_vector_subcore>, window_params = [{transform_indices = #map}, {transform_indices = #map}, {transform_indices = #map}, {transform_indices = #map1}]} {
    %broadcast_in_dim3A = arith.constant 0.000000e+00 : f32
    %broadcast_in_dim3A_0 = vector.broadcast %broadcast_in_dim3A : f32 to vector<16xf32>
    %scan3A = arith.constant 0 : i32
    %scan3A_1 = arith.constant 0 : i32
    %scan3A_2 = arith.constant 128 : i32
    %scan3A_3 = arith.addi %scan3A_1, %scan3A_2 : i32
    %scan3A_4 = arith.constant 1 : i32
    %scan3A_5 = scf.for %scan3A_50 = %scan3A_1 to %scan3A_3 step %scan3A_4 iter_args(%scan3A_51 = %scan3A) -> (i32)  : i32 {
      %scan3A_52 = arith.constant 0 : i32
      %scan3A_53 = arith.constant 0 : i32
      %scan3A_54 = arith.constant 4 : i32
      %scan3A_55 = arith.addi %scan3A_53, %scan3A_54 : i32
      %scan3A_56 = arith.constant 1 : i32
      %scan3A_57 = scf.for %scan3A_59 = %scan3A_53 to %scan3A_55 step %scan3A_56 iter_args(%scan3A_60 = %scan3A_52) -> (i32)  : i32 {
        %mul3A_61 = arith.constant 16 : i32
        %mul3A_62 = arith.muli %scan3A_59, %mul3A_61 : i32
        %swap3A = arith.index_cast %scan3A_50 : i32 to index
        %swap3A_63 = arith.index_cast %mul3A_62 : i32 to index
        %swap3A_64 = tpu.vector_load %arg9[%swap3A, %swap3A_63] {strides = array<i32>} : memref<128x64xf32, #tpu.memory_space<vmem>>, vector<1x16xf32>,
        %swap3A_65 = vector.shape_cast %swap3A_64 : vector<1x16xf32> to vector<16xf32>
        %swap3A_66 = vector.shape_cast %broadcast_in_dim3A_0 : vector<16xf32> to vector<1x16xf32>
        tpu.vector_store %arg9[%swap3A, %swap3A_63], %swap3A_66 {strides = array<i32>} : memref<128x64xf32, #tpu.memory_space<vmem>>, vector<1x16xf32>,
        %scan3A_67 = arith.constant 0 : i32
        scf.yield %scan3A_67 : i32
      }
      %scan3A_58 = arith.constant 4 : i32
      scf.yield %scan3A_57 : i32
    }
    %scan3A_6 = arith.constant 128 : i32
    %mul3A = arith.constant 640 : i32
    %mul3A_7 = arith.muli %arg1, %mul3A : i32
    %add3A = arith.constant 0 : i32
    %add3A_8 = arith.addi %mul3A_7, %add3A : i32
    "tpu.region"() ({
      %run_scoped3A = tpu.sem_alloc : memref<!tpu.dma_semaphore, #tpu.memory_space<semaphore_mem>>
      %dma_start3A = arith.constant 0 : i32
      %dma_start3A_50 = tpu.memref_slice %arg10[%add3A_8, %dma_start3A] : memref<10240x64xf32, #tpu.memory_space<vmem_shared>> -> memref<128x64xf32, #tpu.memory_space<vmem_shared>>
      %dma_start3A_51 = arith.constant 0 : i32
      %dma_start3A_52 = tpu.memref_slice %arg10[%add3A_8, %dma_start3A_51] : memref<10240x64xf32, #tpu.memory_space<vmem_shared>> -> memref<128x64xf32, #tpu.memory_space<vmem_shared>>
      tpu.enqueue_dma source(%arg9 : memref<128x64xf32, #tpu.memory_space<vmem>>) target(%dma_start3A_52 : memref<128x64xf32, #tpu.memory_space<vmem_shared>>) target_semaphore(%run_scoped3A : memref<!tpu.dma_semaphore, #tpu.memory_space<semaphore_mem>>)
      %dma_wait3A = arith.constant 0 : i32
      %dma_wait3A_53 = tpu.memref_slice %arg10[%add3A_8, %dma_wait3A] : memref<10240x64xf32, #tpu.memory_space<vmem_shared>> -> memref<128x64xf32, #tpu.memory_space<vmem_shared>>
      %dma_wait3A_54 = arith.constant 0 : i32
      %dma_wait3A_55 = tpu.memref_slice %arg10[%add3A_8, %dma_wait3A_54] : memref<10240x64xf32, #tpu.memory_space<vmem_shared>> -> memref<128x64xf32, #tpu.memory_space<vmem_shared>>
      tpu.wait_dma2 semaphore(%run_scoped3A : memref<!tpu.dma_semaphore, #tpu.memory_space<semaphore_mem>>) src(%arg9 : memref<128x64xf32, #tpu.memory_space<vmem>>) dst(%dma_wait3A_55 : memref<128x64xf32, #tpu.memory_space<vmem_shared>>)
      tpu.yield
    }) : () -> ()
    %add3A_9 = arith.constant 128 : i32
    %add3A_10 = arith.addi %mul3A_7, %add3A_9 : i32
    "tpu.region"() ({
      %run_scoped3A = tpu.sem_alloc : memref<!tpu.dma_semaphore, #tpu.memory_space<semaphore_mem>>
      %dma_start3A = arith.constant 0 : i32
      %dma_start3A_50 = tpu.memref_slice %arg10[%add3A_10, %dma_start3A] : memref<10240x64xf32, #tpu.memory_space<vmem_shared>> -> memref<128x64xf32, #tpu.memory_space<vmem_shared>>
      %dma_start3A_51 = arith.constant 0 : i32
      %dma_start3A_52 = tpu.memref_slice %arg10[%add3A_10, %dma_start3A_51] : memref<10240x64xf32, #tpu.memory_space<vmem_shared>> -> memref<128x64xf32, #tpu.memory_space<vmem_shared>>
      tpu.enqueue_dma source(%arg9 : memref<128x64xf32, #tpu.memory_space<vmem>>) target(%dma_start3A_52 : memref<128x64xf32, #tpu.memory_space<vmem_shared>>) target_semaphore(%run_scoped3A : memref<!tpu.dma_semaphore, #tpu.memory_space<semaphore_mem>>)
      %dma_wait3A = arith.constant 0 : i32
      %dma_wait3A_53 = tpu.memref_slice %arg10[%add3A_10, %dma_wait3A] : memref<10240x64xf32, #tpu.memory_space<vmem_shared>> -> memref<128x64xf32, #tpu.memory_space<vmem_shared>>
      %dma_wait3A_54 = arith.constant 0 : i32
      %dma_wait3A_55 = tpu.memref_slice %arg10[%add3A_10, %dma_wait3A_54] : memref<10240x64xf32, #tpu.memory_space<vmem_shared>> -> memref<128x64xf32, #tpu.memory_space<vmem_shared>>
      tpu.wait_dma2 semaphore(%run_scoped3A : memref<!tpu.dma_semaphore, #tpu.memory_space<semaphore_mem>>) src(%arg9 : memref<128x64xf32, #tpu.memory_space<vmem>>) dst(%dma_wait3A_55 : memref<128x64xf32, #tpu.memory_space<vmem_shared>>)
      tpu.yield
    }) : () -> ()
    %add3A_11 = arith.constant 256 : i32
    %add3A_12 = arith.addi %mul3A_7, %add3A_11 : i32
    "tpu.region"() ({
      %run_scoped3A = tpu.sem_alloc : memref<!tpu.dma_semaphore, #tpu.memory_space<semaphore_mem>>
      %dma_start3A = arith.constant 0 : i32
      %dma_start3A_50 = tpu.memref_slice %arg10[%add3A_12, %dma_start3A] : memref<10240x64xf32, #tpu.memory_space<vmem_shared>> -> memref<128x64xf32, #tpu.memory_space<vmem_shared>>
      %dma_start3A_51 = arith.constant 0 : i32
      %dma_start3A_52 = tpu.memref_slice %arg10[%add3A_12, %dma_start3A_51] : memref<10240x64xf32, #tpu.memory_space<vmem_shared>> -> memref<128x64xf32, #tpu.memory_space<vmem_shared>>
      tpu.enqueue_dma source(%arg9 : memref<128x64xf32, #tpu.memory_space<vmem>>) target(%dma_start3A_52 : memref<128x64xf32, #tpu.memory_space<vmem_shared>>) target_semaphore(%run_scoped3A : memref<!tpu.dma_semaphore, #tpu.memory_space<semaphore_mem>>)
      %dma_wait3A = arith.constant 0 : i32
      %dma_wait3A_53 = tpu.memref_slice %arg10[%add3A_12, %dma_wait3A] : memref<10240x64xf32, #tpu.memory_space<vmem_shared>> -> memref<128x64xf32, #tpu.memory_space<vmem_shared>>
      %dma_wait3A_54 = arith.constant 0 : i32
      %dma_wait3A_55 = tpu.memref_slice %arg10[%add3A_12, %dma_wait3A_54] : memref<10240x64xf32, #tpu.memory_space<vmem_shared>> -> memref<128x64xf32, #tpu.memory_space<vmem_shared>>
      tpu.wait_dma2 semaphore(%run_scoped3A : memref<!tpu.dma_semaphore, #tpu.memory_space<semaphore_mem>>) src(%arg9 : memref<128x64xf32, #tpu.memory_space<vmem>>) dst(%dma_wait3A_55 : memref<128x64xf32, #tpu.memory_space<vmem_shared>>)
      tpu.yield
    }) : () -> ()
    %add3A_13 = arith.constant 384 : i32
    %add3A_14 = arith.addi %mul3A_7, %add3A_13 : i32
    "tpu.region"() ({
      %run_scoped3A = tpu.sem_alloc : memref<!tpu.dma_semaphore, #tpu.memory_space<semaphore_mem>>
      %dma_start3A = arith.constant 0 : i32
      %dma_start3A_50 = tpu.memref_slice %arg10[%add3A_14, %dma_start3A] : memref<10240x64xf32, #tpu.memory_space<vmem_shared>> -> memref<128x64xf32, #tpu.memory_space<vmem_shared>>
      %dma_start3A_51 = arith.constant 0 : i32
      %dma_start3A_52 = tpu.memref_slice %arg10[%add3A_14, %dma_start3A_51] : memref<10240x64xf32, #tpu.memory_space<vmem_shared>> -> memref<128x64xf32, #tpu.memory_space<vmem_shared>>
      tpu.enqueue_dma source(%arg9 : memref<128x64xf32, #tpu.memory_space<vmem>>) target(%dma_start3A_52 : memref<128x64xf32, #tpu.memory_space<vmem_shared>>) target_semaphore(%run_scoped3A : memref<!tpu.dma_semaphore, #tpu.memory_space<semaphore_mem>>)
      %dma_wait3A = arith.constant 0 : i32
      %dma_wait3A_53 = tpu.memref_slice %arg10[%add3A_14, %dma_wait3A] : memref<10240x64xf32, #tpu.memory_space<vmem_shared>> -> memref<128x64xf32, #tpu.memory_space<vmem_shared>>
      %dma_wait3A_54 = arith.constant 0 : i32
      %dma_wait3A_55 = tpu.memref_slice %arg10[%add3A_14, %dma_wait3A_54] : memref<10240x64xf32, #tpu.memory_space<vmem_shared>> -> memref<128x64xf32, #tpu.memory_space<vmem_shared>>
      tpu.wait_dma2 semaphore(%run_scoped3A : memref<!tpu.dma_semaphore, #tpu.memory_space<semaphore_mem>>) src(%arg9 : memref<128x64xf32, #tpu.memory_space<vmem>>) dst(%dma_wait3A_55 : memref<128x64xf32, #tpu.memory_space<vmem_shared>>)
      tpu.yield
    }) : () -> ()
    %add3A_15 = arith.constant 512 : i32
    %add3A_16 = arith.addi %mul3A_7, %add3A_15 : i32
    "tpu.region"() ({
      %run_scoped3A = tpu.sem_alloc : memref<!tpu.dma_semaphore, #tpu.memory_space<semaphore_mem>>
      %dma_start3A = arith.constant 0 : i32
      %dma_start3A_50 = tpu.memref_slice %arg10[%add3A_16, %dma_start3A] : memref<10240x64xf32, #tpu.memory_space<vmem_shared>> -> memref<128x64xf32, #tpu.memory_space<vmem_shared>>
      %dma_start3A_51 = arith.constant 0 : i32
      %dma_start3A_52 = tpu.memref_slice %arg10[%add3A_16, %dma_start3A_51] : memref<10240x64xf32, #tpu.memory_space<vmem_shared>> -> memref<128x64xf32, #tpu.memory_space<vmem_shared>>
      tpu.enqueue_dma source(%arg9 : memref<128x64xf32, #tpu.memory_space<vmem>>) target(%dma_start3A_52 : memref<128x64xf32, #tpu.memory_space<vmem_shared>>) target_semaphore(%run_scoped3A : memref<!tpu.dma_semaphore, #tpu.memory_space<semaphore_mem>>)
      %dma_wait3A = arith.constant 0 : i32
      %dma_wait3A_53 = tpu.memref_slice %arg10[%add3A_16, %dma_wait3A] : memref<10240x64xf32, #tpu.memory_space<vmem_shared>> -> memref<128x64xf32, #tpu.memory_space<vmem_shared>>
      %dma_wait3A_54 = arith.constant 0 : i32
      %dma_wait3A_55 = tpu.memref_slice %arg10[%add3A_16, %dma_wait3A_54] : memref<10240x64xf32, #tpu.memory_space<vmem_shared>> -> memref<128x64xf32, #tpu.memory_space<vmem_shared>>
      tpu.wait_dma2 semaphore(%run_scoped3A : memref<!tpu.dma_semaphore, #tpu.memory_space<semaphore_mem>>) src(%arg9 : memref<128x64xf32, #tpu.memory_space<vmem>>) dst(%dma_wait3A_55 : memref<128x64xf32, #tpu.memory_space<vmem_shared>>)
      tpu.yield
    }) : () -> ()
    %mul3A_17 = arith.constant 16 : i32
    %mul3A_18 = arith.muli %arg0, %mul3A_17 : i32
    %add3A_19 = arith.addi %mul3A_18, %arg1 : i32
    %mul3A_20 = arith.constant 80 : i32
    %mul3A_21 = arith.muli %add3A_19, %mul3A_20 : i32
    "tpu.region"() ({
      %run_scoped3A = tpu.sem_alloc : memref<!tpu.dma_semaphore, #tpu.memory_space<semaphore_mem>>
      %dma_start3A = arith.constant 0 : i32
      %dma_start3A_50 = tpu.memref_slice %arg3[%mul3A_21, %dma_start3A] : memref<2560x125xi32, #tpu.memory_space<hbm>> -> memref<80x125xi32, #tpu.memory_space<hbm>>
      %dma_start3A_51 = arith.constant 0 : i32
      %dma_start3A_52 = tpu.memref_slice %arg3[%mul3A_21, %dma_start3A_51] : memref<2560x125xi32, #tpu.memory_space<hbm>> -> memref<80x125xi32, #tpu.memory_space<hbm>>
      tpu.enqueue_dma source(%dma_start3A_52 : memref<80x125xi32, #tpu.memory_space<hbm>>) target(%arg6 : memref<80x125xi32, #tpu.memory_space<vmem>>) target_semaphore(%run_scoped3A : memref<!tpu.dma_semaphore, #tpu.memory_space<semaphore_mem>>)
      %dma_wait3A = arith.constant 0 : i32
      %dma_wait3A_53 = tpu.memref_slice %arg3[%mul3A_21, %dma_wait3A] : memref<2560x125xi32, #tpu.memory_space<hbm>> -> memref<80x125xi32, #tpu.memory_space<hbm>>
      %dma_wait3A_54 = arith.constant 0 : i32
      %dma_wait3A_55 = tpu.memref_slice %arg3[%mul3A_21, %dma_wait3A_54] : memref<2560x125xi32, #tpu.memory_space<hbm>> -> memref<80x125xi32, #tpu.memory_space<hbm>>
      tpu.wait_dma2 semaphore(%run_scoped3A : memref<!tpu.dma_semaphore, #tpu.memory_space<semaphore_mem>>) src(%dma_wait3A_55 : memref<80x125xi32, #tpu.memory_space<hbm>>) dst(%arg6 : memref<80x125xi32, #tpu.memory_space<vmem>>)
      tpu.yield
    }) : () -> ()
    "tpu.region"() ({
      %run_scoped3A = tpu.sem_alloc : memref<!tpu.dma_semaphore, #tpu.memory_space<semaphore_mem>>
      %dma_start3A = arith.constant 0 : i32
      %dma_start3A_50 = tpu.memref_slice %arg4[%mul3A_21, %dma_start3A] : memref<2560x125xi32, #tpu.memory_space<hbm>> -> memref<80x125xi32, #tpu.memory_space<hbm>>
      %dma_start3A_51 = arith.constant 0 : i32
      %dma_start3A_52 = tpu.memref_slice %arg4[%mul3A_21, %dma_start3A_51] : memref<2560x125xi32, #tpu.memory_space<hbm>> -> memref<80x125xi32, #tpu.memory_space<hbm>>
      tpu.enqueue_dma source(%dma_start3A_52 : memref<80x125xi32, #tpu.memory_space<hbm>>) target(%arg7 : memref<80x125xi32, #tpu.memory_space<vmem>>) target_semaphore(%run_scoped3A : memref<!tpu.dma_semaphore, #tpu.memory_space<semaphore_mem>>)
      %dma_wait3A = arith.constant 0 : i32
      %dma_wait3A_53 = tpu.memref_slice %arg4[%mul3A_21, %dma_wait3A] : memref<2560x125xi32, #tpu.memory_space<hbm>> -> memref<80x125xi32, #tpu.memory_space<hbm>>
      %dma_wait3A_54 = arith.constant 0 : i32
      %dma_wait3A_55 = tpu.memref_slice %arg4[%mul3A_21, %dma_wait3A_54] : memref<2560x125xi32, #tpu.memory_space<hbm>> -> memref<80x125xi32, #tpu.memory_space<hbm>>
      tpu.wait_dma2 semaphore(%run_scoped3A : memref<!tpu.dma_semaphore, #tpu.memory_space<semaphore_mem>>) src(%dma_wait3A_55 : memref<80x125xi32, #tpu.memory_space<hbm>>) dst(%arg7 : memref<80x125xi32, #tpu.memory_space<vmem>>)
      tpu.yield
    }) : () -> ()
    %barrier3A = arith.constant 0 : index
    tpu.barrier barrier_id(%barrier3A)
    %scan3A_22 = arith.constant 0 : i32
    %scan3A_23 = arith.constant 0 : i32
    %scan3A_24 = arith.constant 80 : i32
    %scan3A_25 = arith.addi %scan3A_23, %scan3A_24 : i32
    %scan3A_26 = arith.constant 1 : i32
    %scan3A_27 = scf.for %scan3A_50 = %scan3A_23 to %scan3A_25 step %scan3A_26 iter_args(%scan3A_51 = %scan3A_22) -> (i32)  : i32 {
      %dma_start3A = arith.constant 0 : i32
      %dma_start3A_52 = tpu.memref_slice %arg6[%scan3A_50, %dma_start3A] : memref<80x125xi32, #tpu.memory_space<vmem>> -> memref<1x125xi32, #tpu.memory_space<vmem>>
      %dma_start3A_53 = tpu.memref_squeeze %dma_start3A_52 : memref<1x125xi32, #tpu.memory_space<vmem>> -> memref<125xi32, #tpu.memory_space<vmem>>
      %dma_start3A_54 = arith.constant 0 : i32
      %dma_start3A_55 = arith.constant 0 : i32
      %dma_start3A_56 = tpu.memref_slice %arg2[%dma_start3A_54, %dma_start3A_55] : memref<10000x64xf32, #tpu.memory_space<hbm>> -> memref<10000x64xf32, #tpu.memory_space<hbm>>
      tpu.enqueue_indirect_dma source(%dma_start3A_56 : memref<10000x64xf32, #tpu.memory_space<hbm>>) target(%arg8 : memref<125x64xf32, #tpu.memory_space<vmem>>) offsets(%dma_start3A_53 : memref<125xi32, #tpu.memory_space<vmem>>) semaphore(%arg11 : memref<!tpu.dma_semaphore, #tpu.memory_space<semaphore_mem>>)
      %dma_wait3A = arith.constant 0 : i32
      %dma_wait3A_57 = tpu.memref_slice %arg6[%scan3A_50, %dma_wait3A] : memref<80x125xi32, #tpu.memory_space<vmem>> -> memref<1x125xi32, #tpu.memory_space<vmem>>
      %dma_wait3A_58 = tpu.memref_squeeze %dma_wait3A_57 : memref<1x125xi32, #tpu.memory_space<vmem>> -> memref<125xi32, #tpu.memory_space<vmem>>
      %dma_wait3A_59 = arith.constant 0 : i32
      %dma_wait3A_60 = arith.constant 0 : i32
      %dma_wait3A_61 = tpu.memref_slice %arg2[%dma_wait3A_59, %dma_wait3A_60] : memref<10000x64xf32, #tpu.memory_space<hbm>> -> memref<10000x64xf32, #tpu.memory_space<hbm>>
      tpu.wait_indirect_dma semaphore(%arg11 : memref<!tpu.dma_semaphore, #tpu.memory_space<semaphore_mem>>) src(%dma_wait3A_61 : memref<10000x64xf32, #tpu.memory_space<hbm>>) dst(%arg8 : memref<125x64xf32, #tpu.memory_space<vmem>>)
      "tpu.region"() ({
        %run_scoped3A = tpu.sem_alloc : memref<!tpu.dma_semaphore, #tpu.memory_space<semaphore_mem>>
        %dma_start3A_63 = arith.constant 0 : i32
        %dma_start3A_64 = tpu.memref_slice %arg7[%scan3A_50, %dma_start3A_63] : memref<80x125xi32, #tpu.memory_space<vmem>> -> memref<1x125xi32, #tpu.memory_space<vmem>>
        %dma_start3A_65 = tpu.memref_squeeze %dma_start3A_64 : memref<1x125xi32, #tpu.memory_space<vmem>> -> memref<125xi32, #tpu.memory_space<vmem>>
        %dma_start3A_66 = arith.constant 0 : i32
        %dma_start3A_67 = arith.constant 0 : i32
        %dma_start3A_68 = tpu.memref_slice %arg10[%dma_start3A_66, %dma_start3A_67] : memref<10240x64xf32, #tpu.memory_space<vmem_shared>> -> memref<10240x64xf32, #tpu.memory_space<vmem_shared>>
        tpu.enqueue_indirect_dma source(%arg8 : memref<125x64xf32, #tpu.memory_space<vmem>>) target(%dma_start3A_68 : memref<10240x64xf32, #tpu.memory_space<vmem_shared>>) offsets(%dma_start3A_65 : memref<125xi32, #tpu.memory_space<vmem>>) semaphore(%run_scoped3A : memref<!tpu.dma_semaphore, #tpu.memory_space<semaphore_mem>>) {add = true}
        %dma_wait3A_69 = arith.constant 0 : i32
        %dma_wait3A_70 = tpu.memref_slice %arg7[%scan3A_50, %dma_wait3A_69] : memref<80x125xi32, #tpu.memory_space<vmem>> -> memref<1x125xi32, #tpu.memory_space<vmem>>
        %dma_wait3A_71 = tpu.memref_squeeze %dma_wait3A_70 : memref<1x125xi32, #tpu.memory_space<vmem>> -> memref<125xi32, #tpu.memory_space<vmem>>
        %dma_wait3A_72 = arith.constant 0 : i32
        %dma_wait3A_73 = arith.constant 0 : i32
        %dma_wait3A_74 = tpu.memref_slice %arg10[%dma_wait3A_72, %dma_wait3A_73] : memref<10240x64xf32, #tpu.memory_space<vmem_shared>> -> memref<10240x64xf32, #tpu.memory_space<vmem_shared>>
        tpu.wait_indirect_dma semaphore(%run_scoped3A : memref<!tpu.dma_semaphore, #tpu.memory_space<semaphore_mem>>) src(%arg8 : memref<125x64xf32, #tpu.memory_space<vmem>>) dst(%dma_wait3A_74 : memref<10240x64xf32, #tpu.memory_space<vmem_shared>>)
        tpu.yield
      }) : () -> ()
      %scan3A_62 = arith.constant 0 : i32
      scf.yield %scan3A_62 : i32
    }
    %scan3A_28 = arith.constant 80 : i32
    %barrier3A_29 = arith.constant 0 : index
    tpu.barrier barrier_id(%barrier3A_29)
    %add3A_30 = arith.constant 0 : i32
    %add3A_31 = arith.addi %mul3A_7, %add3A_30 : i32
    "tpu.region"() ({
      %run_scoped3A = tpu.sem_alloc : memref<!tpu.dma_semaphore, #tpu.memory_space<semaphore_mem>>
      %dma_start3A = arith.constant 0 : i32
      %dma_start3A_50 = tpu.memref_slice %arg10[%add3A_31, %dma_start3A] : memref<10240x64xf32, #tpu.memory_space<vmem_shared>> -> memref<128x64xf32, #tpu.memory_space<vmem_shared>>
      %dma_start3A_51 = arith.constant 0 : i32
      %dma_start3A_52 = tpu.memref_slice %arg10[%add3A_31, %dma_start3A_51] : memref<10240x64xf32, #tpu.memory_space<vmem_shared>> -> memref<128x64xf32, #tpu.memory_space<vmem_shared>>
      tpu.enqueue_dma source(%dma_start3A_52 : memref<128x64xf32, #tpu.memory_space<vmem_shared>>) target(%arg9 : memref<128x64xf32, #tpu.memory_space<vmem>>) target_semaphore(%run_scoped3A : memref<!tpu.dma_semaphore, #tpu.memory_space<semaphore_mem>>)
      %dma_wait3A = arith.constant 0 : i32
      %dma_wait3A_53 = tpu.memref_slice %arg10[%add3A_31, %dma_wait3A] : memref<10240x64xf32, #tpu.memory_space<vmem_shared>> -> memref<128x64xf32, #tpu.memory_space<vmem_shared>>
      %dma_wait3A_54 = arith.constant 0 : i32
      %dma_wait3A_55 = tpu.memref_slice %arg10[%add3A_31, %dma_wait3A_54] : memref<10240x64xf32, #tpu.memory_space<vmem_shared>> -> memref<128x64xf32, #tpu.memory_space<vmem_shared>>
      tpu.wait_dma2 semaphore(%run_scoped3A : memref<!tpu.dma_semaphore, #tpu.memory_space<semaphore_mem>>) src(%dma_wait3A_55 : memref<128x64xf32, #tpu.memory_space<vmem_shared>>) dst(%arg9 : memref<128x64xf32, #tpu.memory_space<vmem>>)
      tpu.yield
    }) : () -> ()
    %add3A_32 = arith.constant 0 : i32
    %add3A_33 = arith.addi %mul3A_7, %add3A_32 : i32
    "tpu.region"() ({
      %run_scoped3A = tpu.sem_alloc : memref<!tpu.dma_semaphore, #tpu.memory_space<semaphore_mem>>
      %dma_start3A = arith.constant 0 : i32
      %dma_start3A_50 = tpu.memref_slice %arg5[%arg0, %add3A_33, %dma_start3A] : memref<2x10240x64xf32, #tpu.memory_space<hbm>> -> memref<1x128x64xf32, #tpu.memory_space<hbm>>
      %dma_start3A_51 = tpu.memref_squeeze %dma_start3A_50 : memref<1x128x64xf32, #tpu.memory_space<hbm>> -> memref<128x64xf32, #tpu.memory_space<hbm>>
      %dma_start3A_52 = arith.constant 0 : i32
      %dma_start3A_53 = tpu.memref_slice %arg5[%arg0, %add3A_33, %dma_start3A_52] : memref<2x10240x64xf32, #tpu.memory_space<hbm>> -> memref<1x128x64xf32, #tpu.memory_space<hbm>>
      %dma_start3A_54 = tpu.memref_squeeze %dma_start3A_53 : memref<1x128x64xf32, #tpu.memory_space<hbm>> -> memref<128x64xf32, #tpu.memory_space<hbm>>
      tpu.enqueue_dma source(%arg9 : memref<128x64xf32, #tpu.memory_space<vmem>>) target(%dma_start3A_54 : memref<128x64xf32, #tpu.memory_space<hbm>>) target_semaphore(%run_scoped3A : memref<!tpu.dma_semaphore, #tpu.memory_space<semaphore_mem>>)
      %dma_wait3A = arith.constant 0 : i32
      %dma_wait3A_55 = tpu.memref_slice %arg5[%arg0, %add3A_33, %dma_wait3A] : memref<2x10240x64xf32, #tpu.memory_space<hbm>> -> memref<1x128x64xf32, #tpu.memory_space<hbm>>
      %dma_wait3A_56 = tpu.memref_squeeze %dma_wait3A_55 : memref<1x128x64xf32, #tpu.memory_space<hbm>> -> memref<128x64xf32, #tpu.memory_space<hbm>>
      %dma_wait3A_57 = arith.constant 0 : i32
      %dma_wait3A_58 = tpu.memref_slice %arg5[%arg0, %add3A_33, %dma_wait3A_57] : memref<2x10240x64xf32, #tpu.memory_space<hbm>> -> memref<1x128x64xf32, #tpu.memory_space<hbm>>
      %dma_wait3A_59 = tpu.memref_squeeze %dma_wait3A_58 : memref<1x128x64xf32, #tpu.memory_space<hbm>> -> memref<128x64xf32, #tpu.memory_space<hbm>>
      tpu.wait_dma2 semaphore(%run_scoped3A : memref<!tpu.dma_semaphore, #tpu.memory_space<semaphore_mem>>) src(%arg9 : memref<128x64xf32, #tpu.memory_space<vmem>>) dst(%dma_wait3A_59 : memref<128x64xf32, #tpu.memory_space<hbm>>)
      tpu.yield
    }) : () -> ()
    %add3A_34 = arith.constant 128 : i32
    %add3A_35 = arith.addi %mul3A_7, %add3A_34 : i32
    "tpu.region"() ({
      %run_scoped3A = tpu.sem_alloc : memref<!tpu.dma_semaphore, #tpu.memory_space<semaphore_mem>>
      %dma_start3A = arith.constant 0 : i32
      %dma_start3A_50 = tpu.memref_slice %arg10[%add3A_35, %dma_start3A] : memref<10240x64xf32, #tpu.memory_space<vmem_shared>> -> memref<128x64xf32, #tpu.memory_space<vmem_shared>>
      %dma_start3A_51 = arith.constant 0 : i32
      %dma_start3A_52 = tpu.memref_slice %arg10[%add3A_35, %dma_start3A_51] : memref<10240x64xf32, #tpu.memory_space<vmem_shared>> -> memref<128x64xf32, #tpu.memory_space<vmem_shared>>
      tpu.enqueue_dma source(%dma_start3A_52 : memref<128x64xf32, #tpu.memory_space<vmem_shared>>) target(%arg9 : memref<128x64xf32, #tpu.memory_space<vmem>>) target_semaphore(%run_scoped3A : memref<!tpu.dma_semaphore, #tpu.memory_space<semaphore_mem>>)
      %dma_wait3A = arith.constant 0 : i32
      %dma_wait3A_53 = tpu.memref_slice %arg10[%add3A_35, %dma_wait3A] : memref<10240x64xf32, #tpu.memory_space<vmem_shared>> -> memref<128x64xf32, #tpu.memory_space<vmem_shared>>
      %dma_wait3A_54 = arith.constant 0 : i32
      %dma_wait3A_55 = tpu.memref_slice %arg10[%add3A_35, %dma_wait3A_54] : memref<10240x64xf32, #tpu.memory_space<vmem_shared>> -> memref<128x64xf32, #tpu.memory_space<vmem_shared>>
      tpu.wait_dma2 semaphore(%run_scoped3A : memref<!tpu.dma_semaphore, #tpu.memory_space<semaphore_mem>>) src(%dma_wait3A_55 : memref<128x64xf32, #tpu.memory_space<vmem_shared>>) dst(%arg9 : memref<128x64xf32, #tpu.memory_space<vmem>>)
      tpu.yield
    }) : () -> ()
    %add3A_36 = arith.constant 128 : i32
    %add3A_37 = arith.addi %mul3A_7, %add3A_36 : i32
    "tpu.region"() ({
      %run_scoped3A = tpu.sem_alloc : memref<!tpu.dma_semaphore, #tpu.memory_space<semaphore_mem>>
      %dma_start3A = arith.constant 0 : i32
      %dma_start3A_50 = tpu.memref_slice %arg5[%arg0, %add3A_37, %dma_start3A] : memref<2x10240x64xf32, #tpu.memory_space<hbm>> -> memref<1x128x64xf32, #tpu.memory_space<hbm>>
      %dma_start3A_51 = tpu.memref_squeeze %dma_start3A_50 : memref<1x128x64xf32, #tpu.memory_space<hbm>> -> memref<128x64xf32, #tpu.memory_space<hbm>>
      %dma_start3A_52 = arith.constant 0 : i32
      %dma_start3A_53 = tpu.memref_slice %arg5[%arg0, %add3A_37, %dma_start3A_52] : memref<2x10240x64xf32, #tpu.memory_space<hbm>> -> memref<1x128x64xf32, #tpu.memory_space<hbm>>
      %dma_start3A_54 = tpu.memref_squeeze %dma_start3A_53 : memref<1x128x64xf32, #tpu.memory_space<hbm>> -> memref<128x64xf32, #tpu.memory_space<hbm>>
      tpu.enqueue_dma source(%arg9 : memref<128x64xf32, #tpu.memory_space<vmem>>) target(%dma_start3A_54 : memref<128x64xf32, #tpu.memory_space<hbm>>) target_semaphore(%run_scoped3A : memref<!tpu.dma_semaphore, #tpu.memory_space<semaphore_mem>>)
      %dma_wait3A = arith.constant 0 : i32
      %dma_wait3A_55 = tpu.memref_slice %arg5[%arg0, %add3A_37, %dma_wait3A] : memref<2x10240x64xf32, #tpu.memory_space<hbm>> -> memref<1x128x64xf32, #tpu.memory_space<hbm>>
      %dma_wait3A_56 = tpu.memref_squeeze %dma_wait3A_55 : memref<1x128x64xf32, #tpu.memory_space<hbm>> -> memref<128x64xf32, #tpu.memory_space<hbm>>
      %dma_wait3A_57 = arith.constant 0 : i32
      %dma_wait3A_58 = tpu.memref_slice %arg5[%arg0, %add3A_37, %dma_wait3A_57] : memref<2x10240x64xf32, #tpu.memory_space<hbm>> -> memref<1x128x64xf32, #tpu.memory_space<hbm>>
      %dma_wait3A_59 = tpu.memref_squeeze %dma_wait3A_58 : memref<1x128x64xf32, #tpu.memory_space<hbm>> -> memref<128x64xf32, #tpu.memory_space<hbm>>
      tpu.wait_dma2 semaphore(%run_scoped3A : memref<!tpu.dma_semaphore, #tpu.memory_space<semaphore_mem>>) src(%arg9 : memref<128x64xf32, #tpu.memory_space<vmem>>) dst(%dma_wait3A_59 : memref<128x64xf32, #tpu.memory_space<hbm>>)
      tpu.yield
    }) : () -> ()
    %add3A_38 = arith.constant 256 : i32
    %add3A_39 = arith.addi %mul3A_7, %add3A_38 : i32
    "tpu.region"() ({
      %run_scoped3A = tpu.sem_alloc : memref<!tpu.dma_semaphore, #tpu.memory_space<semaphore_mem>>
      %dma_start3A = arith.constant 0 : i32
      %dma_start3A_50 = tpu.memref_slice %arg10[%add3A_39, %dma_start3A] : memref<10240x64xf32, #tpu.memory_space<vmem_shared>> -> memref<128x64xf32, #tpu.memory_space<vmem_shared>>
      %dma_start3A_51 = arith.constant 0 : i32
      %dma_start3A_52 = tpu.memref_slice %arg10[%add3A_39, %dma_start3A_51] : memref<10240x64xf32, #tpu.memory_space<vmem_shared>> -> memref<128x64xf32, #tpu.memory_space<vmem_shared>>
      tpu.enqueue_dma source(%dma_start3A_52 : memref<128x64xf32, #tpu.memory_space<vmem_shared>>) target(%arg9 : memref<128x64xf32, #tpu.memory_space<vmem>>) target_semaphore(%run_scoped3A : memref<!tpu.dma_semaphore, #tpu.memory_space<semaphore_mem>>)
      %dma_wait3A = arith.constant 0 : i32
      %dma_wait3A_53 = tpu.memref_slice %arg10[%add3A_39, %dma_wait3A] : memref<10240x64xf32, #tpu.memory_space<vmem_shared>> -> memref<128x64xf32, #tpu.memory_space<vmem_shared>>
      %dma_wait3A_54 = arith.constant 0 : i32
      %dma_wait3A_55 = tpu.memref_slice %arg10[%add3A_39, %dma_wait3A_54] : memref<10240x64xf32, #tpu.memory_space<vmem_shared>> -> memref<128x64xf32, #tpu.memory_space<vmem_shared>>
      tpu.wait_dma2 semaphore(%run_scoped3A : memref<!tpu.dma_semaphore, #tpu.memory_space<semaphore_mem>>) src(%dma_wait3A_55 : memref<128x64xf32, #tpu.memory_space<vmem_shared>>) dst(%arg9 : memref<128x64xf32, #tpu.memory_space<vmem>>)
      tpu.yield
    }) : () -> ()
    %add3A_40 = arith.constant 256 : i32
    %add3A_41 = arith.addi %mul3A_7, %add3A_40 : i32
    "tpu.region"() ({
      %run_scoped3A = tpu.sem_alloc : memref<!tpu.dma_semaphore, #tpu.memory_space<semaphore_mem>>
      %dma_start3A = arith.constant 0 : i32
      %dma_start3A_50 = tpu.memref_slice %arg5[%arg0, %add3A_41, %dma_start3A] : memref<2x10240x64xf32, #tpu.memory_space<hbm>> -> memref<1x128x64xf32, #tpu.memory_space<hbm>>
      %dma_start3A_51 = tpu.memref_squeeze %dma_start3A_50 : memref<1x128x64xf32, #tpu.memory_space<hbm>> -> memref<128x64xf32, #tpu.memory_space<hbm>>
      %dma_start3A_52 = arith.constant 0 : i32
      %dma_start3A_53 = tpu.memref_slice %arg5[%arg0, %add3A_41, %dma_start3A_52] : memref<2x10240x64xf32, #tpu.memory_space<hbm>> -> memref<1x128x64xf32, #tpu.memory_space<hbm>>
      %dma_start3A_54 = tpu.memref_squeeze %dma_start3A_53 : memref<1x128x64xf32, #tpu.memory_space<hbm>> -> memref<128x64xf32, #tpu.memory_space<hbm>>
      tpu.enqueue_dma source(%arg9 : memref<128x64xf32, #tpu.memory_space<vmem>>) target(%dma_start3A_54 : memref<128x64xf32, #tpu.memory_space<hbm>>) target_semaphore(%run_scoped3A : memref<!tpu.dma_semaphore, #tpu.memory_space<semaphore_mem>>)
      %dma_wait3A = arith.constant 0 : i32
      %dma_wait3A_55 = tpu.memref_slice %arg5[%arg0, %add3A_41, %dma_wait3A] : memref<2x10240x64xf32, #tpu.memory_space<hbm>> -> memref<1x128x64xf32, #tpu.memory_space<hbm>>
      %dma_wait3A_56 = tpu.memref_squeeze %dma_wait3A_55 : memref<1x128x64xf32, #tpu.memory_space<hbm>> -> memref<128x64xf32, #tpu.memory_space<hbm>>
      %dma_wait3A_57 = arith.constant 0 : i32
      %dma_wait3A_58 = tpu.memref_slice %arg5[%arg0, %add3A_41, %dma_wait3A_57] : memref<2x10240x64xf32, #tpu.memory_space<hbm>> -> memref<1x128x64xf32, #tpu.memory_space<hbm>>
      %dma_wait3A_59 = tpu.memref_squeeze %dma_wait3A_58 : memref<1x128x64xf32, #tpu.memory_space<hbm>> -> memref<128x64xf32, #tpu.memory_space<hbm>>
      tpu.wait_dma2 semaphore(%run_scoped3A : memref<!tpu.dma_semaphore, #tpu.memory_space<semaphore_mem>>) src(%arg9 : memref<128x64xf32, #tpu.memory_space<vmem>>) dst(%dma_wait3A_59 : memref<128x64xf32, #tpu.memory_space<hbm>>)
      tpu.yield
    }) : () -> ()
    %add3A_42 = arith.constant 384 : i32
    %add3A_43 = arith.addi %mul3A_7, %add3A_42 : i32
    "tpu.region"() ({
      %run_scoped3A = tpu.sem_alloc : memref<!tpu.dma_semaphore, #tpu.memory_space<semaphore_mem>>
      %dma_start3A = arith.constant 0 : i32
      %dma_start3A_50 = tpu.memref_slice %arg10[%add3A_43, %dma_start3A] : memref<10240x64xf32, #tpu.memory_space<vmem_shared>> -> memref<128x64xf32, #tpu.memory_space<vmem_shared>>
      %dma_start3A_51 = arith.constant 0 : i32
      %dma_start3A_52 = tpu.memref_slice %arg10[%add3A_43, %dma_start3A_51] : memref<10240x64xf32, #tpu.memory_space<vmem_shared>> -> memref<128x64xf32, #tpu.memory_space<vmem_shared>>
      tpu.enqueue_dma source(%dma_start3A_52 : memref<128x64xf32, #tpu.memory_space<vmem_shared>>) target(%arg9 : memref<128x64xf32, #tpu.memory_space<vmem>>) target_semaphore(%run_scoped3A : memref<!tpu.dma_semaphore, #tpu.memory_space<semaphore_mem>>)
      %dma_wait3A = arith.constant 0 : i32
      %dma_wait3A_53 = tpu.memref_slice %arg10[%add3A_43, %dma_wait3A] : memref<10240x64xf32, #tpu.memory_space<vmem_shared>> -> memref<128x64xf32, #tpu.memory_space<vmem_shared>>
      %dma_wait3A_54 = arith.constant 0 : i32
      %dma_wait3A_55 = tpu.memref_slice %arg10[%add3A_43, %dma_wait3A_54] : memref<10240x64xf32, #tpu.memory_space<vmem_shared>> -> memref<128x64xf32, #tpu.memory_space<vmem_shared>>
      tpu.wait_dma2 semaphore(%run_scoped3A : memref<!tpu.dma_semaphore, #tpu.memory_space<semaphore_mem>>) src(%dma_wait3A_55 : memref<128x64xf32, #tpu.memory_space<vmem_shared>>) dst(%arg9 : memref<128x64xf32, #tpu.memory_space<vmem>>)
      tpu.yield
    }) : () -> ()
    %add3A_44 = arith.constant 384 : i32
    %add3A_45 = arith.addi %mul3A_7, %add3A_44 : i32
    "tpu.region"() ({
      %run_scoped3A = tpu.sem_alloc : memref<!tpu.dma_semaphore, #tpu.memory_space<semaphore_mem>>
      %dma_start3A = arith.constant 0 : i32
      %dma_start3A_50 = tpu.memref_slice %arg5[%arg0, %add3A_45, %dma_start3A] : memref<2x10240x64xf32, #tpu.memory_space<hbm>> -> memref<1x128x64xf32, #tpu.memory_space<hbm>>
      %dma_start3A_51 = tpu.memref_squeeze %dma_start3A_50 : memref<1x128x64xf32, #tpu.memory_space<hbm>> -> memref<128x64xf32, #tpu.memory_space<hbm>>
      %dma_start3A_52 = arith.constant 0 : i32
      %dma_start3A_53 = tpu.memref_slice %arg5[%arg0, %add3A_45, %dma_start3A_52] : memref<2x10240x64xf32, #tpu.memory_space<hbm>> -> memref<1x128x64xf32, #tpu.memory_space<hbm>>
      %dma_start3A_54 = tpu.memref_squeeze %dma_start3A_53 : memref<1x128x64xf32, #tpu.memory_space<hbm>> -> memref<128x64xf32, #tpu.memory_space<hbm>>
      tpu.enqueue_dma source(%arg9 : memref<128x64xf32, #tpu.memory_space<vmem>>) target(%dma_start3A_54 : memref<128x64xf32, #tpu.memory_space<hbm>>) target_semaphore(%run_scoped3A : memref<!tpu.dma_semaphore, #tpu.memory_space<semaphore_mem>>)
      %dma_wait3A = arith.constant 0 : i32
      %dma_wait3A_55 = tpu.memref_slice %arg5[%arg0, %add3A_45, %dma_wait3A] : memref<2x10240x64xf32, #tpu.memory_space<hbm>> -> memref<1x128x64xf32, #tpu.memory_space<hbm>>
      %dma_wait3A_56 = tpu.memref_squeeze %dma_wait3A_55 : memref<1x128x64xf32, #tpu.memory_space<hbm>> -> memref<128x64xf32, #tpu.memory_space<hbm>>
      %dma_wait3A_57 = arith.constant 0 : i32
      %dma_wait3A_58 = tpu.memref_slice %arg5[%arg0, %add3A_45, %dma_wait3A_57] : memref<2x10240x64xf32, #tpu.memory_space<hbm>> -> memref<1x128x64xf32, #tpu.memory_space<hbm>>
      %dma_wait3A_59 = tpu.memref_squeeze %dma_wait3A_58 : memref<1x128x64xf32, #tpu.memory_space<hbm>> -> memref<128x64xf32, #tpu.memory_space<hbm>>
      tpu.wait_dma2 semaphore(%run_scoped3A : memref<!tpu.dma_semaphore, #tpu.memory_space<semaphore_mem>>) src(%arg9 : memref<128x64xf32, #tpu.memory_space<vmem>>) dst(%dma_wait3A_59 : memref<128x64xf32, #tpu.memory_space<hbm>>)
      tpu.yield
    }) : () -> ()
    %add3A_46 = arith.constant 512 : i32
    %add3A_47 = arith.addi %mul3A_7, %add3A_46 : i32
    "tpu.region"() ({
      %run_scoped3A = tpu.sem_alloc : memref<!tpu.dma_semaphore, #tpu.memory_space<semaphore_mem>>
      %dma_start3A = arith.constant 0 : i32
      %dma_start3A_50 = tpu.memref_slice %arg10[%add3A_47, %dma_start3A] : memref<10240x64xf32, #tpu.memory_space<vmem_shared>> -> memref<128x64xf32, #tpu.memory_space<vmem_shared>>
      %dma_start3A_51 = arith.constant 0 : i32
      %dma_start3A_52 = tpu.memref_slice %arg10[%add3A_47, %dma_start3A_51] : memref<10240x64xf32, #tpu.memory_space<vmem_shared>> -> memref<128x64xf32, #tpu.memory_space<vmem_shared>>
      tpu.enqueue_dma source(%dma_start3A_52 : memref<128x64xf32, #tpu.memory_space<vmem_shared>>) target(%arg9 : memref<128x64xf32, #tpu.memory_space<vmem>>) target_semaphore(%run_scoped3A : memref<!tpu.dma_semaphore, #tpu.memory_space<semaphore_mem>>)
      %dma_wait3A = arith.constant 0 : i32
      %dma_wait3A_53 = tpu.memref_slice %arg10[%add3A_47, %dma_wait3A] : memref<10240x64xf32, #tpu.memory_space<vmem_shared>> -> memref<128x64xf32, #tpu.memory_space<vmem_shared>>
      %dma_wait3A_54 = arith.constant 0 : i32
      %dma_wait3A_55 = tpu.memref_slice %arg10[%add3A_47, %dma_wait3A_54] : memref<10240x64xf32, #tpu.memory_space<vmem_shared>> -> memref<128x64xf32, #tpu.memory_space<vmem_shared>>
      tpu.wait_dma2 semaphore(%run_scoped3A : memref<!tpu.dma_semaphore, #tpu.memory_space<semaphore_mem>>) src(%dma_wait3A_55 : memref<128x64xf32, #tpu.memory_space<vmem_shared>>) dst(%arg9 : memref<128x64xf32, #tpu.memory_space<vmem>>)
      tpu.yield
    }) : () -> ()
    %add3A_48 = arith.constant 512 : i32
    %add3A_49 = arith.addi %mul3A_7, %add3A_48 : i32
    "tpu.region"() ({
      %run_scoped3A = tpu.sem_alloc : memref<!tpu.dma_semaphore, #tpu.memory_space<semaphore_mem>>
      %dma_start3A = arith.constant 0 : i32
      %dma_start3A_50 = tpu.memref_slice %arg5[%arg0, %add3A_49, %dma_start3A] : memref<2x10240x64xf32, #tpu.memory_space<hbm>> -> memref<1x128x64xf32, #tpu.memory_space<hbm>>
      %dma_start3A_51 = tpu.memref_squeeze %dma_start3A_50 : memref<1x128x64xf32, #tpu.memory_space<hbm>> -> memref<128x64xf32, #tpu.memory_space<hbm>>
      %dma_start3A_52 = arith.constant 0 : i32
      %dma_start3A_53 = tpu.memref_slice %arg5[%arg0, %add3A_49, %dma_start3A_52] : memref<2x10240x64xf32, #tpu.memory_space<hbm>> -> memref<1x128x64xf32, #tpu.memory_space<hbm>>
      %dma_start3A_54 = tpu.memref_squeeze %dma_start3A_53 : memref<1x128x64xf32, #tpu.memory_space<hbm>> -> memref<128x64xf32, #tpu.memory_space<hbm>>
      tpu.enqueue_dma source(%arg9 : memref<128x64xf32, #tpu.memory_space<vmem>>) target(%dma_start3A_54 : memref<128x64xf32, #tpu.memory_space<hbm>>) target_semaphore(%run_scoped3A : memref<!tpu.dma_semaphore, #tpu.memory_space<semaphore_mem>>)
      %dma_wait3A = arith.constant 0 : i32
      %dma_wait3A_55 = tpu.memref_slice %arg5[%arg0, %add3A_49, %dma_wait3A] : memref<2x10240x64xf32, #tpu.memory_space<hbm>> -> memref<1x128x64xf32, #tpu.memory_space<hbm>>
      %dma_wait3A_56 = tpu.memref_squeeze %dma_wait3A_55 : memref<1x128x64xf32, #tpu.memory_space<hbm>> -> memref<128x64xf32, #tpu.memory_space<hbm>>
      %dma_wait3A_57 = arith.constant 0 : i32
      %dma_wait3A_58 = tpu.memref_slice %arg5[%arg0, %add3A_49, %dma_wait3A_57] : memref<2x10240x64xf32, #tpu.memory_space<hbm>> -> memref<1x128x64xf32, #tpu.memory_space<hbm>>
      %dma_wait3A_59 = tpu.memref_squeeze %dma_wait3A_58 : memref<1x128x64xf32, #tpu.memory_space<hbm>> -> memref<128x64xf32, #tpu.memory_space<hbm>>
      tpu.wait_dma2 semaphore(%run_scoped3A : memref<!tpu.dma_semaphore, #tpu.memory_space<semaphore_mem>>) src(%arg9 : memref<128x64xf32, #tpu.memory_space<vmem>>) dst(%dma_wait3A_59 : memref<128x64xf32, #tpu.memory_space<hbm>>)
      tpu.yield
    }) : () -> ()
    return
  }
}

module attributes {stable_mosaic.version = 14 : i64} {
  func.func @body(%arg0: memref<10000x128xf32, #tpu.memory_space<vmem>>, %arg1: memref<1x128xf32, #tpu.memory_space<vmem>>, %arg2: memref<128x128xf32, #tpu.memory_space<vmem>>, %arg3: memref<10000x128xf32, #tpu.memory_space<vmem>>) attributes {dimension_semantics = [], scalar_prefetch = 0 : i64, scratch_operands = 0 : i64, tpu.core_type = #tpu.core_type<tc>} {
    %get3A = arith.constant 0 : index
    %get3A_0 = arith.constant 0 : index
    %get3A_1 = vector.load %arg0[%get3A, %get3A_0] : memref<10000x128xf32, #tpu.memory_space<vmem>>, vector<10000x128xf32>
    %get3A_2 = arith.constant 0 : index
    %get3A_3 = arith.constant 0 : index
    %get3A_4 = vector.load %arg1[%get3A_2, %get3A_3] : memref<1x128xf32, #tpu.memory_space<vmem>>, vector<1x128xf32>
    %mul3A = vector.broadcast %get3A_4 : vector<1x128xf32> to vector<10000x128xf32>
    %mul3A_5 = arith.mulf %get3A_1, %mul3A : vector<10000x128xf32>
    %get3A_6 = arith.constant 0 : index
    %get3A_7 = arith.constant 0 : index
    %get3A_8 = vector.load %arg2[%get3A_6, %get3A_7] : memref<128x128xf32, #tpu.memory_space<vmem>>, vector<128x128xf32>
    %dot_general3A = arith.constant dense<0.000000e+00> : vector<10000x128xf32>
    %dot_general3A_9 = tpu.matmul %mul3A_5, %get3A_8, %dot_general3A {dimension_numbers = #tpu.dot_dimension_numbers<[1], [0], [0], [1], [0, 0, 1, 1], [], []>, transpose_lhs_hint = false} : vector<10000x128xf32>, vector<128x128xf32>, vector<10000x128xf32> -> vector<10000x128xf32>
    %swap3A = arith.constant 0 : index
    %swap3A_10 = arith.constant 0 : index
    %swap3A_11 = vector.load %arg3[%swap3A, %swap3A_10] : memref<10000x128xf32, #tpu.memory_space<vmem>>, vector<10000x128xf32>
    tpu.vector_store %arg3[%swap3A, %swap3A_10], %dot_general3A_9 {strides = array<i32>} : memref<10000x128xf32, #tpu.memory_space<vmem>>, vector<10000x128xf32>,
    return
  }
}

module attributes {stable_mosaic.version = 14 : i64} {
  func.func @body(%arg0: memref<10000x128xf32, #tpu.memory_space<vmem>>, %arg1: memref<10000x1xf32, #tpu.memory_space<vmem>>, %arg2: memref<10000x1xf32, #tpu.memory_space<vmem>>, %arg3: memref<10000x128xf32, #tpu.memory_space<vmem>>, %arg4: memref<10000x1xf32, #tpu.memory_space<vmem>>) attributes {dimension_semantics = [], scalar_prefetch = 0 : i64, scratch_operands = 0 : i64, tpu.core_type = #tpu.core_type<tc>} {
    %get3A = arith.constant 0 : index
    %get3A_0 = arith.constant 0 : index
    %get3A_1 = vector.load %arg1[%get3A, %get3A_0] : memref<10000x1xf32, #tpu.memory_space<vmem>>, vector<10000x1xf32>
    %get3A_2 = arith.constant 0 : index
    %get3A_3 = arith.constant 0 : index
    %get3A_4 = vector.load %arg2[%get3A_2, %get3A_3] : memref<10000x1xf32, #tpu.memory_space<vmem>>, vector<10000x1xf32>
    %add3A = arith.addf %get3A_1, %get3A_4 : vector<10000x1xf32>
    %add3A_5 = arith.constant 1.000000e+00 : f32
    %add3A_6 = vector.broadcast %add3A_5 : f32 to vector<10000x1xf32>
    %add3A_7 = arith.addf %add3A, %add3A_6 : vector<10000x1xf32>
    %rsqrt3A = math.rsqrt %add3A_7 : vector<10000x1xf32>
    %swap3A = arith.constant 0 : index
    %swap3A_8 = arith.constant 0 : index
    %swap3A_9 = vector.load %arg4[%swap3A, %swap3A_8] : memref<10000x1xf32, #tpu.memory_space<vmem>>, vector<10000x1xf32>
    tpu.vector_store %arg4[%swap3A, %swap3A_8], %rsqrt3A {strides = array<i32>} : memref<10000x1xf32, #tpu.memory_space<vmem>>, vector<10000x1xf32>,
    %get3A_10 = arith.constant 0 : index
    %get3A_11 = arith.constant 0 : index
    %get3A_12 = vector.load %arg0[%get3A_10, %get3A_11] : memref<10000x128xf32, #tpu.memory_space<vmem>>, vector<10000x128xf32>
    %mul3A = vector.broadcast %rsqrt3A : vector<10000x1xf32> to vector<10000x128xf32>
    %mul3A_13 = arith.mulf %get3A_12, %mul3A : vector<10000x128xf32>
    %swap3A_14 = arith.constant 0 : index
    %swap3A_15 = arith.constant 0 : index
    %swap3A_16 = vector.load %arg3[%swap3A_14, %swap3A_15] : memref<10000x128xf32, #tpu.memory_space<vmem>>, vector<10000x128xf32>
    tpu.vector_store %arg3[%swap3A_14, %swap3A_15], %mul3A_13 {strides = array<i32>} : memref<10000x128xf32, #tpu.memory_space<vmem>>, vector<10000x128xf32>,
    return
  }
}

module attributes {stable_mosaic.version = 14 : i64} {
  func.func @body(%arg0: memref<10000x64xf32, #tpu.memory_space<vmem>>, %arg1: memref<10000x64xf32, #tpu.memory_space<vmem>>, %arg2: memref<10000x64xf32, #tpu.memory_space<vmem>>, %arg3: memref<10000x64xf32, #tpu.memory_space<vmem>>, %arg4: memref<10000x128xf32, #tpu.memory_space<vmem>>, %arg5: memref<10000x1xf32, #tpu.memory_space<vmem>>, %arg6: memref<1x128xf32, #tpu.memory_space<vmem>>, %arg7: memref<1x128xf32, #tpu.memory_space<vmem>>, %arg8: memref<128x64xf32, #tpu.memory_space<vmem>>, %arg9: memref<10000x64xf32, #tpu.memory_space<vmem>>) attributes {dimension_semantics = [], scalar_prefetch = 0 : i64, scratch_operands = 0 : i64, tpu.core_type = #tpu.core_type<tc>} {
    %get3A = arith.constant 0 : index
    %get3A_0 = arith.constant 0 : index
    %get3A_1 = vector.load %arg0[%get3A, %get3A_0] : memref<10000x64xf32, #tpu.memory_space<vmem>>, vector<10000x64xf32>
    %get3A_2 = arith.constant 0 : index
    %get3A_3 = arith.constant 0 : index
    %get3A_4 = vector.load %arg1[%get3A_2, %get3A_3] : memref<10000x64xf32, #tpu.memory_space<vmem>>, vector<10000x64xf32>
    %add3A = arith.addf %get3A_1, %get3A_4 : vector<10000x64xf32>
    %get3A_5 = arith.constant 0 : index
    %get3A_6 = arith.constant 0 : index
    %get3A_7 = vector.load %arg2[%get3A_5, %get3A_6] : memref<10000x64xf32, #tpu.memory_space<vmem>>, vector<10000x64xf32>
    %get3A_8 = arith.constant 0 : index
    %get3A_9 = arith.constant 0 : index
    %get3A_10 = vector.load %arg3[%get3A_8, %get3A_9] : memref<10000x64xf32, #tpu.memory_space<vmem>>, vector<10000x64xf32>
    %add3A_11 = arith.addf %get3A_7, %get3A_10 : vector<10000x64xf32>
    %concatenate3A = tpu.concatenate %add3A, %add3A_11 in 1 : vector<10000x64xf32>, vector<10000x64xf32> -> vector<10000x128xf32>
    %get3A_12 = arith.constant 0 : index
    %get3A_13 = arith.constant 0 : index
    %get3A_14 = vector.load %arg4[%get3A_12, %get3A_13] : memref<10000x128xf32, #tpu.memory_space<vmem>>, vector<10000x128xf32>
    %add3A_15 = arith.addf %concatenate3A, %get3A_14 : vector<10000x128xf32>
    %get3A_16 = arith.constant 0 : index
    %get3A_17 = arith.constant 0 : index
    %get3A_18 = vector.load %arg5[%get3A_16, %get3A_17] : memref<10000x1xf32, #tpu.memory_space<vmem>>, vector<10000x1xf32>
    %mul3A = vector.broadcast %get3A_18 : vector<10000x1xf32> to vector<10000x128xf32>
    %mul3A_19 = arith.mulf %add3A_15, %mul3A : vector<10000x128xf32>
    %get3A_20 = arith.constant 0 : index
    %get3A_21 = arith.constant 0 : index
    %get3A_22 = vector.load %arg6[%get3A_20, %get3A_21] : memref<1x128xf32, #tpu.memory_space<vmem>>, vector<1x128xf32>
    %add3A_23 = vector.broadcast %get3A_22 : vector<1x128xf32> to vector<10000x128xf32>
    %add3A_24 = arith.addf %mul3A_19, %add3A_23 : vector<10000x128xf32>
    %max3A = arith.constant 0.000000e+00 : f32
    %max3A_25 = vector.broadcast %max3A : f32 to vector<10000x128xf32>
    %max3A_26 = arith.maximumf %add3A_24, %max3A_25 : vector<10000x128xf32>
    %get3A_27 = arith.constant 0 : index
    %get3A_28 = arith.constant 0 : index
    %get3A_29 = vector.load %arg7[%get3A_27, %get3A_28] : memref<1x128xf32, #tpu.memory_space<vmem>>, vector<1x128xf32>
    %mul3A_30 = vector.broadcast %get3A_29 : vector<1x128xf32> to vector<10000x128xf32>
    %mul3A_31 = arith.mulf %max3A_26, %mul3A_30 : vector<10000x128xf32>
    %get3A_32 = arith.constant 0 : index
    %get3A_33 = arith.constant 0 : index
    %get3A_34 = vector.load %arg8[%get3A_32, %get3A_33] : memref<128x64xf32, #tpu.memory_space<vmem>>, vector<128x64xf32>
    %dot_general3A = arith.constant dense<0.000000e+00> : vector<10000x64xf32>
    %dot_general3A_35 = tpu.matmul %mul3A_31, %get3A_34, %dot_general3A {dimension_numbers = #tpu.dot_dimension_numbers<[1], [0], [0], [1], [0, 0, 1, 1], [], []>, transpose_lhs_hint = false} : vector<10000x128xf32>, vector<128x64xf32>, vector<10000x64xf32> -> vector<10000x64xf32>
    %get3A_36 = arith.constant 0 : index
    %get3A_37 = arith.constant 0 : index
    %get3A_38 = vector.load %arg5[%get3A_36, %get3A_37] : memref<10000x1xf32, #tpu.memory_space<vmem>>, vector<10000x1xf32>
    %mul3A_39 = vector.broadcast %get3A_38 : vector<10000x1xf32> to vector<10000x64xf32>
    %mul3A_40 = arith.mulf %dot_general3A_35, %mul3A_39 : vector<10000x64xf32>
    %swap3A = arith.constant 0 : index
    %swap3A_41 = arith.constant 0 : index
    %swap3A_42 = vector.load %arg9[%swap3A, %swap3A_41] : memref<10000x64xf32, #tpu.memory_space<vmem>>, vector<10000x64xf32>
    tpu.vector_store %arg9[%swap3A, %swap3A_41], %mul3A_40 {strides = array<i32>} : memref<10000x64xf32, #tpu.memory_space<vmem>>, vector<10000x64xf32>,
    return
  }
}

module attributes {stable_mosaic.version = 14 : i64} {
  func.func @body(%arg0: memref<10000x64xf32, #tpu.memory_space<vmem>>, %arg1: memref<10000x64xf32, #tpu.memory_space<vmem>>, %arg2: memref<10000x64xf32, #tpu.memory_space<vmem>>, %arg3: memref<10000x1xf32, #tpu.memory_space<vmem>>, %arg4: memref<1x64xf32, #tpu.memory_space<vmem>>, %arg5: memref<10000x64xf32, #tpu.memory_space<vmem>>) attributes {dimension_semantics = [], scalar_prefetch = 0 : i64, scratch_operands = 0 : i64, tpu.core_type = #tpu.core_type<tc>} {
    %get3A = arith.constant 0 : index
    %get3A_0 = arith.constant 0 : index
    %get3A_1 = vector.load %arg0[%get3A, %get3A_0] : memref<10000x64xf32, #tpu.memory_space<vmem>>, vector<10000x64xf32>
    %get3A_2 = arith.constant 0 : index
    %get3A_3 = arith.constant 0 : index
    %get3A_4 = vector.load %arg1[%get3A_2, %get3A_3] : memref<10000x64xf32, #tpu.memory_space<vmem>>, vector<10000x64xf32>
    %add3A = arith.addf %get3A_1, %get3A_4 : vector<10000x64xf32>
    %get3A_5 = arith.constant 0 : index
    %get3A_6 = arith.constant 0 : index
    %get3A_7 = vector.load %arg2[%get3A_5, %get3A_6] : memref<10000x64xf32, #tpu.memory_space<vmem>>, vector<10000x64xf32>
    %add3A_8 = arith.addf %add3A, %get3A_7 : vector<10000x64xf32>
    %get3A_9 = arith.constant 0 : index
    %get3A_10 = arith.constant 0 : index
    %get3A_11 = vector.load %arg3[%get3A_9, %get3A_10] : memref<10000x1xf32, #tpu.memory_space<vmem>>, vector<10000x1xf32>
    %mul3A = vector.broadcast %get3A_11 : vector<10000x1xf32> to vector<10000x64xf32>
    %mul3A_12 = arith.mulf %add3A_8, %mul3A : vector<10000x64xf32>
    %get3A_13 = arith.constant 0 : index
    %get3A_14 = arith.constant 0 : index
    %get3A_15 = vector.load %arg4[%get3A_13, %get3A_14] : memref<1x64xf32, #tpu.memory_space<vmem>>, vector<1x64xf32>
    %add3A_16 = vector.broadcast %get3A_15 : vector<1x64xf32> to vector<10000x64xf32>
    %add3A_17 = arith.addf %mul3A_12, %add3A_16 : vector<10000x64xf32>
    %swap3A = arith.constant 0 : index
    %swap3A_18 = arith.constant 0 : index
    %swap3A_19 = vector.load %arg5[%swap3A, %swap3A_18] : memref<10000x64xf32, #tpu.memory_space<vmem>>, vector<10000x64xf32>
    tpu.vector_store %arg5[%swap3A, %swap3A_18], %add3A_17 {strides = array<i32>} : memref<10000x64xf32, #tpu.memory_space<vmem>>, vector<10000x64xf32>,
    return
  }
}

</mosaic_0001>

<sc_bundles>
// kernel: kernel.10.cloned.1.call-start
scs
__scs_entry_jumppad:
0x0: {  	(pc) =	sbr.rel $0x88, $3  }
0x1: {  	(tag) =	ssettag $0x0;
	lr =	simm.s32 $0x1  }
0x2: {  	[smem:$0x3F99] =	sst lr;
	_ =	strace $0xD0000000  }
0x3: {  	_ = 	snop  }
0x4: {  	_ = 	snop  }
0x5: {  	_ = 	snop  }
0x6: {  	_ = 	snop  }
0x7: {  	_ = 	snop  }
__scs_overlays_trampoline_lowered:
0x8: {  	[smem:$0x3FA8] =	sst s0  }
0x9: {  	[smem:$0x3FA9] =	sst s1  }
0xa: {  	[smem:$0x3FAA] =	sst s2  }
0xb: {  	[smem:$0x3FAB] =	sst s3  }
0xc: {  	[smem:$0x3FAC] =	sst s4  }
0xd: {  	[smem:$0x3FAD] =	sst s5  }
0xe: {  	[smem:$0x3FAE] =	sst s6  }
0xf: {  	[smem:$0x3FAF] =	sst s7  }
0x10: {  	[smem:$0x3FB0] =	sst s8  }
0x11: {  	[smem:$0x3FB1] =	sst s9;
	s0 =	simm.s32 @!p0 $0x0  }
0x12: {  	s1 =	sld [smem:$0x3F97];
	s0 =	simm.s32 @p0 $0x1  }
0x13: {  	[smem:$0x3FB2] =	sst s0;
	s0 =	simm.s32 @!p1 $0x0  }
0x14: {  	s2 =	sld [smem:$0x3F96];
	s0 =	simm.s32 @p1 $0x1  }
0x15: {  	[smem:$0x3FB3] =	sst s0;
	s0 =	simm.s32 @!p2 $0x0  }
0x16: {  	s3 =	sld [smem:$0x3FDB];
	s0 =	simm.s32 @p2 $0x1  }
0x17: {  	s4 =	simm.s32 $0x1BF5;
	[smem:$0x3FB5] =	sst s0  }
0x18: {  	s0 =	sld [smem:$0x3F98];
	_ =	swait.ge [sflag:s4], $0x0  }
0x19: {  	s7 =	sld [smem:$0x3F99]  }
0x1a: {  	s8 =	sadd.s32 $0xFFFFE003, lr  }
0x1b: {  	s9 =	sadd.s32 $0xFFFFFEF7, lr;
	s5 =	simm.s32 $0xFFFFFFFF;
	p2 =	slt.u32 s8, $0xFFFFF086  }
0x1c: {  	p1 =	slt.u32 s9, $0xF7A;
	s5 =	simm.s32 @!p2 $0x0  }
0x1d: {  	s5 =	simm.s32 @p1 $0x1;
	p0 =	seq.s32 s7, s2  }
0x1e: {  	s7 =	smul.u32 @!p0 $0xF7A, s2;
	p2 =	seq.s32 @!p0 s5, $0x0  }
0x1f: {  	s9 =	smul.u32 $0xF7A, s1;
	s8 =	simm.s32 @!p0 $0x1BF5;
	p2 =	por !p2, p0  }
0x20: {  	[sflag:s8] =	ssyncset.s32 @!p0 $0xFFFFF086;
	s6 =	sadd.s32 @!p0 s3, s7;
	s7 =	simm.s32 @!p0 $0x108  }
0x21: {  	s3 =	sadd.s32 s3, s9;
	s6 =	sadd.s32 @!p0 $0x88, s6;
	s7 =	simm.s32 @p2 $0x1082  }
0x22: {  	[simem:s7], [sflag:s8] =	dma.local @!p0 [hbm:s6], $0xF7A  }
0x23: {  	s9 =	sor.u32 $0xD0000000, s2;
	s6 =	simm.s32 $0x108;
	_ =	swait.ge @!p0 [sflag:s8], $0x0  }
0x24: {  	s3 =	sadd.s32 $0x88, s3;
	s6 =	simm.s32 @!p1 $0x1082;
	[sflag:s4] =	ssyncset.s32 $0xFFFFF086  }
0x25: {  	[simem:s6], [sflag:s4] =	dma.local [hbm:s3], $0xF7A  }
0x26: {  	[smem:$0x3F99] =	sst s1;
	(tag) =	ssettag s2;
	_ =	strace s9  }
0x27: {  	s1 =	sld [smem:$0x3FA9]  }
0x28: {  	s2 =	sld [smem:$0x3FAA]  }
0x29: {  	s4 =	sld [smem:$0x3FAC]  }
0x2a: {  	p0 =	seq.s32 s5, $0x0;
	s5 =	sld [smem:$0x3FAD]  }
0x2b: {  	s6 =	sld [smem:$0x3FAE]  }
0x2c: {  	s7 =	sld [smem:$0x3FAF]  }
0x2d: {  	s3 =	simm.s32 $0x108;
	s8 =	sld [smem:$0x3FB0]  }
0x2e: {  	s3 =	simm.s32 @!p0 $0x1082;
	s9 =	sld [smem:$0x3FB1]  }
0x2f: {  	lr =	sadd.s32 s0, s3;
	s0 =	sld [smem:$0x3FA8]  }
0x30: {  	s3 =	sld [smem:$0x3FAB]  }
0x31: {  	[smem:$0x3FB4] =	sst s10  }
0x32: {  	s10 =	sld [smem:$0x3FB2];
	_ =	sdelay $0x3  }
0x33: {  	p0 =	seq.s32 s10, $0x1;
	s10 =	sld [smem:$0x3FB4];
	_ =	sdelay $0x3  }
0x34: {  	[smem:$0x3FB4] =	sst s10  }
0x35: {  	s10 =	sld [smem:$0x3FB3];
	_ =	sdelay $0x3  }
0x36: {  	p1 =	seq.s32 s10, $0x1;
	s10 =	sld [smem:$0x3FB4];
	_ =	sdelay $0x3  }
0x37: {  	[smem:$0x3FB4] =	sst s10  }
0x38: {  	s10 =	sld [smem:$0x3FB5]  }
0x39: {  	_ = 	snop;
	(pc) =	sbr.ind lr, $3  }
0x3a: {  	_ = 	snop  }
0x3b: {  	_ = 	snop  }
0x3c: {  	p2 =	seq.s32 s10, $0x1;
	s10 =	sld [smem:$0x3FB4]  }
0x3d: {  	_ =	shalt  }
0x3e: {  	_ =	shalt  }
0x3f: {  	_ =	shalt  }
0x40: {  	_ =	shalt  }
0x41: {  	_ =	shalt  }
0x42: {  	_ =	shalt  }
0x43: {  	_ =	shalt  }
0x44: {  	_ =	shalt  }
0x45: {  	_ =	shalt  }
0x46: {  	_ =	shalt  }
0x47: {  	_ =	shalt  }
0x48: {  	_ =	shalt  }
0x49: {  	_ =	shalt  }
0x4a: {  	_ =	shalt  }
0x4b: {  	_ =	shalt  }
0x4c: {  	_ =	shalt  }
0x4d: {  	_ =	shalt  }
0x4e: {  	_ =	shalt  }
0x4f: {  	_ =	shalt  }
0x50: {  	_ =	shalt  }
0x51: {  	_ =	shalt  }
0x52: {  	_ =	shalt  }
0x53: {  	_ =	shalt  }
0x54: {  	_ =	shalt  }
0x55: {  	_ =	shalt  }
0x56: {  	_ =	shalt  }
0x57: {  	_ =	shalt  }
0x58: {  	_ =	shalt  }
0x59: {  	_ =	shalt  }
0x5a: {  	_ =	shalt  }
0x5b: {  	_ =	shalt  }
0x5c: {  	_ =	shalt  }
0x5d: {  	_ =	shalt  }
0x5e: {  	_ =	shalt  }
0x5f: {  	_ =	shalt  }
0x60: {  	_ =	shalt  }
0x61: {  	_ =	shalt  }
0x62: {  	_ =	shalt  }
0x63: {  	_ =	shalt  }
0x64: {  	_ =	shalt  }
0x65: {  	_ =	shalt  }
0x66: {  	_ =	shalt  }
0x67: {  	_ =	shalt  }
0x68: {  	_ =	shalt  }
0x69: {  	_ =	shalt  }
0x6a: {  	_ =	shalt  }
0x6b: {  	_ =	shalt  }
0x6c: {  	_ =	shalt  }
0x6d: {  	_ =	shalt  }
0x6e: {  	_ =	shalt  }
0x6f: {  	_ =	shalt  }
0x70: {  	_ =	shalt  }
0x71: {  	_ =	shalt  }
0x72: {  	_ =	shalt  }
0x73: {  	_ =	shalt  }
0x74: {  	_ =	shalt  }
0x75: {  	_ =	shalt  }
0x76: {  	_ =	shalt  }
0x77: {  	_ =	shalt  }
0x78: {  	_ =	shalt  }
0x79: {  	_ =	shalt  }
0x7a: {  	_ =	shalt  }
0x7b: {  	_ =	shalt  }
0x7c: {  	_ =	shalt  }
0x7d: {  	_ =	shalt  }
0x7e: {  	_ =	shalt  }
0x7f: {  	_ =	shalt  }
0x80: {  	_ =	shalt  }
0x81: {  	_ =	shalt  }
0x82: {  	_ =	shalt  }
0x83: {  	_ =	shalt  }
0x84: {  	_ =	shalt  }
0x85: {  	_ =	shalt  }
0x86: {  	_ =	shalt  }
0x87: {  	_ =	shalt  }
.Lfunc_end0:
.L_simem_size_0:
called_computation_lowered:
.L_overlay_start_0:
0x88: {  	s2 =	sld [smem:$0x3FD9]  }
0x89: {  	s3 =	sld [smem:$0x3FFE];
	_ =	sdelay $0x1  }
0x8a: {  	s1 =	srdreg.scid  }
0x8b: {  	s0 =	sand.u32 $0x1, s1  }
0x8c: {  	s17 =	sshll.u32 s0, $0xA;
	s2 =	sadd.s32 s3, s2  }
0x8d: {  	s2 =	sadd.s32 s2, s17  }
0x8e: {  	[smem:$0x3FC0] =	sst s2  }
0x8f: {  	_ = 	snop  }
0x90: {  	s2 =	sld [smem:$0x3FD0];
	(tm) =	ssettm $0x1  }
0x91: {  	s18 =	sld [smem:$0x3FFB];
	_ =	sdelay $0x3  }
0x92: {  	_ =	strace s18  }
0x93: {  	s3 =	sld [smem:$0x3FFC];
	_ =	sdelay $0x3  }
0x94: {  	_ =	strace s3  }
0x95: {  	s3 =	sld [smem:$0x3FFD];
	_ =	sdelay $0x3  }
0x96: {  	_ =	strace s3  }
0x97: {  	_ =	strace $0x8FFFFFFF  }
0x98: {  	s19 =	sld [smem:$0x3FDB];
	_ =	sdelay $0x1  }
0x99: {  	s4 =	simm.s32 $_scs_section_size  }
0x9a: {  	s5 =	simm.s32 $_size__tile_overlayer_lowered;
	s6 =	simm.s32 $_tile_overlayer_lowered  }
0x9b: {  	s22 =	simm.s32 $0x1BFF;
	s21 =	sshll.u32 s6, $0x1;
	s3 =	sadd.s32 s4, s19  }
0x9c: {  	s7 =	simm.s32 $0x0;
	s20 =	sshll.u32 s5, $0x1;
	s5 =	sadd.s32 s21, s3  }
0x9d: {  	[timem:s7], [sflag:s22] =	dma.local [hbm:s5], s20  }
0x9e: {  	_ =	swait.ge [sflag:s22], s20  }
0x9f: {  	s4 =	ssub.s32 $0x0, s20;
	[sflag:s22] =	ssyncset.done $0x0  }
0xa0: {  	[sflag:s22] =	ssyncadd.s32 s4;
	_ =	sdelay $0x1  }
0xa1: {  	s23 =	simm.s32 $0x1B8B  }
0xa2: {  	_ =	swait.ge [sflag:s23], $0x1  }
0xa3: {  	[sflag:s23] =	ssyncset.done $0x0  }
0xa4: {  	s25 =	simm.s32 $0x1B8E;
	s24 =	sld [smem:$0x3FFE];
	[sflag:s23] =	ssyncadd.s32 $0xFFFFFFFF  }
0xa5: {  	s26 =	simm.s32 $execute0_lowered;
	[smem:$0x3FD2] =	sst s25  }
0xa6: {  	s5 =	sshll.u32 s26, $0x1;
	_ =	strace $0x80000046;
	[dreg:$0x1] =	wrdreg $0xFFFFFFFF  }
0xa7: {  	s28 =	simm.s32 $_size_execute0_lowered;
	s3 =	sadd.s32 s3, s5;
	[dreg:$0x0] =	wrdreg $0x0  }
0xa8: {  	s5 =	sshll.u32 s28, $0x1;
	[dreg:$0x2] =	wrdreg s3  }
0xa9: {  	[dreg:$0x3] =	wrdreg s5  }
0xaa: {  	[dreg:$0x4] =	wrdreg $0xC0  }
0xab: {  	_ =	task [dreg:s7], $0x5FFFF  }
0xac: {  	[dreg:$0x1] =	wrdreg $0xFFFFFFFF  }
0xad: {  	[dreg:$0x0] =	wrdreg $0x60  }
0xae: {  	[dreg:$0x2] =	wrdreg s24  }
0xaf: {  	[dreg:$0x3] =	wrdreg s2  }
0xb0: {  	[dreg:$0x4] =	wrdreg $0x37D00  }
0xb1: {  	[dreg:$0x5] =	wrdreg $0x9  }
0xb2: {  	_ =	task.clear_ibuf [dreg:s7], $0x6FFFF;
	_ =	strace $0x90000046  }
0xb3: {  	s29 =	simm.s32 $0x9;
	_ =	strace $0x80000048  }
0xb4: {  	_ =	swait.ge [sflag:s29], $0x1  }
0xb5: {  	[sflag:s29] =	ssyncadd.s32 $0xFFFFFFFF  }
0xb6: {  	_ =	strace $0x90000048  }
0xb7: {  	_ =	sfence  }
0xb8: {  	s30 =	sld [smem:$0x0];
	_ =	sdelay $0x2  }
0xb9: {  	s31 =	sshll.u32 s1, $0xD;
	s1 =	sshrl.u32 s1, $0x2  }
0xba: {  	s3 =	sand.u32 $0x4000, s31;
	s1 =	sadd.s32 s1, s30  }
0xbb: {  	s0 =	sor.u32 s3, s0;
	s1 =	sshll.u32 s1, $0x11  }
0xbc: {  	s0 =	sor.u32 s1, s0  }
0xbd: {  	s0 =	sadd.s32 $0x8F2B, s0  }
0xbe: {  	[sflag:s0] =	ssyncadd.remote.s32 $0x1  }
0xbf: {  	_ =	sfence.sel $0xFFFF  }
0xc0: {  	[dreg:$0x0] =	wrdreg $0xFFFFFFFF;
	(pc) =	sbr.abs _section_cstart, $3  }
0xc1: {  	[dreg:$0x1] =	wrdreg $0xFFFFFFFF  }
0xc2: {  	_ =	task.clear_ibuf [dreg:s7], $0x2FFFF;
	_ =	strace $0x9FFFFFFF  }
0xc3: {  	(tm) =	ssettm $0x7FFFFFFF  }
tec
execute0_lowered:
.L_overlay_start_1:
0x0: {  	(tag) =	ssettag $0x1  }
0x1: {  	s4 =	rddreg [dreg:$0x0]  }
0x2: {  	s14 =	rddreg [dreg:$0x1]  }
0x3: {  	s0 =	srdreg.scid;
	s2 =	rddreg [dreg:$0x2];
	s3 =	simm.s32 $0x0  }
0x4: {  	s19 =	simm.s32 $0x2800;
	s5 =	sand.u32 $0x1, s0;
	s0 =	stileid.u32  }
0x5: {  	s20 =	simm.s32 $0x0;
	[smem:$0x7FF] =	sst s3;
	s8 =	smul.u32 $0x2800, s0  }
0x6: {  	s1 =	sshll.u32 s5, $0x4;
	s7 =	ssub.s32 $0x2, s5;
	s16 =	smul.u32 $0x28000, s5  }
0x7: {  	s6 =	sor.u32 s0, s1;
	s1 =	rddreg [dreg:$0x3];
	s31 =	sshrl.u32 s7, $0x1  }
0x8: {  	_ =	strace $0x80000047;
	s6 =	smul.u32 $0x500, s6;
	s15 =	ssub.s32 s7, s31  }
0x9: {  	s10 =	sadd.s32 $0x800, s8;
	s12 =	sadd.s32 $0x1000, s8;
	s13 =	sadd.s32 $0x1800, s8  }
0xa: {  	s17 =	sadd.s32 $0x2000, s8;
	s11 =	sadd.s32 s8, s16;
	s5 =	sadd.s32 s10, s2  }
0xb: {  	s7 =	sadd.s32 s13, s2;
	s10 =	sadd.s32 s16, s10;
	s11 =	sshrl.u32 s11, $0x3  }
0xc: {  	s13 =	sadd.s32 s16, s13;
	s15 =	smax.u32 s15, $0x1;
	s9 =	sadd.s32 s6, s4  }
0xd: {  	s4 =	sadd.s32 s8, s2;
	s6 =	sadd.s32 s12, s2;
	s8 =	sadd.s32 s17, s2  }
0xe: {  	s18 =	sshrl.u32 s10, $0x3;
	s10 =	sadd.s32 s14, s11;
	s12 =	sadd.s32 s16, s12  }
0xf: {  	s16 =	sadd.s32 s16, s17;
	s13 =	sshrl.u32 s13, $0x3;
	s17 =	simm.s32 $0x1  }
0x10: {  	s9 =	sadd.s32 $0x2A00, s9;
	s11 =	sadd.s32 s14, s18;
	s12 =	sshrl.u32 s12, $0x3  }
0x11: {  	s16 =	sshrl.u32 s16, $0x3;
	s13 =	sadd.s32 s14, s13;
	s18 =	simm.s32 $0x7D  }
0x12: {  	v0 =	vimm.f32 $0.0e+00;
	v1 =	vimm.f32 $1.000000000e+00;
	s12 =	sadd.s32 s14, s12;
	s14 =	sadd.s32 s14, s16;
	s16 =	simm.s32 $0x2FD0  }
.LBB2_1:
0x13: {  	s21 =	simm.s32 $0x40;
	s22 =	simm.s32 $0x0  }
.LBB2_2:
0x14: {  	p0 =	sne.s32 s21, $0x1FC0;
	[tilespmem:s22+$0x2FD0] =	vst v0;
	s22 =	smov.u32 s21;
	s21 =	sadd.s32 $0x40, s21  }
.Ltmp0:
0x15: {  	(pc) =	sbr.rel @p0 .LBB2_2-.Ltmp0, $2  }
0x16: {  	_ =	sdelay $0x2  }
0x17: {  	s22 =	sshra.s32 s22, $0x2  }
0x18: {  	[tilespmem:s22+$0x2FD0] =	vst v0  }
0x19: {  	[spmem:s4] =	stream.linear.scatter [tilespmem:s16], [sflag:$0x1], $0x800, $0x38;
	[tilespmem:$0x5FD0] =	vst v63  }
0x1a: {  	_ =	swait.ge [sflag:s17], $0x800  }
0x1b: {  	[sflag:s17] =	ssyncset.done $0x0  }
0x1c: {  	[sflag:s17] =	ssyncadd.s32 $0xFFFFF800  }
0x1d: {  	[spmem:s5] =	stream.linear.scatter [tilespmem:s16], [sflag:$0x1], $0x800, $0x38;
	[tilespmem:$0x5FD0] =	vst v63  }
0x1e: {  	_ =	swait.ge [sflag:s17], $0x800  }
0x1f: {  	[sflag:s17] =	ssyncset.done $0x0  }
0x20: {  	[sflag:s17] =	ssyncadd.s32 $0xFFFFF800  }
0x21: {  	[spmem:s6] =	stream.linear.scatter [tilespmem:s16], [sflag:$0x1], $0x800, $0x38;
	[tilespmem:$0x5FD0] =	vst v63  }
0x22: {  	_ =	swait.ge [sflag:s17], $0x800  }
0x23: {  	[sflag:s17] =	ssyncset.done $0x0  }
0x24: {  	[sflag:s17] =	ssyncadd.s32 $0xFFFFF800  }
0x25: {  	[spmem:s7] =	stream.linear.scatter [tilespmem:s16], [sflag:$0x1], $0x800, $0x38;
	[tilespmem:$0x5FD0] =	vst v63  }
0x26: {  	_ =	swait.ge [sflag:s17], $0x800  }
0x27: {  	[sflag:s17] =	ssyncset.done $0x0  }
0x28: {  	[sflag:s17] =	ssyncadd.s32 $0xFFFFF800  }
0x29: {  	[spmem:s8] =	stream.linear.scatter [tilespmem:s16], [sflag:$0x1], $0x800, $0x38;
	[tilespmem:$0x5FD0] =	vst v63  }
0x2a: {  	_ =	swait.ge [sflag:s17], $0x800  }
0x2b: {  	[sflag:s17] =	ssyncset.done $0x0  }
0x2c: {  	s21 =	simm.s32 $0x0;
	[sflag:s17] =	ssyncadd.s32 $0xFFFFF800  }
0x2d: {  	[tilespmem:s21], [sflag:$0x1] =	stream.linear.gather [hbm4b:s9+s21], $0x2800, $0x38;
	[tilespmem:$0x5FD0] =	vst v63  }
0x2e: {  	_ =	swait.ge [sflag:s17], $0x2800  }
0x2f: {  	[sflag:s17] =	ssyncset.done $0x0  }
0x30: {  	s22 =	simm.s32 $0x0;
	s21 =	simm.s32 $0x40;
	[sflag:s17] =	ssyncadd.s32 $0xFFFFD800  }
.LBB2_4:
0x31: {  	p0 =	sne.s32 s21, $0x1F00;
	[tilespmem:s22+$0x2800] =	vst v1;
	s22 =	smov.u32 s21;
	s21 =	sadd.s32 $0x40, s21  }
.Ltmp1:
0x32: {  	(pc) =	sbr.rel @p0 .LBB2_4-.Ltmp1, $2  }
0x33: {  	_ =	sdelay $0x2  }
0x34: {  	s22 =	sshra.s32 s22, $0x2  }
0x35: {  	[tilespmem:s22+$0x2800] =	vst v1  }
0x36: {  	s21 =	simm.s32 $0x0;
	[bflag:$0x0] =	sbarrier.arrive $0xFFFF  }
0x37: {  	[spmem:s2] =	stream.indirect.scatter.add.f32 [tilespmem:s19], [sflag:$0x1], $0x10, s21, s18, $0xb8;
	[tilespmem:$0x5FD0] =	vst v63  }
0x38: {  	_ =	swait.ge [sflag:s17], $0x7D0  }
0x39: {  	s21 =	simm.s32 $0x200;
	[sflag:s17] =	ssyncset.done $0x0  }
.LBB2_6:
0x3a: {  	s22 =	sshra.s32 s21, $0x2;
	[sflag:s17] =	ssyncadd.s32 $0xFFFFF830;
	p0 =	sne.s32 s21, $0x9E00  }
0x3b: {  	[spmem:s2] =	stream.indirect.scatter.add.f32 [tilespmem:s19], [sflag:$0x1], $0x10, s22, s18, $0xb8;
	[tilespmem:$0x5FD0] =	vst v63  }
.Ltmp2:
0x3c: {  	_ = 	snop;
	(pc) =	sbr.rel @p0 .LBB2_6-.Ltmp2, $4  }
0x3d: {  	_ = 	snop  }
0x3e: {  	s21 =	sadd.s32 $0x200, s21  }
0x3f: {  	_ =	swait.ge [sflag:s17], $0x7D0  }
0x40: {  	[sflag:s17] =	ssyncset.done $0x0  }
0x41: {  	[sflag:s17] =	ssyncadd.s32 $0xFFFFF830  }
0x42: {  	[bflag:$0x0] =	sbarrier.arrive $0xFFFF  }
0x43: {  	[tilespmem:s16], [sflag:$0x1] =	stream.linear.gather [spmem:s4], $0x800, $0x38;
	[tilespmem:$0x5FD0] =	vst v63  }
0x44: {  	_ =	swait.ge [sflag:s17], $0x800  }
0x45: {  	[sflag:s17] =	ssyncset.done $0x0  }
0x46: {  	[sflag:s17] =	ssyncadd.s32 $0xFFFFF800  }
0x47: {  	[hbm4b:s10+s3] =	stream.linear.scatter [tilespmem:s16], [sflag:$0x1], $0x800, $0x38;
	[tilespmem:$0x5FD0] =	vst v63  }
0x48: {  	_ =	swait.ge [sflag:s17], $0x800  }
0x49: {  	[sflag:s17] =	ssyncset.done $0x0  }
0x4a: {  	[sflag:s17] =	ssyncadd.s32 $0xFFFFF800  }
0x4b: {  	[tilespmem:s16], [sflag:$0x1] =	stream.linear.gather [spmem:s5], $0x800, $0x38;
	[tilespmem:$0x5FD0] =	vst v63  }
0x4c: {  	_ =	swait.ge [sflag:s17], $0x800  }
0x4d: {  	[sflag:s17] =	ssyncset.done $0x0  }
0x4e: {  	[sflag:s17] =	ssyncadd.s32 $0xFFFFF800  }
0x4f: {  	[hbm4b:s11+s3] =	stream.linear.scatter [tilespmem:s16], [sflag:$0x1], $0x800, $0x38;
	[tilespmem:$0x5FD0] =	vst v63  }
0x50: {  	_ =	swait.ge [sflag:s17], $0x800  }
0x51: {  	[sflag:s17] =	ssyncset.done $0x0  }
0x52: {  	[sflag:s17] =	ssyncadd.s32 $0xFFFFF800  }
0x53: {  	[tilespmem:s16], [sflag:$0x1] =	stream.linear.gather [spmem:s6], $0x800, $0x38;
	[tilespmem:$0x5FD0] =	vst v63  }
0x54: {  	_ =	swait.ge [sflag:s17], $0x800  }
0x55: {  	[sflag:s17] =	ssyncset.done $0x0  }
0x56: {  	[sflag:s17] =	ssyncadd.s32 $0xFFFFF800  }
0x57: {  	[hbm4b:s12+s3] =	stream.linear.scatter [tilespmem:s16], [sflag:$0x1], $0x800, $0x38;
	[tilespmem:$0x5FD0] =	vst v63  }
0x58: {  	_ =	swait.ge [sflag:s17], $0x800  }
0x59: {  	[sflag:s17] =	ssyncset.done $0x0  }
0x5a: {  	[sflag:s17] =	ssyncadd.s32 $0xFFFFF800  }
0x5b: {  	[tilespmem:s16], [sflag:$0x1] =	stream.linear.gather [spmem:s7], $0x800, $0x38;
	[tilespmem:$0x5FD0] =	vst v63  }
0x5c: {  	_ =	swait.ge [sflag:s17], $0x800  }
0x5d: {  	[sflag:s17] =	ssyncset.done $0x0  }
0x5e: {  	[sflag:s17] =	ssyncadd.s32 $0xFFFFF800  }
0x5f: {  	[hbm4b:s13+s3] =	stream.linear.scatter [tilespmem:s16], [sflag:$0x1], $0x800, $0x38;
	[tilespmem:$0x5FD0] =	vst v63  }
0x60: {  	_ =	swait.ge [sflag:s17], $0x800  }
0x61: {  	[sflag:s17] =	ssyncset.done $0x0  }
0x62: {  	[sflag:s17] =	ssyncadd.s32 $0xFFFFF800  }
0x63: {  	[tilespmem:s16], [sflag:$0x1] =	stream.linear.gather [spmem:s8], $0x800, $0x38;
	[tilespmem:$0x5FD0] =	vst v63  }
0x64: {  	s20 =	sadd.s32 $0x1, s20;
	_ =	swait.ge [sflag:s17], $0x800  }
0x65: {  	p0 =	sne.s32 s20, s15;
	[sflag:s17] =	ssyncset.done $0x0  }
.Ltmp3:
0x66: {  	[sflag:s17] =	ssyncadd.s32 $0xFFFFF800;
	(pc) =	sbr.rel @p0 .LBB2_1-.Ltmp3, $4  }
0x67: {  	[hbm4b:s14+s3] =	stream.linear.scatter [tilespmem:s16], [sflag:$0x1], $0x800, $0x38;
	[tilespmem:$0x5FD0] =	vst v63  }
0x68: {  	_ =	swait.ge [sflag:s17], $0x800  }
0x69: {  	[sflag:s17] =	ssyncset.done $0x0  }
0x6a: {  	[sflag:s17] =	ssyncadd.s32 $0xFFFFF800  }
0x6b: {  	_ =	sfence.sel $0x180000  }
0x6c: {  	[bflag:$0x0] =	sbarrier.arrive $0xFFFF  }
0x6d: {  	p0 =	sne.s32 s0, $0x0;
	_ =	strace $0x90000047  }
0x6e: {  	s0 =	sadd.s32 @!p0 $0x100000, s1;
	[bflag:$0x2] =	sbarrier.arrive $0xFFFF  }
0x6f: {  	[sflag:s0] =	ssyncadd.tile.s32 @!p0 $0x1;
	_ =	shalt  }
.Lfunc_end2:
_tile_overlayer_lowered:
.L_overlay_start_2:
0x70: {  	(tag) =	ssettag $0x2  }
0x71: {  	s0 =	rddreg [dreg:$0x0];
	s2 =	stileid.u32  }
0x72: {  	s1 =	rddreg [dreg:$0x1];
	p0 =	sne.s32 s2, $0x0  }
0x73: {  	s3 =	rddreg [dreg:$0x2];
	[bflag:$0x3] =	sbarrier.arrive $0xFFFF;
	s2 =	simm.s32 @!p0 $0x1C01  }
0x74: {  	[timem:s3], [sflag:s2] =	dma.local @!p0 [hbm:s0], s1  }
0x75: {  	s0 =	simm.s32 @!p0 $0x1  }
0x76: {  	_ =	swait.ge @!p0 [sflag:s0], s1  }
0x77: {  	s1 =	ssub.s32 @!p0 $0x0, s1;
	[sflag:s0] =	ssyncset.done @!p0 $0x0  }
0x78: {  	[sflag:s0] =	ssyncadd.s32 @!p0 s1  }
0x79: {  	[bflag:$0x3] =	sbarrier.arrive $0xFFFF  }
0x7a: {  	_ =	shalt  }

// kernel: kernel.13.cloned.1.call-start
scs
__scs_entry_jumppad:
0x0: {  	(pc) =	sbr.rel $0x88, $3  }
0x1: {  	(tag) =	ssettag $0x0;
	lr =	simm.s32 $0x1  }
0x2: {  	[smem:$0x3F99] =	sst lr;
	_ =	strace $0xD0000000  }
0x3: {  	_ = 	snop  }
0x4: {  	_ = 	snop  }
0x5: {  	_ = 	snop  }
0x6: {  	_ = 	snop  }
0x7: {  	_ = 	snop  }
__scs_overlays_trampoline_lowered:
0x8: {  	[smem:$0x3FA8] =	sst s0  }
0x9: {  	[smem:$0x3FA9] =	sst s1  }
0xa: {  	[smem:$0x3FAA] =	sst s2  }
0xb: {  	[smem:$0x3FAB] =	sst s3  }
0xc: {  	[smem:$0x3FAC] =	sst s4  }
0xd: {  	[smem:$0x3FAD] =	sst s5  }
0xe: {  	[smem:$0x3FAE] =	sst s6  }
0xf: {  	[smem:$0x3FAF] =	sst s7  }
0x10: {  	[smem:$0x3FB0] =	sst s8  }
0x11: {  	[smem:$0x3FB1] =	sst s9;
	s0 =	simm.s32 @!p0 $0x0  }
0x12: {  	s1 =	sld [smem:$0x3F97];
	s0 =	simm.s32 @p0 $0x1  }
0x13: {  	[smem:$0x3FB2] =	sst s0;
	s0 =	simm.s32 @!p1 $0x0  }
0x14: {  	s2 =	sld [smem:$0x3F96];
	s0 =	simm.s32 @p1 $0x1  }
0x15: {  	[smem:$0x3FB3] =	sst s0;
	s0 =	simm.s32 @!p2 $0x0  }
0x16: {  	s3 =	sld [smem:$0x3FDB];
	s0 =	simm.s32 @p2 $0x1  }
0x17: {  	s4 =	simm.s32 $0x1BF5;
	[smem:$0x3FB5] =	sst s0  }
0x18: {  	s0 =	sld [smem:$0x3F98];
	_ =	swait.ge [sflag:s4], $0x0  }
0x19: {  	s7 =	sld [smem:$0x3F99]  }
0x1a: {  	s8 =	sadd.s32 $0xFFFFE003, lr  }
0x1b: {  	s9 =	sadd.s32 $0xFFFFFEF7, lr;
	s5 =	simm.s32 $0xFFFFFFFF;
	p2 =	slt.u32 s8, $0xFFFFF086  }
0x1c: {  	p1 =	slt.u32 s9, $0xF7A;
	s5 =	simm.s32 @!p2 $0x0  }
0x1d: {  	s5 =	simm.s32 @p1 $0x1;
	p0 =	seq.s32 s7, s2  }
0x1e: {  	s7 =	smul.u32 @!p0 $0xF7A, s2;
	p2 =	seq.s32 @!p0 s5, $0x0  }
0x1f: {  	s9 =	smul.u32 $0xF7A, s1;
	s8 =	simm.s32 @!p0 $0x1BF5;
	p2 =	por !p2, p0  }
0x20: {  	[sflag:s8] =	ssyncset.s32 @!p0 $0xFFFFF086;
	s6 =	sadd.s32 @!p0 s3, s7;
	s7 =	simm.s32 @!p0 $0x108  }
0x21: {  	s3 =	sadd.s32 s3, s9;
	s6 =	sadd.s32 @!p0 $0x88, s6;
	s7 =	simm.s32 @p2 $0x1082  }
0x22: {  	[simem:s7], [sflag:s8] =	dma.local @!p0 [hbm:s6], $0xF7A  }
0x23: {  	s9 =	sor.u32 $0xD0000000, s2;
	s6 =	simm.s32 $0x108;
	_ =	swait.ge @!p0 [sflag:s8], $0x0  }
0x24: {  	s3 =	sadd.s32 $0x88, s3;
	s6 =	simm.s32 @!p1 $0x1082;
	[sflag:s4] =	ssyncset.s32 $0xFFFFF086  }
0x25: {  	[simem:s6], [sflag:s4] =	dma.local [hbm:s3], $0xF7A  }
0x26: {  	[smem:$0x3F99] =	sst s1;
	(tag) =	ssettag s2;
	_ =	strace s9  }
0x27: {  	s1 =	sld [smem:$0x3FA9]  }
0x28: {  	s2 =	sld [smem:$0x3FAA]  }
0x29: {  	s4 =	sld [smem:$0x3FAC]  }
0x2a: {  	p0 =	seq.s32 s5, $0x0;
	s5 =	sld [smem:$0x3FAD]  }
0x2b: {  	s6 =	sld [smem:$0x3FAE]  }
0x2c: {  	s7 =	sld [smem:$0x3FAF]  }
0x2d: {  	s3 =	simm.s32 $0x108;
	s8 =	sld [smem:$0x3FB0]  }
0x2e: {  	s3 =	simm.s32 @!p0 $0x1082;
	s9 =	sld [smem:$0x3FB1]  }
0x2f: {  	lr =	sadd.s32 s0, s3;
	s0 =	sld [smem:$0x3FA8]  }
0x30: {  	s3 =	sld [smem:$0x3FAB]  }
0x31: {  	[smem:$0x3FB4] =	sst s10  }
0x32: {  	s10 =	sld [smem:$0x3FB2];
	_ =	sdelay $0x3  }
0x33: {  	p0 =	seq.s32 s10, $0x1;
	s10 =	sld [smem:$0x3FB4];
	_ =	sdelay $0x3  }
0x34: {  	[smem:$0x3FB4] =	sst s10  }
0x35: {  	s10 =	sld [smem:$0x3FB3];
	_ =	sdelay $0x3  }
0x36: {  	p1 =	seq.s32 s10, $0x1;
	s10 =	sld [smem:$0x3FB4];
	_ =	sdelay $0x3  }
0x37: {  	[smem:$0x3FB4] =	sst s10  }
0x38: {  	s10 =	sld [smem:$0x3FB5]  }
0x39: {  	_ = 	snop;
	(pc) =	sbr.ind lr, $3  }
0x3a: {  	_ = 	snop  }
0x3b: {  	_ = 	snop  }
0x3c: {  	p2 =	seq.s32 s10, $0x1;
	s10 =	sld [smem:$0x3FB4]  }
0x3d: {  	_ =	shalt  }
0x3e: {  	_ =	shalt  }
0x3f: {  	_ =	shalt  }
0x40: {  	_ =	shalt  }
0x41: {  	_ =	shalt  }
0x42: {  	_ =	shalt  }
0x43: {  	_ =	shalt  }
0x44: {  	_ =	shalt  }
0x45: {  	_ =	shalt  }
0x46: {  	_ =	shalt  }
0x47: {  	_ =	shalt  }
0x48: {  	_ =	shalt  }
0x49: {  	_ =	shalt  }
0x4a: {  	_ =	shalt  }
0x4b: {  	_ =	shalt  }
0x4c: {  	_ =	shalt  }
0x4d: {  	_ =	shalt  }
0x4e: {  	_ =	shalt  }
0x4f: {  	_ =	shalt  }
0x50: {  	_ =	shalt  }
0x51: {  	_ =	shalt  }
0x52: {  	_ =	shalt  }
0x53: {  	_ =	shalt  }
0x54: {  	_ =	shalt  }
0x55: {  	_ =	shalt  }
0x56: {  	_ =	shalt  }
0x57: {  	_ =	shalt  }
0x58: {  	_ =	shalt  }
0x59: {  	_ =	shalt  }
0x5a: {  	_ =	shalt  }
0x5b: {  	_ =	shalt  }
0x5c: {  	_ =	shalt  }
0x5d: {  	_ =	shalt  }
0x5e: {  	_ =	shalt  }
0x5f: {  	_ =	shalt  }
0x60: {  	_ =	shalt  }
0x61: {  	_ =	shalt  }
0x62: {  	_ =	shalt  }
0x63: {  	_ =	shalt  }
0x64: {  	_ =	shalt  }
0x65: {  	_ =	shalt  }
0x66: {  	_ =	shalt  }
0x67: {  	_ =	shalt  }
0x68: {  	_ =	shalt  }
0x69: {  	_ =	shalt  }
0x6a: {  	_ =	shalt  }
0x6b: {  	_ =	shalt  }
0x6c: {  	_ =	shalt  }
0x6d: {  	_ =	shalt  }
0x6e: {  	_ =	shalt  }
0x6f: {  	_ =	shalt  }
0x70: {  	_ =	shalt  }
0x71: {  	_ =	shalt  }
0x72: {  	_ =	shalt  }
0x73: {  	_ =	shalt  }
0x74: {  	_ =	shalt  }
0x75: {  	_ =	shalt  }
0x76: {  	_ =	shalt  }
0x77: {  	_ =	shalt  }
0x78: {  	_ =	shalt  }
0x79: {  	_ =	shalt  }
0x7a: {  	_ =	shalt  }
0x7b: {  	_ =	shalt  }
0x7c: {  	_ =	shalt  }
0x7d: {  	_ =	shalt  }
0x7e: {  	_ =	shalt  }
0x7f: {  	_ =	shalt  }
0x80: {  	_ =	shalt  }
0x81: {  	_ =	shalt  }
0x82: {  	_ =	shalt  }
0x83: {  	_ =	shalt  }
0x84: {  	_ =	shalt  }
0x85: {  	_ =	shalt  }
0x86: {  	_ =	shalt  }
0x87: {  	_ =	shalt  }
.Lfunc_end0:
.L_simem_size_0:
called_computation.1_lowered:
.L_overlay_start_0:
0x88: {  	s2 =	sld [smem:$0x3FD9]  }
0x89: {  	s3 =	sld [smem:$0x3FFE];
	_ =	sdelay $0x1  }
0x8a: {  	s1 =	srdreg.scid  }
0x8b: {  	s0 =	sand.u32 $0x1, s1  }
0x8c: {  	s16 =	sshll.u32 s0, $0xA;
	s2 =	sadd.s32 s3, s2  }
0x8d: {  	s2 =	sadd.s32 s2, s16  }
0x8e: {  	[smem:$0x3FC0] =	sst s2  }
0x8f: {  	_ = 	snop  }
0x90: {  	(tm) =	ssettm $0x1  }
0x91: {  	s17 =	sld [smem:$0x3FFB];
	_ =	sdelay $0x3  }
0x92: {  	_ =	strace s17  }
0x93: {  	s2 =	sld [smem:$0x3FFC];
	_ =	sdelay $0x3  }
0x94: {  	_ =	strace s2  }
0x95: {  	s2 =	sld [smem:$0x3FFD];
	_ =	sdelay $0x3  }
0x96: {  	_ =	strace s2  }
0x97: {  	_ =	strace $0x8FFFFFFF  }
0x98: {  	s18 =	sld [smem:$0x3FDB];
	_ =	sdelay $0x1  }
0x99: {  	s19 =	simm.s32 $_scs_section_size  }
0x9a: {  	s4 =	simm.s32 $_size__tile_overlayer_lowered;
	s5 =	simm.s32 $_tile_overlayer_lowered  }
0x9b: {  	s22 =	simm.s32 $0x1BFF;
	s21 =	sshll.u32 s5, $0x1;
	s2 =	sadd.s32 s19, s18  }
0x9c: {  	s6 =	simm.s32 $0x0;
	s20 =	sshll.u32 s4, $0x1;
	s4 =	sadd.s32 s21, s2  }
0x9d: {  	[timem:s6], [sflag:s22] =	dma.local [hbm:s4], s20  }
0x9e: {  	_ =	swait.ge [sflag:s22], s20  }
0x9f: {  	s3 =	ssub.s32 $0x0, s20;
	[sflag:s22] =	ssyncset.done $0x0  }
0xa0: {  	[sflag:s22] =	ssyncadd.s32 s3;
	_ =	sdelay $0x1  }
0xa1: {  	s23 =	simm.s32 $0x1B8B  }
0xa2: {  	_ =	swait.ge [sflag:s23], $0x1  }
0xa3: {  	[sflag:s23] =	ssyncset.done $0x0  }
0xa4: {  	s25 =	simm.s32 $0x1B8E;
	s24 =	sld [smem:$0x3FFE];
	[sflag:s23] =	ssyncadd.s32 $0xFFFFFFFF  }
0xa5: {  	s26 =	simm.s32 $execute0_lowered;
	[smem:$0x3FD2] =	sst s25  }
0xa6: {  	s4 =	sshll.u32 s26, $0x1;
	_ =	strace $0x80000049;
	[dreg:$0x1] =	wrdreg $0xFFFFFFFF  }
0xa7: {  	s28 =	simm.s32 $_size_execute0_lowered;
	s2 =	sadd.s32 s2, s4;
	[dreg:$0x0] =	wrdreg $0x0  }
0xa8: {  	s4 =	sshll.u32 s28, $0x1;
	[dreg:$0x2] =	wrdreg s2  }
0xa9: {  	[dreg:$0x3] =	wrdreg s4  }
0xaa: {  	[dreg:$0x4] =	wrdreg $0xC0  }
0xab: {  	_ =	task [dreg:s6], $0x5FFFF  }
0xac: {  	[dreg:$0x1] =	wrdreg $0xFFFFFFFF  }
0xad: {  	[dreg:$0x0] =	wrdreg $0x60  }
0xae: {  	[dreg:$0x2] =	wrdreg s24  }
0xaf: {  	[dreg:$0x3] =	wrdreg $0x8F400  }
0xb0: {  	[dreg:$0x4] =	wrdreg $0x9  }
0xb1: {  	_ =	task.clear_ibuf [dreg:s6], $0x5FFFF;
	_ =	strace $0x90000049  }
0xb2: {  	s29 =	simm.s32 $0x9;
	_ =	strace $0x8000004B  }
0xb3: {  	_ =	swait.ge [sflag:s29], $0x1  }
0xb4: {  	[sflag:s29] =	ssyncadd.s32 $0xFFFFFFFF  }
0xb5: {  	_ =	strace $0x9000004B  }
0xb6: {  	_ =	sfence  }
0xb7: {  	s30 =	sld [smem:$0x0];
	_ =	sdelay $0x2  }
0xb8: {  	s31 =	sshll.u32 s1, $0xD;
	s1 =	sshrl.u32 s1, $0x2  }
0xb9: {  	s3 =	sand.u32 $0x4000, s31;
	s1 =	sadd.s32 s1, s30  }
0xba: {  	s0 =	sor.u32 s3, s0;
	s1 =	sshll.u32 s1, $0x11  }
0xbb: {  	s0 =	sor.u32 s1, s0  }
0xbc: {  	s0 =	sadd.s32 $0x8F2B, s0  }
0xbd: {  	[sflag:s0] =	ssyncadd.remote.s32 $0x1  }
0xbe: {  	_ =	sfence.sel $0xFFFF  }
0xbf: {  	[dreg:$0x0] =	wrdreg $0xFFFFFFFF;
	(pc) =	sbr.abs _section_cstart, $3  }
0xc0: {  	[dreg:$0x1] =	wrdreg $0xFFFFFFFF  }
0xc1: {  	_ =	task.clear_ibuf [dreg:s6], $0x2FFFF;
	_ =	strace $0x9FFFFFFF  }
0xc2: {  	(tm) =	ssettm $0x7FFFFFFF  }
0xc3: {  	_ =	shalt  }
tec
execute0_lowered:
.L_overlay_start_1:
0x0: {  	(tag) =	ssettag $0x1  }
0x1: {  	s5 =	rddreg [dreg:$0x0]  }
0x2: {  	s1 =	rddreg [dreg:$0x1];
	s2 =	srdreg.scid  }
0x3: {  	s0 =	rddreg [dreg:$0x2];
	s3 =	simm.s32 $0x0;
	s21 =	simm.s32 $0x7D  }
0x4: {  	s22 =	simm.s32 $0x5000;
	s23 =	simm.s32 $0x1;
	s24 =	simm.s32 $0x0  }
0x5: {  	s7 =	sand.u32 $0x1, s2;
	s2 =	stileid.u32;
	[smem:$0x7FF] =	sst s3  }
0x6: {  	s16 =	sadd.s32 $0x78800, s5;
	s4 =	sshll.u32 s7, $0x4;
	s10 =	smul.u32 $0xA000, s2  }
0x7: {  	s8 =	ssub.s32 $0x2, s7;
	s15 =	smul.u32 $0xA0000, s7;
	s4 =	sor.u32 s2, s4  }
0x8: {  	_ =	strace $0x8000004A;
	s29 =	sshrl.u32 s8, $0x1;
	s6 =	smul.u32 $0x500, s4  }
0x9: {  	s4 =	sadd.s32 $0x64E00, s5;
	s17 =	ssub.s32 s8, s29;
	s12 =	sadd.s32 $0x2000, s10  }
0xa: {  	s14 =	sadd.s32 $0x4000, s10;
	s18 =	sadd.s32 $0x6000, s10;
	s19 =	sadd.s32 $0x8000, s10  }
0xb: {  	s13 =	sadd.s32 s10, s15;
	s7 =	sadd.s32 s14, s1;
	s8 =	sadd.s32 s18, s1  }
0xc: {  	s9 =	sadd.s32 s19, s1;
	s13 =	sshrl.u32 s13, $0x3;
	s20 =	sadd.s32 s15, s12  }
0xd: {  	s14 =	sadd.s32 s15, s14;
	s18 =	sadd.s32 s15, s18;
	s19 =	sadd.s32 s15, s19  }
0xe: {  	s17 =	smax.u32 s17, $0x1;
	s11 =	sadd.s32 s6, s5;
	s5 =	sadd.s32 s10, s1  }
0xf: {  	s6 =	sadd.s32 s12, s1;
	s12 =	sadd.s32 s16, s13;
	s30 =	sshrl.u32 s20, $0x3  }
0x10: {  	s14 =	sshrl.u32 s14, $0x3;
	s18 =	sshrl.u32 s18, $0x3;
	s31 =	sshrl.u32 s19, $0x3  }
0x11: {  	s19 =	simm.s32 $0x2;
	s20 =	simm.s32 $0x2800;
	s10 =	sadd.s32 $0xCA00, s11  }
0x12: {  	s11 =	sadd.s32 $0x2A00, s11;
	s13 =	sadd.s32 s16, s30;
	s14 =	sadd.s32 s16, s14  }
0x13: {  	v0 =	vimm.f32 $0.0e+00;
	s15 =	sadd.s32 s16, s18;
	s16 =	sadd.s32 s16, s31;
	s18 =	simm.s32 $0x6F40  }
.LBB2_1:
0x14: {  	s26 =	simm.s32 $0x100;
	s25 =	simm.s32 $0x0  }
.LBB2_2:
0x15: {  	p0 =	sne.s32 s26, $0x7F00;
	[tilespmem:s25+$0x6F70] =	vst v0;
	s28 =	smov.u32 s26;
	s26 =	sadd.s32 $0x100, s26  }
.Ltmp0:
0x16: {  	[tilespmem:s25+$0x6F60] =	vst v0;
	(pc) =	sbr.rel @p0 .LBB2_2-.Ltmp0, $3  }
0x17: {  	[tilespmem:s25+$0x6F40] =	vst v0  }
0x18: {  	[tilespmem:s25+$0x6F50] =	vst v0;
	_ =	sdelay $0x1  }
0x19: {  	s25 =	sshra.s32 s28, $0x2  }
0x1a: {  	[tilespmem:s25+$0x6F70] =	vst v0  }
0x1b: {  	[tilespmem:s25+$0x6F60] =	vst v0  }
0x1c: {  	[tilespmem:s25+$0x6F40] =	vst v0  }
0x1d: {  	[tilespmem:s25+$0x6F50] =	vst v0  }
0x1e: {  	[spmem:s5] =	stream.linear.scatter [tilespmem:s18], [sflag:$0x2], $0x2000, $0x38;
	[tilespmem:$0x12F40] =	vst v63  }
0x1f: {  	_ =	swait.ge [sflag:s19], $0x2000  }
0x20: {  	[sflag:s19] =	ssyncset.done $0x0  }
0x21: {  	[sflag:s19] =	ssyncadd.s32 $0xFFFFE000  }
0x22: {  	[spmem:s6] =	stream.linear.scatter [tilespmem:s18], [sflag:$0x2], $0x2000, $0x38;
	[tilespmem:$0x12F40] =	vst v63  }
0x23: {  	_ =	swait.ge [sflag:s19], $0x2000  }
0x24: {  	[sflag:s19] =	ssyncset.done $0x0  }
0x25: {  	[sflag:s19] =	ssyncadd.s32 $0xFFFFE000  }
0x26: {  	[spmem:s7] =	stream.linear.scatter [tilespmem:s18], [sflag:$0x2], $0x2000, $0x38;
	[tilespmem:$0x12F40] =	vst v63  }
0x27: {  	_ =	swait.ge [sflag:s19], $0x2000  }
0x28: {  	[sflag:s19] =	ssyncset.done $0x0  }
0x29: {  	[sflag:s19] =	ssyncadd.s32 $0xFFFFE000  }
0x2a: {  	[spmem:s8] =	stream.linear.scatter [tilespmem:s18], [sflag:$0x2], $0x2000, $0x38;
	[tilespmem:$0x12F40] =	vst v63  }
0x2b: {  	_ =	swait.ge [sflag:s19], $0x2000  }
0x2c: {  	[sflag:s19] =	ssyncset.done $0x0  }
0x2d: {  	[sflag:s19] =	ssyncadd.s32 $0xFFFFE000  }
0x2e: {  	[spmem:s9] =	stream.linear.scatter [tilespmem:s18], [sflag:$0x2], $0x2000, $0x38;
	[tilespmem:$0x12F40] =	vst v63  }
0x2f: {  	_ =	swait.ge [sflag:s19], $0x2000  }
0x30: {  	[sflag:s19] =	ssyncset.done $0x0  }
0x31: {  	s29 =	simm.s32 $0x0;
	[sflag:s19] =	ssyncadd.s32 $0xFFFFE000  }
0x32: {  	[tilespmem:s29], [sflag:$0x2] =	stream.linear.gather [hbm4b:s10+s29], $0x2800, $0x38;
	[tilespmem:$0x12F40] =	vst v63  }
0x33: {  	_ =	swait.ge [sflag:s19], $0x2800  }
0x34: {  	[sflag:s19] =	ssyncset.done $0x0  }
0x35: {  	[sflag:s19] =	ssyncadd.s32 $0xFFFFD800  }
0x36: {  	[tilespmem:s20], [sflag:$0x2] =	stream.linear.gather [hbm4b:s11+s29], $0x2800, $0x38;
	[tilespmem:$0x12F40] =	vst v63  }
0x37: {  	_ =	swait.ge [sflag:s19], $0x2800  }
0x38: {  	[sflag:s19] =	ssyncset.done $0x0  }
0x39: {  	[sflag:s19] =	ssyncadd.s32 $0xFFFFD800  }
0x3a: {  	s30 =	simm.s32 $0x0;
	[bflag:$0x0] =	sbarrier.arrive $0xFFFF  }
0x3b: {  	[tilespmem:s22], [sflag:$0x1] =	stream.indirect.gather [hbm4b:s4+s21], $0x40, s30, s21, $0xb8;
	[tilespmem:$0x12F40] =	vst v63  }
0x3c: {  	_ =	swait.ge [sflag:s23], $0x1F40  }
0x3d: {  	[sflag:s23] =	ssyncset.done $0x0  }
0x3e: {  	s31 =	simm.s32 $0x2800;
	[sflag:s23] =	ssyncadd.s32 $0xFFFFE0C0  }
0x3f: {  	[spmem:s1] =	stream.indirect.scatter.add.f32 [tilespmem:s22], [sflag:$0x2], $0x40, s31, s21, $0xb8;
	[tilespmem:$0x12F40] =	vst v63  }
0x40: {  	_ =	swait.ge [sflag:s19], $0x1F40  }
0x41: {  	s25 =	simm.s32 $0x200;
	s26 =	simm.s32 $0x400;
	[sflag:s19] =	ssyncset.done $0x0  }
.LBB2_4:
0x42: {  	s28 =	sshra.s32 s25, $0x2  }
0x43: {  	[sflag:s19] =	ssyncadd.s32 $0xFFFFE0C0;
	s25 =	smov.u32 s26;
	s29 =	sadd.s32 $0x200, s26  }
0x44: {  	[tilespmem:s22], [sflag:$0x1] =	stream.indirect.gather [hbm4b:s4+s21], $0x40, s28, s21, $0xb8;
	[tilespmem:$0x12F40] =	vst v63  }
0x45: {  	p0 =	sne.s32 s26, $0x9E00;
	_ =	swait.ge [sflag:s23], $0x1F40  }
.Ltmp1:
0x46: {  	[sflag:s23] =	ssyncset.done $0x0;
	(pc) =	sbr.rel @p0 .LBB2_4-.Ltmp1, $4  }
0x47: {  	s26 =	sadd.s32 $0x2800, s28;
	[sflag:s23] =	ssyncadd.s32 $0xFFFFE0C0  }
0x48: {  	[spmem:s1] =	stream.indirect.scatter.add.f32 [tilespmem:s22], [sflag:$0x2], $0x40, s26, s21, $0xb8;
	[tilespmem:$0x12F40] =	vst v63  }
0x49: {  	_ =	swait.ge [sflag:s19], $0x1F40  }
0x4a: {  	s26 =	smov.u32 s29;
	[sflag:s19] =	ssyncset.done $0x0  }
0x4b: {  	s25 =	sshra.s32 s25, $0x2;
	[sflag:s19] =	ssyncadd.s32 $0xFFFFE0C0  }
0x4c: {  	[tilespmem:s22], [sflag:$0x1] =	stream.indirect.gather [hbm4b:s4+s21], $0x40, s25, s21, $0xb8;
	[tilespmem:$0x12F40] =	vst v63  }
0x4d: {  	_ =	swait.ge [sflag:s23], $0x1F40  }
0x4e: {  	[sflag:s23] =	ssyncset.done $0x0  }
0x4f: {  	s25 =	sadd.s32 $0x2800, s25;
	[sflag:s23] =	ssyncadd.s32 $0xFFFFE0C0  }
0x50: {  	[spmem:s1] =	stream.indirect.scatter.add.f32 [tilespmem:s22], [sflag:$0x2], $0x40, s25, s21, $0xb8;
	[tilespmem:$0x12F40] =	vst v63  }
0x51: {  	_ =	swait.ge [sflag:s19], $0x1F40  }
0x52: {  	[sflag:s19] =	ssyncset.done $0x0  }
0x53: {  	[sflag:s19] =	ssyncadd.s32 $0xFFFFE0C0  }
0x54: {  	[bflag:$0x0] =	sbarrier.arrive $0xFFFF  }
0x55: {  	[tilespmem:s18], [sflag:$0x2] =	stream.linear.gather [spmem:s5], $0x2000, $0x38;
	[tilespmem:$0x12F40] =	vst v63  }
0x56: {  	_ =	swait.ge [sflag:s19], $0x2000  }
0x57: {  	[sflag:s19] =	ssyncset.done $0x0  }
0x58: {  	[sflag:s19] =	ssyncadd.s32 $0xFFFFE000  }
0x59: {  	[hbm4b:s12+s3] =	stream.linear.scatter [tilespmem:s18], [sflag:$0x2], $0x2000, $0x38;
	[tilespmem:$0x12F40] =	vst v63  }
0x5a: {  	_ =	swait.ge [sflag:s19], $0x2000  }
0x5b: {  	[sflag:s19] =	ssyncset.done $0x0  }
0x5c: {  	[sflag:s19] =	ssyncadd.s32 $0xFFFFE000  }
0x5d: {  	[tilespmem:s18], [sflag:$0x2] =	stream.linear.gather [spmem:s6], $0x2000, $0x38;
	[tilespmem:$0x12F40] =	vst v63  }
0x5e: {  	_ =	swait.ge [sflag:s19], $0x2000  }
0x5f: {  	[sflag:s19] =	ssyncset.done $0x0  }
0x60: {  	[sflag:s19] =	ssyncadd.s32 $0xFFFFE000  }
0x61: {  	[hbm4b:s13+s3] =	stream.linear.scatter [tilespmem:s18], [sflag:$0x2], $0x2000, $0x38;
	[tilespmem:$0x12F40] =	vst v63  }
0x62: {  	_ =	swait.ge [sflag:s19], $0x2000  }
0x63: {  	[sflag:s19] =	ssyncset.done $0x0  }
0x64: {  	[sflag:s19] =	ssyncadd.s32 $0xFFFFE000  }
0x65: {  	[tilespmem:s18], [sflag:$0x2] =	stream.linear.gather [spmem:s7], $0x2000, $0x38;
	[tilespmem:$0x12F40] =	vst v63  }
0x66: {  	_ =	swait.ge [sflag:s19], $0x2000  }
0x67: {  	[sflag:s19] =	ssyncset.done $0x0  }
0x68: {  	[sflag:s19] =	ssyncadd.s32 $0xFFFFE000  }
0x69: {  	[hbm4b:s14+s3] =	stream.linear.scatter [tilespmem:s18], [sflag:$0x2], $0x2000, $0x38;
	[tilespmem:$0x12F40] =	vst v63  }
0x6a: {  	_ =	swait.ge [sflag:s19], $0x2000  }
0x6b: {  	[sflag:s19] =	ssyncset.done $0x0  }
0x6c: {  	[sflag:s19] =	ssyncadd.s32 $0xFFFFE000  }
0x6d: {  	[tilespmem:s18], [sflag:$0x2] =	stream.linear.gather [spmem:s8], $0x2000, $0x38;
	[tilespmem:$0x12F40] =	vst v63  }
0x6e: {  	_ =	swait.ge [sflag:s19], $0x2000  }
0x6f: {  	[sflag:s19] =	ssyncset.done $0x0  }
0x70: {  	[sflag:s19] =	ssyncadd.s32 $0xFFFFE000  }
0x71: {  	[hbm4b:s15+s3] =	stream.linear.scatter [tilespmem:s18], [sflag:$0x2], $0x2000, $0x38;
	[tilespmem:$0x12F40] =	vst v63  }
0x72: {  	_ =	swait.ge [sflag:s19], $0x2000  }
0x73: {  	[sflag:s19] =	ssyncset.done $0x0  }
0x74: {  	[sflag:s19] =	ssyncadd.s32 $0xFFFFE000  }
0x75: {  	[tilespmem:s18], [sflag:$0x2] =	stream.linear.gather [spmem:s9], $0x2000, $0x38;
	[tilespmem:$0x12F40] =	vst v63  }
0x76: {  	s24 =	sadd.s32 $0x1, s24;
	_ =	swait.ge [sflag:s19], $0x2000  }
0x77: {  	p0 =	sne.s32 s24, s17;
	[sflag:s19] =	ssyncset.done $0x0  }
.Ltmp2:
0x78: {  	[sflag:s19] =	ssyncadd.s32 $0xFFFFE000;
	(pc) =	sbr.rel @p0 .LBB2_1-.Ltmp2, $4  }
0x79: {  	[hbm4b:s16+s3] =	stream.linear.scatter [tilespmem:s18], [sflag:$0x2], $0x2000, $0x38;
	[tilespmem:$0x12F40] =	vst v63  }
0x7a: {  	_ =	swait.ge [sflag:s19], $0x2000  }
0x7b: {  	[sflag:s19] =	ssyncset.done $0x0  }
0x7c: {  	[sflag:s19] =	ssyncadd.s32 $0xFFFFE000  }
0x7d: {  	_ =	sfence.sel $0x180000  }
0x7e: {  	[bflag:$0x0] =	sbarrier.arrive $0xFFFF  }
0x7f: {  	p0 =	sne.s32 s2, $0x0;
	_ =	strace $0x9000004A  }
0x80: {  	s0 =	sadd.s32 @!p0 $0x100000, s0;
	[bflag:$0x2] =	sbarrier.arrive $0xFFFF  }
0x81: {  	[sflag:s0] =	ssyncadd.tile.s32 @!p0 $0x1;
	_ =	shalt  }
.Lfunc_end2:
_tile_overlayer_lowered:
.L_overlay_start_2:
0x82: {  	(tag) =	ssettag $0x2  }
0x83: {  	s0 =	rddreg [dreg:$0x0];
	s2 =	stileid.u32  }
0x84: {  	s1 =	rddreg [dreg:$0x1];
	p0 =	sne.s32 s2, $0x0  }
0x85: {  	s3 =	rddreg [dreg:$0x2];
	[bflag:$0x3] =	sbarrier.arrive $0xFFFF;
	s2 =	simm.s32 @!p0 $0x1C02  }
0x86: {  	[timem:s3], [sflag:s2] =	dma.local @!p0 [hbm:s0], s1  }
0x87: {  	s0 =	simm.s32 @!p0 $0x2  }
0x88: {  	_ =	swait.ge @!p0 [sflag:s0], s1  }
0x89: {  	s1 =	ssub.s32 @!p0 $0x0, s1;
	[sflag:s0] =	ssyncset.done @!p0 $0x0  }
0x8a: {  	[sflag:s0] =	ssyncadd.s32 @!p0 s1  }
0x8b: {  	[bflag:$0x3] =	sbarrier.arrive $0xFFFF  }
0x8c: {  	_ =	shalt  }

// kernel: kernel.16.cloned.1.call-start
scs
__scs_entry_jumppad:
0x0: {  	(pc) =	sbr.rel $0x88, $3  }
0x1: {  	(tag) =	ssettag $0x0;
	lr =	simm.s32 $0x1  }
0x2: {  	[smem:$0x3F99] =	sst lr;
	_ =	strace $0xD0000000  }
0x3: {  	_ = 	snop  }
0x4: {  	_ = 	snop  }
0x5: {  	_ = 	snop  }
0x6: {  	_ = 	snop  }
0x7: {  	_ = 	snop  }
__scs_overlays_trampoline_lowered:
0x8: {  	[smem:$0x3FA8] =	sst s0  }
0x9: {  	[smem:$0x3FA9] =	sst s1  }
0xa: {  	[smem:$0x3FAA] =	sst s2  }
0xb: {  	[smem:$0x3FAB] =	sst s3  }
0xc: {  	[smem:$0x3FAC] =	sst s4  }
0xd: {  	[smem:$0x3FAD] =	sst s5  }
0xe: {  	[smem:$0x3FAE] =	sst s6  }
0xf: {  	[smem:$0x3FAF] =	sst s7  }
0x10: {  	[smem:$0x3FB0] =	sst s8  }
0x11: {  	[smem:$0x3FB1] =	sst s9;
	s0 =	simm.s32 @!p0 $0x0  }
0x12: {  	s1 =	sld [smem:$0x3F97];
	s0 =	simm.s32 @p0 $0x1  }
0x13: {  	[smem:$0x3FB2] =	sst s0;
	s0 =	simm.s32 @!p1 $0x0  }
0x14: {  	s2 =	sld [smem:$0x3F96];
	s0 =	simm.s32 @p1 $0x1  }
0x15: {  	[smem:$0x3FB3] =	sst s0;
	s0 =	simm.s32 @!p2 $0x0  }
0x16: {  	s3 =	sld [smem:$0x3FDB];
	s0 =	simm.s32 @p2 $0x1  }
0x17: {  	s4 =	simm.s32 $0x1BF5;
	[smem:$0x3FB5] =	sst s0  }
0x18: {  	s0 =	sld [smem:$0x3F98];
	_ =	swait.ge [sflag:s4], $0x0  }
0x19: {  	s7 =	sld [smem:$0x3F99]  }
0x1a: {  	s8 =	sadd.s32 $0xFFFFE003, lr  }
0x1b: {  	s9 =	sadd.s32 $0xFFFFFEF7, lr;
	s5 =	simm.s32 $0xFFFFFFFF;
	p2 =	slt.u32 s8, $0xFFFFF086  }
0x1c: {  	p1 =	slt.u32 s9, $0xF7A;
	s5 =	simm.s32 @!p2 $0x0  }
0x1d: {  	s5 =	simm.s32 @p1 $0x1;
	p0 =	seq.s32 s7, s2  }
0x1e: {  	s7 =	smul.u32 @!p0 $0xF7A, s2;
	p2 =	seq.s32 @!p0 s5, $0x0  }
0x1f: {  	s9 =	smul.u32 $0xF7A, s1;
	s8 =	simm.s32 @!p0 $0x1BF5;
	p2 =	por !p2, p0  }
0x20: {  	[sflag:s8] =	ssyncset.s32 @!p0 $0xFFFFF086;
	s6 =	sadd.s32 @!p0 s3, s7;
	s7 =	simm.s32 @!p0 $0x108  }
0x21: {  	s3 =	sadd.s32 s3, s9;
	s6 =	sadd.s32 @!p0 $0x88, s6;
	s7 =	simm.s32 @p2 $0x1082  }
0x22: {  	[simem:s7], [sflag:s8] =	dma.local @!p0 [hbm:s6], $0xF7A  }
0x23: {  	s9 =	sor.u32 $0xD0000000, s2;
	s6 =	simm.s32 $0x108;
	_ =	swait.ge @!p0 [sflag:s8], $0x0  }
0x24: {  	s3 =	sadd.s32 $0x88, s3;
	s6 =	simm.s32 @!p1 $0x1082;
	[sflag:s4] =	ssyncset.s32 $0xFFFFF086  }
0x25: {  	[simem:s6], [sflag:s4] =	dma.local [hbm:s3], $0xF7A  }
0x26: {  	[smem:$0x3F99] =	sst s1;
	(tag) =	ssettag s2;
	_ =	strace s9  }
0x27: {  	s1 =	sld [smem:$0x3FA9]  }
0x28: {  	s2 =	sld [smem:$0x3FAA]  }
0x29: {  	s4 =	sld [smem:$0x3FAC]  }
0x2a: {  	p0 =	seq.s32 s5, $0x0;
	s5 =	sld [smem:$0x3FAD]  }
0x2b: {  	s6 =	sld [smem:$0x3FAE]  }
0x2c: {  	s7 =	sld [smem:$0x3FAF]  }
0x2d: {  	s3 =	simm.s32 $0x108;
	s8 =	sld [smem:$0x3FB0]  }
0x2e: {  	s3 =	simm.s32 @!p0 $0x1082;
	s9 =	sld [smem:$0x3FB1]  }
0x2f: {  	lr =	sadd.s32 s0, s3;
	s0 =	sld [smem:$0x3FA8]  }
0x30: {  	s3 =	sld [smem:$0x3FAB]  }
0x31: {  	[smem:$0x3FB4] =	sst s10  }
0x32: {  	s10 =	sld [smem:$0x3FB2];
	_ =	sdelay $0x3  }
0x33: {  	p0 =	seq.s32 s10, $0x1;
	s10 =	sld [smem:$0x3FB4];
	_ =	sdelay $0x3  }
0x34: {  	[smem:$0x3FB4] =	sst s10  }
0x35: {  	s10 =	sld [smem:$0x3FB3];
	_ =	sdelay $0x3  }
0x36: {  	p1 =	seq.s32 s10, $0x1;
	s10 =	sld [smem:$0x3FB4];
	_ =	sdelay $0x3  }
0x37: {  	[smem:$0x3FB4] =	sst s10  }
0x38: {  	s10 =	sld [smem:$0x3FB5]  }
0x39: {  	_ = 	snop;
	(pc) =	sbr.ind lr, $3  }
0x3a: {  	_ = 	snop  }
0x3b: {  	_ = 	snop  }
0x3c: {  	p2 =	seq.s32 s10, $0x1;
	s10 =	sld [smem:$0x3FB4]  }
0x3d: {  	_ =	shalt  }
0x3e: {  	_ =	shalt  }
0x3f: {  	_ =	shalt  }
0x40: {  	_ =	shalt  }
0x41: {  	_ =	shalt  }
0x42: {  	_ =	shalt  }
0x43: {  	_ =	shalt  }
0x44: {  	_ =	shalt  }
0x45: {  	_ =	shalt  }
0x46: {  	_ =	shalt  }
0x47: {  	_ =	shalt  }
0x48: {  	_ =	shalt  }
0x49: {  	_ =	shalt  }
0x4a: {  	_ =	shalt  }
0x4b: {  	_ =	shalt  }
0x4c: {  	_ =	shalt  }
0x4d: {  	_ =	shalt  }
0x4e: {  	_ =	shalt  }
0x4f: {  	_ =	shalt  }
0x50: {  	_ =	shalt  }
0x51: {  	_ =	shalt  }
0x52: {  	_ =	shalt  }
0x53: {  	_ =	shalt  }
0x54: {  	_ =	shalt  }
0x55: {  	_ =	shalt  }
0x56: {  	_ =	shalt  }
0x57: {  	_ =	shalt  }
0x58: {  	_ =	shalt  }
0x59: {  	_ =	shalt  }
0x5a: {  	_ =	shalt  }
0x5b: {  	_ =	shalt  }
0x5c: {  	_ =	shalt  }
0x5d: {  	_ =	shalt  }
0x5e: {  	_ =	shalt  }
0x5f: {  	_ =	shalt  }
0x60: {  	_ =	shalt  }
0x61: {  	_ =	shalt  }
0x62: {  	_ =	shalt  }
0x63: {  	_ =	shalt  }
0x64: {  	_ =	shalt  }
0x65: {  	_ =	shalt  }
0x66: {  	_ =	shalt  }
0x67: {  	_ =	shalt  }
0x68: {  	_ =	shalt  }
0x69: {  	_ =	shalt  }
0x6a: {  	_ =	shalt  }
0x6b: {  	_ =	shalt  }
0x6c: {  	_ =	shalt  }
0x6d: {  	_ =	shalt  }
0x6e: {  	_ =	shalt  }
0x6f: {  	_ =	shalt  }
0x70: {  	_ =	shalt  }
0x71: {  	_ =	shalt  }
0x72: {  	_ =	shalt  }
0x73: {  	_ =	shalt  }
0x74: {  	_ =	shalt  }
0x75: {  	_ =	shalt  }
0x76: {  	_ =	shalt  }
0x77: {  	_ =	shalt  }
0x78: {  	_ =	shalt  }
0x79: {  	_ =	shalt  }
0x7a: {  	_ =	shalt  }
0x7b: {  	_ =	shalt  }
0x7c: {  	_ =	shalt  }
0x7d: {  	_ =	shalt  }
0x7e: {  	_ =	shalt  }
0x7f: {  	_ =	shalt  }
0x80: {  	_ =	shalt  }
0x81: {  	_ =	shalt  }
0x82: {  	_ =	shalt  }
0x83: {  	_ =	shalt  }
0x84: {  	_ =	shalt  }
0x85: {  	_ =	shalt  }
0x86: {  	_ =	shalt  }
0x87: {  	_ =	shalt  }
.Lfunc_end0:
.L_simem_size_0:
called_computation.2_lowered:
.L_overlay_start_0:
0x88: {  	s2 =	sld [smem:$0x3FD9]  }
0x89: {  	s3 =	sld [smem:$0x3FFE];
	_ =	sdelay $0x1  }
0x8a: {  	s1 =	srdreg.scid  }
0x8b: {  	s0 =	sand.u32 $0x1, s1  }
0x8c: {  	s17 =	sshll.u32 s0, $0xA;
	s2 =	sadd.s32 s3, s2  }
0x8d: {  	s2 =	sadd.s32 s2, s17  }
0x8e: {  	[smem:$0x3FC0] =	sst s2  }
0x8f: {  	_ = 	snop  }
0x90: {  	s18 =	sld [smem:$0x3FD0];
	(tm) =	ssettm $0x1  }
0x91: {  	s19 =	sld [smem:$0x3FFB];
	_ =	sdelay $0x3  }
0x92: {  	_ =	strace s19  }
0x93: {  	s2 =	sld [smem:$0x3FFC];
	_ =	sdelay $0x3  }
0x94: {  	_ =	strace s2  }
0x95: {  	s2 =	sld [smem:$0x3FFD];
	_ =	sdelay $0x3  }
0x96: {  	_ =	strace s2  }
0x97: {  	_ =	strace $0x8FFFFFFF  }
0x98: {  	s20 =	sld [smem:$0x3FDB];
	_ =	sdelay $0x1  }
0x99: {  	s4 =	simm.s32 $_scs_section_size  }
0x9a: {  	s5 =	simm.s32 $_size__tile_overlayer_lowered;
	s6 =	simm.s32 $_tile_overlayer_lowered  }
0x9b: {  	s7 =	simm.s32 $0x1BFF;
	s21 =	sshll.u32 s6, $0x1;
	s4 =	sadd.s32 s4, s20  }
0x9c: {  	s22 =	simm.s32 $0x0;
	s5 =	sshll.u32 s5, $0x1;
	s6 =	sadd.s32 s21, s4  }
0x9d: {  	[timem:s22], [sflag:s7] =	dma.local [hbm:s6], s5  }
0x9e: {  	_ =	swait.ge [sflag:s7], s5  }
0x9f: {  	s5 =	ssub.s32 $0x0, s5;
	[sflag:s7] =	ssyncset.done $0x0  }
0xa0: {  	[sflag:s7] =	ssyncadd.s32 s5;
	_ =	sdelay $0x1  }
0xa1: {  	s23 =	simm.s32 $0x1B8B  }
0xa2: {  	_ =	swait.ge [sflag:s23], $0x1  }
0xa3: {  	[sflag:s23] =	ssyncset.done $0x0  }
0xa4: {  	[sflag:s23] =	ssyncadd.s32 $0xFFFFFFFF  }
0xa5: {  	s5 =	sld [smem:$0x0]  }
0xa6: {  	s6 =	sand.u32 $0xFFFFFFFE, s1  }
0xa7: {  	p0 =	sne.s32 s1, s6  }
0xa8: {  	s6 =	sshll.u32 @p0 s6, $0xE  }
0xa9: {  	s6 =	sadd.s32 @p0 $0x11B8D, s6;
	s7 =	sshll.u32 @p0 s5, $0x11  }
0xaa: {  	s6 =	sor.u32 @p0 s7, s6  }
0xab: {  	[sflag:s6] =	ssyncadd.remote.s32 @p0 $0x1;
	_ =	sdelay $0x1  }
0xac: {  	s6 =	simm.s32 @p0 $0x1B8D  }
0xad: {  	_ =	swait.eq @p0 [sflag:s6], $0x1  }
0xae: {  	[sflag:s6] =	ssyncadd.s32 @p0 $0xFFFFFFFF  }
0xaf: {  	s7 =	sshll.u32 @!p0 s1, $0xE  }
0xb0: {  	s7 =	sor.u32 @!p0 $0x4000, s7;
	s6 =	simm.s32 @!p0 $0x1B8D  }
0xb1: {  	s5 =	sshll.u32 @!p0 s5, $0x11;
	s7 =	sadd.s32 @!p0 $0x11B8D, s7;
	_ =	swait.eq @!p0 [sflag:s6], $0x1  }
0xb2: {  	s5 =	sor.u32 @!p0 s5, s7;
	[sflag:s6] =	ssyncadd.s32 @!p0 $0xFFFFFFFF  }
0xb3: {  	s25 =	simm.s32 $0x1B8E;
	s24 =	sld [smem:$0x3FFE];
	[sflag:s5] =	ssyncadd.remote.s32 @!p0 $0x1  }
0xb4: {  	s26 =	simm.s32 $execute0_lowered;
	[smem:$0x3FD2] =	sst s25  }
0xb5: {  	s6 =	sshll.u32 s26, $0x1;
	_ =	strace $0x8000004C;
	[dreg:$0x1] =	wrdreg $0xFFFFFFFF  }
0xb6: {  	s28 =	simm.s32 $_size_execute0_lowered;
	s4 =	sadd.s32 s4, s6;
	[dreg:$0x0] =	wrdreg $0x0  }
0xb7: {  	s6 =	sshll.u32 s28, $0x1;
	[dreg:$0x2] =	wrdreg s4  }
0xb8: {  	[dreg:$0x3] =	wrdreg s6  }
0xb9: {  	[dreg:$0x4] =	wrdreg $0xC0  }
0xba: {  	_ =	task [dreg:s22], $0x5FFFF  }
0xbb: {  	[dreg:$0x1] =	wrdreg $0xFFFFFFFF  }
0xbc: {  	[dreg:$0x0] =	wrdreg $0x60  }
0xbd: {  	[dreg:$0x2] =	wrdreg s18  }
0xbe: {  	[dreg:$0x3] =	wrdreg s24  }
0xbf: {  	[dreg:$0x4] =	wrdreg $0x8F400  }
0xc0: {  	[dreg:$0x5] =	wrdreg $0xA  }
0xc1: {  	_ =	task.clear_ibuf [dreg:s22], $0x6FFFF;
	_ =	strace $0x9000004C  }
0xc2: {  	s29 =	simm.s32 $0xA;
	_ =	strace $0x8000004E  }
0xc3: {  	_ =	swait.ge [sflag:s29], $0x1  }
0xc4: {  	[sflag:s29] =	ssyncadd.s32 $0xFFFFFFFF  }
0xc5: {  	_ =	strace $0x9000004E  }
0xc6: {  	_ =	sfence  }
0xc7: {  	s30 =	sld [smem:$0x0];
	_ =	sdelay $0x2  }
0xc8: {  	s31 =	sshll.u32 s1, $0xD;
	s1 =	sshrl.u32 s1, $0x2  }
0xc9: {  	s4 =	sand.u32 $0x4000, s31;
	s1 =	sadd.s32 s1, s30  }
0xca: {  	s0 =	sor.u32 s4, s0;
	s1 =	sshll.u32 s1, $0x11  }
0xcb: {  	s0 =	sor.u32 s1, s0  }
0xcc: {  	s0 =	sadd.s32 $0x8F2B, s0  }
0xcd: {  	[sflag:s0] =	ssyncadd.remote.s32 $0x1  }
0xce: {  	_ =	sfence.sel $0xFFFF  }
0xcf: {  	[dreg:$0x0] =	wrdreg $0xFFFFFFFF;
	(pc) =	sbr.abs _section_cstart, $3  }
0xd0: {  	[dreg:$0x1] =	wrdreg $0xFFFFFFFF  }
0xd1: {  	_ =	task.clear_ibuf [dreg:s22], $0x2FFFF;
	_ =	strace $0x9FFFFFFF  }
0xd2: {  	(tm) =	ssettm $0x7FFFFFFF  }
0xd3: {  	_ =	shalt  }
tec
execute0_lowered:
.L_overlay_start_1:
0x0: {  	(tag) =	ssettag $0x1  }
0x1: {  	s0 =	rddreg [dreg:$0x0]  }
0x2: {  	s1 =	srdreg.scid;
	s5 =	rddreg [dreg:$0x1]  }
0x3: {  	s3 =	rddreg [dreg:$0x2];
	s2 =	stileid.u32;
	s4 =	simm.s32 $0x0  }
0x4: {  	s21 =	simm.s32 $0x7D;
	s22 =	simm.s32 $0x5000;
	s23 =	simm.s32 $0x1  }
0x5: {  	s24 =	simm.s32 $0x0;
	s7 =	sand.u32 $0x1, s1;
	s1 =	rddreg [dreg:$0x3]  }
0x6: {  	[smem:$0x7FF] =	sst s4;
	s10 =	smul.u32 $0xA000, s2;
	s16 =	sadd.s32 $0xA0800, s5  }
0x7: {  	s6 =	sshll.u32 s7, $0x4;
	_ =	strace $0x8000004D;
	s8 =	ssub.s32 $0x2, s7  }
0x8: {  	s15 =	smul.u32 $0xA0000, s7;
	s6 =	sor.u32 s2, s6;
	s29 =	sshrl.u32 s8, $0x1  }
0x9: {  	s12 =	sadd.s32 $0x2000, s10;
	s14 =	sadd.s32 $0x4000, s10;
	s18 =	sadd.s32 $0x6000, s10  }
0xa: {  	s19 =	sadd.s32 $0x8000, s10;
	s6 =	smul.u32 $0x500, s6;
	s17 =	ssub.s32 s8, s29  }
0xb: {  	s7 =	sadd.s32 s14, s3;
	s8 =	sadd.s32 s18, s3;
	s9 =	sadd.s32 s19, s3  }
0xc: {  	s13 =	sadd.s32 s10, s15;
	s20 =	sadd.s32 s15, s12;
	s14 =	sadd.s32 s15, s14  }
0xd: {  	s18 =	sadd.s32 s15, s18;
	s19 =	sadd.s32 s15, s19;
	s13 =	sshrl.u32 s13, $0x3  }
0xe: {  	s30 =	sshrl.u32 s20, $0x3;
	s14 =	sshrl.u32 s14, $0x3;
	s18 =	sshrl.u32 s18, $0x3  }
0xf: {  	s31 =	sshrl.u32 s19, $0x3;
	s17 =	smax.u32 s17, $0x1;
	s19 =	simm.s32 $0x2  }
0x10: {  	s20 =	simm.s32 $0x2800;
	s11 =	sadd.s32 s6, s5;
	s5 =	sadd.s32 s10, s3  }
0x11: {  	s6 =	sadd.s32 s12, s3;
	s12 =	sadd.s32 s16, s13;
	s13 =	sadd.s32 s16, s30  }
0x12: {  	s14 =	sadd.s32 s16, s14;
	s15 =	sadd.s32 s16, s18;
	s16 =	sadd.s32 s16, s31  }
0x13: {  	v0 =	vimm.f32 $0.0e+00;
	s18 =	simm.s32 $0x6F40;
	s10 =	sadd.s32 $0xCA00, s11;
	s11 =	sadd.s32 $0x2A00, s11  }
.LBB2_1:
0x14: {  	s26 =	simm.s32 $0x100;
	s25 =	simm.s32 $0x0  }
.LBB2_2:
0x15: {  	p0 =	sne.s32 s26, $0x7F00;
	[tilespmem:s25+$0x6F70] =	vst v0;
	s28 =	smov.u32 s26;
	s26 =	sadd.s32 $0x100, s26  }
.Ltmp0:
0x16: {  	[tilespmem:s25+$0x6F60] =	vst v0;
	(pc) =	sbr.rel @p0 .LBB2_2-.Ltmp0, $3  }
0x17: {  	[tilespmem:s25+$0x6F40] =	vst v0  }
0x18: {  	[tilespmem:s25+$0x6F50] =	vst v0;
	_ =	sdelay $0x1  }
0x19: {  	s25 =	sshra.s32 s28, $0x2  }
0x1a: {  	[tilespmem:s25+$0x6F70] =	vst v0  }
0x1b: {  	[tilespmem:s25+$0x6F60] =	vst v0  }
0x1c: {  	[tilespmem:s25+$0x6F40] =	vst v0  }
0x1d: {  	[tilespmem:s25+$0x6F50] =	vst v0  }
0x1e: {  	[spmem:s5] =	stream.linear.scatter [tilespmem:s18], [sflag:$0x2], $0x2000, $0x38;
	[tilespmem:$0x12F40] =	vst v63  }
0x1f: {  	_ =	swait.ge [sflag:s19], $0x2000  }
0x20: {  	[sflag:s19] =	ssyncset.done $0x0  }
0x21: {  	[sflag:s19] =	ssyncadd.s32 $0xFFFFE000  }
0x22: {  	[spmem:s6] =	stream.linear.scatter [tilespmem:s18], [sflag:$0x2], $0x2000, $0x38;
	[tilespmem:$0x12F40] =	vst v63  }
0x23: {  	_ =	swait.ge [sflag:s19], $0x2000  }
0x24: {  	[sflag:s19] =	ssyncset.done $0x0  }
0x25: {  	[sflag:s19] =	ssyncadd.s32 $0xFFFFE000  }
0x26: {  	[spmem:s7] =	stream.linear.scatter [tilespmem:s18], [sflag:$0x2], $0x2000, $0x38;
	[tilespmem:$0x12F40] =	vst v63  }
0x27: {  	_ =	swait.ge [sflag:s19], $0x2000  }
0x28: {  	[sflag:s19] =	ssyncset.done $0x0  }
0x29: {  	[sflag:s19] =	ssyncadd.s32 $0xFFFFE000  }
0x2a: {  	[spmem:s8] =	stream.linear.scatter [tilespmem:s18], [sflag:$0x2], $0x2000, $0x38;
	[tilespmem:$0x12F40] =	vst v63  }
0x2b: {  	_ =	swait.ge [sflag:s19], $0x2000  }
0x2c: {  	[sflag:s19] =	ssyncset.done $0x0  }
0x2d: {  	[sflag:s19] =	ssyncadd.s32 $0xFFFFE000  }
0x2e: {  	[spmem:s9] =	stream.linear.scatter [tilespmem:s18], [sflag:$0x2], $0x2000, $0x38;
	[tilespmem:$0x12F40] =	vst v63  }
0x2f: {  	_ =	swait.ge [sflag:s19], $0x2000  }
0x30: {  	[sflag:s19] =	ssyncset.done $0x0  }
0x31: {  	s29 =	simm.s32 $0x0;
	[sflag:s19] =	ssyncadd.s32 $0xFFFFE000  }
0x32: {  	[tilespmem:s29], [sflag:$0x2] =	stream.linear.gather [hbm4b:s10+s29], $0x2800, $0x38;
	[tilespmem:$0x12F40] =	vst v63  }
0x33: {  	_ =	swait.ge [sflag:s19], $0x2800  }
0x34: {  	[sflag:s19] =	ssyncset.done $0x0  }
0x35: {  	[sflag:s19] =	ssyncadd.s32 $0xFFFFD800  }
0x36: {  	[tilespmem:s20], [sflag:$0x2] =	stream.linear.gather [hbm4b:s11+s29], $0x2800, $0x38;
	[tilespmem:$0x12F40] =	vst v63  }
0x37: {  	_ =	swait.ge [sflag:s19], $0x2800  }
0x38: {  	[sflag:s19] =	ssyncset.done $0x0  }
0x39: {  	[sflag:s19] =	ssyncadd.s32 $0xFFFFD800  }
0x3a: {  	s30 =	simm.s32 $0x0;
	[bflag:$0x0] =	sbarrier.arrive $0xFFFF  }
0x3b: {  	[tilespmem:s22], [sflag:$0x1] =	stream.indirect.gather [hbm4b:s0+s21], $0x40, s30, s21, $0xb8;
	[tilespmem:$0x12F40] =	vst v63  }
0x3c: {  	_ =	swait.ge [sflag:s23], $0x1F40  }
0x3d: {  	[sflag:s23] =	ssyncset.done $0x0  }
0x3e: {  	s31 =	simm.s32 $0x2800;
	[sflag:s23] =	ssyncadd.s32 $0xFFFFE0C0  }
0x3f: {  	[spmem:s3] =	stream.indirect.scatter.add.f32 [tilespmem:s22], [sflag:$0x2], $0x40, s31, s21, $0xb8;
	[tilespmem:$0x12F40] =	vst v63  }
0x40: {  	_ =	swait.ge [sflag:s19], $0x1F40  }
0x41: {  	s25 =	simm.s32 $0x200;
	s26 =	simm.s32 $0x400;
	[sflag:s19] =	ssyncset.done $0x0  }
.LBB2_4:
0x42: {  	s28 =	sshra.s32 s25, $0x2  }
0x43: {  	[sflag:s19] =	ssyncadd.s32 $0xFFFFE0C0;
	s25 =	smov.u32 s26;
	s29 =	sadd.s32 $0x200, s26  }
0x44: {  	[tilespmem:s22], [sflag:$0x1] =	stream.indirect.gather [hbm4b:s0+s21], $0x40, s28, s21, $0xb8;
	[tilespmem:$0x12F40] =	vst v63  }
0x45: {  	p0 =	sne.s32 s26, $0x9E00;
	_ =	swait.ge [sflag:s23], $0x1F40  }
.Ltmp1:
0x46: {  	[sflag:s23] =	ssyncset.done $0x0;
	(pc) =	sbr.rel @p0 .LBB2_4-.Ltmp1, $4  }
0x47: {  	s26 =	sadd.s32 $0x2800, s28;
	[sflag:s23] =	ssyncadd.s32 $0xFFFFE0C0  }
0x48: {  	[spmem:s3] =	stream.indirect.scatter.add.f32 [tilespmem:s22], [sflag:$0x2], $0x40, s26, s21, $0xb8;
	[tilespmem:$0x12F40] =	vst v63  }
0x49: {  	_ =	swait.ge [sflag:s19], $0x1F40  }
0x4a: {  	s26 =	smov.u32 s29;
	[sflag:s19] =	ssyncset.done $0x0  }
0x4b: {  	s25 =	sshra.s32 s25, $0x2;
	[sflag:s19] =	ssyncadd.s32 $0xFFFFE0C0  }
0x4c: {  	[tilespmem:s22], [sflag:$0x1] =	stream.indirect.gather [hbm4b:s0+s21], $0x40, s25, s21, $0xb8;
	[tilespmem:$0x12F40] =	vst v63  }
0x4d: {  	_ =	swait.ge [sflag:s23], $0x1F40  }
0x4e: {  	[sflag:s23] =	ssyncset.done $0x0  }
0x4f: {  	s25 =	sadd.s32 $0x2800, s25;
	[sflag:s23] =	ssyncadd.s32 $0xFFFFE0C0  }
0x50: {  	[spmem:s3] =	stream.indirect.scatter.add.f32 [tilespmem:s22], [sflag:$0x2], $0x40, s25, s21, $0xb8;
	[tilespmem:$0x12F40] =	vst v63  }
0x51: {  	_ =	swait.ge [sflag:s19], $0x1F40  }
0x52: {  	[sflag:s19] =	ssyncset.done $0x0  }
0x53: {  	[sflag:s19] =	ssyncadd.s32 $0xFFFFE0C0  }
0x54: {  	[bflag:$0x0] =	sbarrier.arrive $0xFFFF  }
0x55: {  	[tilespmem:s18], [sflag:$0x2] =	stream.linear.gather [spmem:s5], $0x2000, $0x38;
	[tilespmem:$0x12F40] =	vst v63  }
0x56: {  	_ =	swait.ge [sflag:s19], $0x2000  }
0x57: {  	[sflag:s19] =	ssyncset.done $0x0  }
0x58: {  	[sflag:s19] =	ssyncadd.s32 $0xFFFFE000  }
0x59: {  	[hbm4b:s12+s4] =	stream.linear.scatter [tilespmem:s18], [sflag:$0x2], $0x2000, $0x38;
	[tilespmem:$0x12F40] =	vst v63  }
0x5a: {  	_ =	swait.ge [sflag:s19], $0x2000  }
0x5b: {  	[sflag:s19] =	ssyncset.done $0x0  }
0x5c: {  	[sflag:s19] =	ssyncadd.s32 $0xFFFFE000  }
0x5d: {  	[tilespmem:s18], [sflag:$0x2] =	stream.linear.gather [spmem:s6], $0x2000, $0x38;
	[tilespmem:$0x12F40] =	vst v63  }
0x5e: {  	_ =	swait.ge [sflag:s19], $0x2000  }
0x5f: {  	[sflag:s19] =	ssyncset.done $0x0  }
0x60: {  	[sflag:s19] =	ssyncadd.s32 $0xFFFFE000  }
0x61: {  	[hbm4b:s13+s4] =	stream.linear.scatter [tilespmem:s18], [sflag:$0x2], $0x2000, $0x38;
	[tilespmem:$0x12F40] =	vst v63  }
0x62: {  	_ =	swait.ge [sflag:s19], $0x2000  }
0x63: {  	[sflag:s19] =	ssyncset.done $0x0  }
0x64: {  	[sflag:s19] =	ssyncadd.s32 $0xFFFFE000  }
0x65: {  	[tilespmem:s18], [sflag:$0x2] =	stream.linear.gather [spmem:s7], $0x2000, $0x38;
	[tilespmem:$0x12F40] =	vst v63  }
0x66: {  	_ =	swait.ge [sflag:s19], $0x2000  }
0x67: {  	[sflag:s19] =	ssyncset.done $0x0  }
0x68: {  	[sflag:s19] =	ssyncadd.s32 $0xFFFFE000  }
0x69: {  	[hbm4b:s14+s4] =	stream.linear.scatter [tilespmem:s18], [sflag:$0x2], $0x2000, $0x38;
	[tilespmem:$0x12F40] =	vst v63  }
0x6a: {  	_ =	swait.ge [sflag:s19], $0x2000  }
0x6b: {  	[sflag:s19] =	ssyncset.done $0x0  }
0x6c: {  	[sflag:s19] =	ssyncadd.s32 $0xFFFFE000  }
0x6d: {  	[tilespmem:s18], [sflag:$0x2] =	stream.linear.gather [spmem:s8], $0x2000, $0x38;
	[tilespmem:$0x12F40] =	vst v63  }
0x6e: {  	_ =	swait.ge [sflag:s19], $0x2000  }
0x6f: {  	[sflag:s19] =	ssyncset.done $0x0  }
0x70: {  	[sflag:s19] =	ssyncadd.s32 $0xFFFFE000  }
0x71: {  	[hbm4b:s15+s4] =	stream.linear.scatter [tilespmem:s18], [sflag:$0x2], $0x2000, $0x38;
	[tilespmem:$0x12F40] =	vst v63  }
0x72: {  	_ =	swait.ge [sflag:s19], $0x2000  }
0x73: {  	[sflag:s19] =	ssyncset.done $0x0  }
0x74: {  	[sflag:s19] =	ssyncadd.s32 $0xFFFFE000  }
0x75: {  	[tilespmem:s18], [sflag:$0x2] =	stream.linear.gather [spmem:s9], $0x2000, $0x38;
	[tilespmem:$0x12F40] =	vst v63  }
0x76: {  	s24 =	sadd.s32 $0x1, s24;
	_ =	swait.ge [sflag:s19], $0x2000  }
0x77: {  	p0 =	sne.s32 s24, s17;
	[sflag:s19] =	ssyncset.done $0x0  }
.Ltmp2:
0x78: {  	[sflag:s19] =	ssyncadd.s32 $0xFFFFE000;
	(pc) =	sbr.rel @p0 .LBB2_1-.Ltmp2, $4  }
0x79: {  	[hbm4b:s16+s4] =	stream.linear.scatter [tilespmem:s18], [sflag:$0x2], $0x2000, $0x38;
	[tilespmem:$0x12F40] =	vst v63  }
0x7a: {  	_ =	swait.ge [sflag:s19], $0x2000  }
0x7b: {  	[sflag:s19] =	ssyncset.done $0x0  }
0x7c: {  	[sflag:s19] =	ssyncadd.s32 $0xFFFFE000  }
0x7d: {  	_ =	sfence.sel $0x180000  }
0x7e: {  	[bflag:$0x0] =	sbarrier.arrive $0xFFFF  }
0x7f: {  	p0 =	sne.s32 s2, $0x0;
	_ =	strace $0x9000004D  }
0x80: {  	s0 =	sadd.s32 @!p0 $0x100000, s1;
	[bflag:$0x2] =	sbarrier.arrive $0xFFFF  }
0x81: {  	[sflag:s0] =	ssyncadd.tile.s32 @!p0 $0x1;
	_ =	shalt  }
.Lfunc_end2:
_tile_overlayer_lowered:
.L_overlay_start_2:
0x82: {  	(tag) =	ssettag $0x2  }
0x83: {  	s0 =	rddreg [dreg:$0x0];
	s2 =	stileid.u32  }
0x84: {  	s1 =	rddreg [dreg:$0x1];
	p0 =	sne.s32 s2, $0x0  }
0x85: {  	s3 =	rddreg [dreg:$0x2];
	[bflag:$0x3] =	sbarrier.arrive $0xFFFF;
	s2 =	simm.s32 @!p0 $0x1C02  }
0x86: {  	[timem:s3], [sflag:s2] =	dma.local @!p0 [hbm:s0], s1  }
0x87: {  	s0 =	simm.s32 @!p0 $0x2  }
0x88: {  	_ =	swait.ge @!p0 [sflag:s0], s1  }
0x89: {  	s1 =	ssub.s32 @!p0 $0x0, s1;
	[sflag:s0] =	ssyncset.done @!p0 $0x0  }
0x8a: {  	[sflag:s0] =	ssyncadd.s32 @!p0 s1  }
0x8b: {  	[bflag:$0x3] =	sbarrier.arrive $0xFFFF  }
0x8c: {  	_ =	shalt  }

// kernel: kernel.19.cloned.1.call-start
scs
__scs_entry_jumppad:
0x0: {  	(pc) =	sbr.rel $0x88, $3  }
0x1: {  	(tag) =	ssettag $0x0;
	lr =	simm.s32 $0x1  }
0x2: {  	[smem:$0x3F99] =	sst lr;
	_ =	strace $0xD0000000  }
0x3: {  	_ = 	snop  }
0x4: {  	_ = 	snop  }
0x5: {  	_ = 	snop  }
0x6: {  	_ = 	snop  }
0x7: {  	_ = 	snop  }
__scs_overlays_trampoline_lowered:
0x8: {  	[smem:$0x3FA8] =	sst s0  }
0x9: {  	[smem:$0x3FA9] =	sst s1  }
0xa: {  	[smem:$0x3FAA] =	sst s2  }
0xb: {  	[smem:$0x3FAB] =	sst s3  }
0xc: {  	[smem:$0x3FAC] =	sst s4  }
0xd: {  	[smem:$0x3FAD] =	sst s5  }
0xe: {  	[smem:$0x3FAE] =	sst s6  }
0xf: {  	[smem:$0x3FAF] =	sst s7  }
0x10: {  	[smem:$0x3FB0] =	sst s8  }
0x11: {  	[smem:$0x3FB1] =	sst s9;
	s0 =	simm.s32 @!p0 $0x0  }
0x12: {  	s1 =	sld [smem:$0x3F97];
	s0 =	simm.s32 @p0 $0x1  }
0x13: {  	[smem:$0x3FB2] =	sst s0;
	s0 =	simm.s32 @!p1 $0x0  }
0x14: {  	s2 =	sld [smem:$0x3F96];
	s0 =	simm.s32 @p1 $0x1  }
0x15: {  	[smem:$0x3FB3] =	sst s0;
	s0 =	simm.s32 @!p2 $0x0  }
0x16: {  	s3 =	sld [smem:$0x3FDB];
	s0 =	simm.s32 @p2 $0x1  }
0x17: {  	s4 =	simm.s32 $0x1BF5;
	[smem:$0x3FB5] =	sst s0  }
0x18: {  	s0 =	sld [smem:$0x3F98];
	_ =	swait.ge [sflag:s4], $0x0  }
0x19: {  	s7 =	sld [smem:$0x3F99]  }
0x1a: {  	s8 =	sadd.s32 $0xFFFFE003, lr  }
0x1b: {  	s9 =	sadd.s32 $0xFFFFFEF7, lr;
	s5 =	simm.s32 $0xFFFFFFFF;
	p2 =	slt.u32 s8, $0xFFFFF086  }
0x1c: {  	p1 =	slt.u32 s9, $0xF7A;
	s5 =	simm.s32 @!p2 $0x0  }
0x1d: {  	s5 =	simm.s32 @p1 $0x1;
	p0 =	seq.s32 s7, s2  }
0x1e: {  	s7 =	smul.u32 @!p0 $0xF7A, s2;
	p2 =	seq.s32 @!p0 s5, $0x0  }
0x1f: {  	s9 =	smul.u32 $0xF7A, s1;
	s8 =	simm.s32 @!p0 $0x1BF5;
	p2 =	por !p2, p0  }
0x20: {  	[sflag:s8] =	ssyncset.s32 @!p0 $0xFFFFF086;
	s6 =	sadd.s32 @!p0 s3, s7;
	s7 =	simm.s32 @!p0 $0x108  }
0x21: {  	s3 =	sadd.s32 s3, s9;
	s6 =	sadd.s32 @!p0 $0x88, s6;
	s7 =	simm.s32 @p2 $0x1082  }
0x22: {  	[simem:s7], [sflag:s8] =	dma.local @!p0 [hbm:s6], $0xF7A  }
0x23: {  	s9 =	sor.u32 $0xD0000000, s2;
	s6 =	simm.s32 $0x108;
	_ =	swait.ge @!p0 [sflag:s8], $0x0  }
0x24: {  	s3 =	sadd.s32 $0x88, s3;
	s6 =	simm.s32 @!p1 $0x1082;
	[sflag:s4] =	ssyncset.s32 $0xFFFFF086  }
0x25: {  	[simem:s6], [sflag:s4] =	dma.local [hbm:s3], $0xF7A  }
0x26: {  	[smem:$0x3F99] =	sst s1;
	(tag) =	ssettag s2;
	_ =	strace s9  }
0x27: {  	s1 =	sld [smem:$0x3FA9]  }
0x28: {  	s2 =	sld [smem:$0x3FAA]  }
0x29: {  	s4 =	sld [smem:$0x3FAC]  }
0x2a: {  	p0 =	seq.s32 s5, $0x0;
	s5 =	sld [smem:$0x3FAD]  }
0x2b: {  	s6 =	sld [smem:$0x3FAE]  }
0x2c: {  	s7 =	sld [smem:$0x3FAF]  }
0x2d: {  	s3 =	simm.s32 $0x108;
	s8 =	sld [smem:$0x3FB0]  }
0x2e: {  	s3 =	simm.s32 @!p0 $0x1082;
	s9 =	sld [smem:$0x3FB1]  }
0x2f: {  	lr =	sadd.s32 s0, s3;
	s0 =	sld [smem:$0x3FA8]  }
0x30: {  	s3 =	sld [smem:$0x3FAB]  }
0x31: {  	[smem:$0x3FB4] =	sst s10  }
0x32: {  	s10 =	sld [smem:$0x3FB2];
	_ =	sdelay $0x3  }
0x33: {  	p0 =	seq.s32 s10, $0x1;
	s10 =	sld [smem:$0x3FB4];
	_ =	sdelay $0x3  }
0x34: {  	[smem:$0x3FB4] =	sst s10  }
0x35: {  	s10 =	sld [smem:$0x3FB3];
	_ =	sdelay $0x3  }
0x36: {  	p1 =	seq.s32 s10, $0x1;
	s10 =	sld [smem:$0x3FB4];
	_ =	sdelay $0x3  }
0x37: {  	[smem:$0x3FB4] =	sst s10  }
0x38: {  	s10 =	sld [smem:$0x3FB5]  }
0x39: {  	_ = 	snop;
	(pc) =	sbr.ind lr, $3  }
0x3a: {  	_ = 	snop  }
0x3b: {  	_ = 	snop  }
0x3c: {  	p2 =	seq.s32 s10, $0x1;
	s10 =	sld [smem:$0x3FB4]  }
0x3d: {  	_ =	shalt  }
0x3e: {  	_ =	shalt  }
0x3f: {  	_ =	shalt  }
0x40: {  	_ =	shalt  }
0x41: {  	_ =	shalt  }
0x42: {  	_ =	shalt  }
0x43: {  	_ =	shalt  }
0x44: {  	_ =	shalt  }
0x45: {  	_ =	shalt  }
0x46: {  	_ =	shalt  }
0x47: {  	_ =	shalt  }
0x48: {  	_ =	shalt  }
0x49: {  	_ =	shalt  }
0x4a: {  	_ =	shalt  }
0x4b: {  	_ =	shalt  }
0x4c: {  	_ =	shalt  }
0x4d: {  	_ =	shalt  }
0x4e: {  	_ =	shalt  }
0x4f: {  	_ =	shalt  }
0x50: {  	_ =	shalt  }
0x51: {  	_ =	shalt  }
0x52: {  	_ =	shalt  }
0x53: {  	_ =	shalt  }
0x54: {  	_ =	shalt  }
0x55: {  	_ =	shalt  }
0x56: {  	_ =	shalt  }
0x57: {  	_ =	shalt  }
0x58: {  	_ =	shalt  }
0x59: {  	_ =	shalt  }
0x5a: {  	_ =	shalt  }
0x5b: {  	_ =	shalt  }
0x5c: {  	_ =	shalt  }
0x5d: {  	_ =	shalt  }
0x5e: {  	_ =	shalt  }
0x5f: {  	_ =	shalt  }
0x60: {  	_ =	shalt  }
0x61: {  	_ =	shalt  }
0x62: {  	_ =	shalt  }
0x63: {  	_ =	shalt  }
0x64: {  	_ =	shalt  }
0x65: {  	_ =	shalt  }
0x66: {  	_ =	shalt  }
0x67: {  	_ =	shalt  }
0x68: {  	_ =	shalt  }
0x69: {  	_ =	shalt  }
0x6a: {  	_ =	shalt  }
0x6b: {  	_ =	shalt  }
0x6c: {  	_ =	shalt  }
0x6d: {  	_ =	shalt  }
0x6e: {  	_ =	shalt  }
0x6f: {  	_ =	shalt  }
0x70: {  	_ =	shalt  }
0x71: {  	_ =	shalt  }
0x72: {  	_ =	shalt  }
0x73: {  	_ =	shalt  }
0x74: {  	_ =	shalt  }
0x75: {  	_ =	shalt  }
0x76: {  	_ =	shalt  }
0x77: {  	_ =	shalt  }
0x78: {  	_ =	shalt  }
0x79: {  	_ =	shalt  }
0x7a: {  	_ =	shalt  }
0x7b: {  	_ =	shalt  }
0x7c: {  	_ =	shalt  }
0x7d: {  	_ =	shalt  }
0x7e: {  	_ =	shalt  }
0x7f: {  	_ =	shalt  }
0x80: {  	_ =	shalt  }
0x81: {  	_ =	shalt  }
0x82: {  	_ =	shalt  }
0x83: {  	_ =	shalt  }
0x84: {  	_ =	shalt  }
0x85: {  	_ =	shalt  }
0x86: {  	_ =	shalt  }
0x87: {  	_ =	shalt  }
.Lfunc_end0:
.L_simem_size_0:
called_computation.3_lowered:
.L_overlay_start_0:
0x88: {  	s2 =	sld [smem:$0x3FD9]  }
0x89: {  	s3 =	sld [smem:$0x3FFE];
	_ =	sdelay $0x1  }
0x8a: {  	s1 =	srdreg.scid  }
0x8b: {  	s0 =	sand.u32 $0x1, s1  }
0x8c: {  	s17 =	sshll.u32 s0, $0xA;
	s2 =	sadd.s32 s3, s2  }
0x8d: {  	s2 =	sadd.s32 s2, s17  }
0x8e: {  	[smem:$0x3FC0] =	sst s2  }
0x8f: {  	_ = 	snop  }
0x90: {  	s2 =	sld [smem:$0x3FD0];
	(tm) =	ssettm $0x1  }
0x91: {  	s18 =	sld [smem:$0x3FFB];
	_ =	sdelay $0x3  }
0x92: {  	_ =	strace s18  }
0x93: {  	s3 =	sld [smem:$0x3FFC];
	_ =	sdelay $0x3  }
0x94: {  	_ =	strace s3  }
0x95: {  	s3 =	sld [smem:$0x3FFD];
	_ =	sdelay $0x3  }
0x96: {  	_ =	strace s3  }
0x97: {  	_ =	strace $0x8FFFFFFF  }
0x98: {  	s19 =	sld [smem:$0x3FDB];
	_ =	sdelay $0x1  }
0x99: {  	s4 =	simm.s32 $_scs_section_size  }
0x9a: {  	s5 =	simm.s32 $_size__tile_overlayer_lowered;
	s6 =	simm.s32 $_tile_overlayer_lowered  }
0x9b: {  	s22 =	simm.s32 $0x1BFF;
	s21 =	sshll.u32 s6, $0x1;
	s3 =	sadd.s32 s4, s19  }
0x9c: {  	s7 =	simm.s32 $0x0;
	s20 =	sshll.u32 s5, $0x1;
	s5 =	sadd.s32 s21, s3  }
0x9d: {  	[timem:s7], [sflag:s22] =	dma.local [hbm:s5], s20  }
0x9e: {  	_ =	swait.ge [sflag:s22], s20  }
0x9f: {  	s4 =	ssub.s32 $0x0, s20;
	[sflag:s22] =	ssyncset.done $0x0  }
0xa0: {  	[sflag:s22] =	ssyncadd.s32 s4;
	_ =	sdelay $0x1  }
0xa1: {  	s23 =	simm.s32 $0x1B8B  }
0xa2: {  	_ =	swait.ge [sflag:s23], $0x1  }
0xa3: {  	[sflag:s23] =	ssyncset.done $0x0  }
0xa4: {  	s25 =	simm.s32 $0x1B8E;
	s24 =	sld [smem:$0x3FFE];
	[sflag:s23] =	ssyncadd.s32 $0xFFFFFFFF  }
0xa5: {  	s26 =	simm.s32 $execute0_lowered;
	[smem:$0x3FD2] =	sst s25  }
0xa6: {  	s5 =	sshll.u32 s26, $0x1;
	_ =	strace $0x8000004F;
	[dreg:$0x1] =	wrdreg $0xFFFFFFFF  }
0xa7: {  	s28 =	simm.s32 $_size_execute0_lowered;
	s3 =	sadd.s32 s3, s5;
	[dreg:$0x0] =	wrdreg $0x0  }
0xa8: {  	s5 =	sshll.u32 s28, $0x1;
	[dreg:$0x2] =	wrdreg s3  }
0xa9: {  	[dreg:$0x3] =	wrdreg s5  }
0xaa: {  	[dreg:$0x4] =	wrdreg $0xC0  }
0xab: {  	_ =	task [dreg:s7], $0x5FFFF  }
0xac: {  	[dreg:$0x1] =	wrdreg $0xFFFFFFFF  }
0xad: {  	[dreg:$0x0] =	wrdreg $0x60  }
0xae: {  	[dreg:$0x2] =	wrdreg s2  }
0xaf: {  	[dreg:$0x3] =	wrdreg s24  }
0xb0: {  	[dreg:$0x4] =	wrdreg $0x8F400  }
0xb1: {  	[dreg:$0x5] =	wrdreg $0x9  }
0xb2: {  	_ =	task.clear_ibuf [dreg:s7], $0x6FFFF;
	_ =	strace $0x9000004F  }
0xb3: {  	s29 =	simm.s32 $0x9;
	_ =	strace $0x80000051  }
0xb4: {  	_ =	swait.ge [sflag:s29], $0x1  }
0xb5: {  	[sflag:s29] =	ssyncadd.s32 $0xFFFFFFFF  }
0xb6: {  	_ =	strace $0x90000051  }
0xb7: {  	_ =	sfence  }
0xb8: {  	s30 =	sld [smem:$0x0];
	_ =	sdelay $0x2  }
0xb9: {  	s31 =	sshll.u32 s1, $0xD;
	s1 =	sshrl.u32 s1, $0x2  }
0xba: {  	s3 =	sand.u32 $0x4000, s31;
	s1 =	sadd.s32 s1, s30  }
0xbb: {  	s0 =	sor.u32 s3, s0;
	s1 =	sshll.u32 s1, $0x11  }
0xbc: {  	s0 =	sor.u32 s1, s0  }
0xbd: {  	s0 =	sadd.s32 $0x8F2B, s0  }
0xbe: {  	[sflag:s0] =	ssyncadd.remote.s32 $0x1  }
0xbf: {  	_ =	sfence.sel $0xFFFF  }
0xc0: {  	[dreg:$0x0] =	wrdreg $0xFFFFFFFF;
	(pc) =	sbr.abs _section_cstart, $3  }
0xc1: {  	[dreg:$0x1] =	wrdreg $0xFFFFFFFF  }
0xc2: {  	_ =	task.clear_ibuf [dreg:s7], $0x2FFFF;
	_ =	strace $0x9FFFFFFF  }
0xc3: {  	(tm) =	ssettm $0x7FFFFFFF  }
tec
execute0_lowered:
.L_overlay_start_1:
0x0: {  	(tag) =	ssettag $0x1  }
0x1: {  	s0 =	rddreg [dreg:$0x0]  }
0x2: {  	s1 =	srdreg.scid;
	s5 =	rddreg [dreg:$0x1]  }
0x3: {  	s3 =	rddreg [dreg:$0x2];
	s2 =	stileid.u32;
	s4 =	simm.s32 $0x0  }
0x4: {  	s21 =	simm.s32 $0x7D;
	s22 =	simm.s32 $0x5000;
	s23 =	simm.s32 $0x1  }
0x5: {  	s24 =	simm.s32 $0x0;
	s7 =	sand.u32 $0x1, s1;
	s1 =	rddreg [dreg:$0x3]  }
0x6: {  	[smem:$0x7FF] =	sst s4;
	s10 =	smul.u32 $0xA000, s2;
	s16 =	sadd.s32 $0x64E00, s5  }
0x7: {  	s6 =	sshll.u32 s7, $0x4;
	_ =	strace $0x80000050;
	s8 =	ssub.s32 $0x2, s7  }
0x8: {  	s15 =	smul.u32 $0xA0000, s7;
	s6 =	sor.u32 s2, s6;
	s29 =	sshrl.u32 s8, $0x1  }
0x9: {  	s12 =	sadd.s32 $0x2000, s10;
	s14 =	sadd.s32 $0x4000, s10;
	s18 =	sadd.s32 $0x6000, s10  }
0xa: {  	s19 =	sadd.s32 $0x8000, s10;
	s6 =	smul.u32 $0x500, s6;
	s17 =	ssub.s32 s8, s29  }
0xb: {  	s7 =	sadd.s32 s14, s3;
	s8 =	sadd.s32 s18, s3;
	s9 =	sadd.s32 s19, s3  }
0xc: {  	s13 =	sadd.s32 s10, s15;
	s20 =	sadd.s32 s15, s12;
	s14 =	sadd.s32 s15, s14  }
0xd: {  	s18 =	sadd.s32 s15, s18;
	s19 =	sadd.s32 s15, s19;
	s13 =	sshrl.u32 s13, $0x3  }
0xe: {  	s30 =	sshrl.u32 s20, $0x3;
	s14 =	sshrl.u32 s14, $0x3;
	s18 =	sshrl.u32 s18, $0x3  }
0xf: {  	s31 =	sshrl.u32 s19, $0x3;
	s17 =	smax.u32 s17, $0x1;
	s19 =	simm.s32 $0x2  }
0x10: {  	s20 =	simm.s32 $0x2800;
	s11 =	sadd.s32 s6, s5;
	s5 =	sadd.s32 s10, s3  }
0x11: {  	s6 =	sadd.s32 s12, s3;
	s12 =	sadd.s32 s16, s13;
	s13 =	sadd.s32 s16, s30  }
0x12: {  	s14 =	sadd.s32 s16, s14;
	s15 =	sadd.s32 s16, s18;
	s16 =	sadd.s32 s16, s31  }
0x13: {  	v0 =	vimm.f32 $0.0e+00;
	s18 =	simm.s32 $0x6F40;
	s10 =	sadd.s32 $0xCA00, s11;
	s11 =	sadd.s32 $0x2A00, s11  }
.LBB2_1:
0x14: {  	s26 =	simm.s32 $0x100;
	s25 =	simm.s32 $0x0  }
.LBB2_2:
0x15: {  	p0 =	sne.s32 s26, $0x7F00;
	[tilespmem:s25+$0x6F70] =	vst v0;
	s28 =	smov.u32 s26;
	s26 =	sadd.s32 $0x100, s26  }
.Ltmp0:
0x16: {  	[tilespmem:s25+$0x6F60] =	vst v0;
	(pc) =	sbr.rel @p0 .LBB2_2-.Ltmp0, $3  }
0x17: {  	[tilespmem:s25+$0x6F40] =	vst v0  }
0x18: {  	[tilespmem:s25+$0x6F50] =	vst v0;
	_ =	sdelay $0x1  }
0x19: {  	s25 =	sshra.s32 s28, $0x2  }
0x1a: {  	[tilespmem:s25+$0x6F70] =	vst v0  }
0x1b: {  	[tilespmem:s25+$0x6F60] =	vst v0  }
0x1c: {  	[tilespmem:s25+$0x6F40] =	vst v0  }
0x1d: {  	[tilespmem:s25+$0x6F50] =	vst v0  }
0x1e: {  	[spmem:s5] =	stream.linear.scatter [tilespmem:s18], [sflag:$0x2], $0x2000, $0x38;
	[tilespmem:$0x12F40] =	vst v63  }
0x1f: {  	_ =	swait.ge [sflag:s19], $0x2000  }
0x20: {  	[sflag:s19] =	ssyncset.done $0x0  }
0x21: {  	[sflag:s19] =	ssyncadd.s32 $0xFFFFE000  }
0x22: {  	[spmem:s6] =	stream.linear.scatter [tilespmem:s18], [sflag:$0x2], $0x2000, $0x38;
	[tilespmem:$0x12F40] =	vst v63  }
0x23: {  	_ =	swait.ge [sflag:s19], $0x2000  }
0x24: {  	[sflag:s19] =	ssyncset.done $0x0  }
0x25: {  	[sflag:s19] =	ssyncadd.s32 $0xFFFFE000  }
0x26: {  	[spmem:s7] =	stream.linear.scatter [tilespmem:s18], [sflag:$0x2], $0x2000, $0x38;
	[tilespmem:$0x12F40] =	vst v63  }
0x27: {  	_ =	swait.ge [sflag:s19], $0x2000  }
0x28: {  	[sflag:s19] =	ssyncset.done $0x0  }
0x29: {  	[sflag:s19] =	ssyncadd.s32 $0xFFFFE000  }
0x2a: {  	[spmem:s8] =	stream.linear.scatter [tilespmem:s18], [sflag:$0x2], $0x2000, $0x38;
	[tilespmem:$0x12F40] =	vst v63  }
0x2b: {  	_ =	swait.ge [sflag:s19], $0x2000  }
0x2c: {  	[sflag:s19] =	ssyncset.done $0x0  }
0x2d: {  	[sflag:s19] =	ssyncadd.s32 $0xFFFFE000  }
0x2e: {  	[spmem:s9] =	stream.linear.scatter [tilespmem:s18], [sflag:$0x2], $0x2000, $0x38;
	[tilespmem:$0x12F40] =	vst v63  }
0x2f: {  	_ =	swait.ge [sflag:s19], $0x2000  }
0x30: {  	[sflag:s19] =	ssyncset.done $0x0  }
0x31: {  	s29 =	simm.s32 $0x0;
	[sflag:s19] =	ssyncadd.s32 $0xFFFFE000  }
0x32: {  	[tilespmem:s29], [sflag:$0x2] =	stream.linear.gather [hbm4b:s10+s29], $0x2800, $0x38;
	[tilespmem:$0x12F40] =	vst v63  }
0x33: {  	_ =	swait.ge [sflag:s19], $0x2800  }
0x34: {  	[sflag:s19] =	ssyncset.done $0x0  }
0x35: {  	[sflag:s19] =	ssyncadd.s32 $0xFFFFD800  }
0x36: {  	[tilespmem:s20], [sflag:$0x2] =	stream.linear.gather [hbm4b:s11+s29], $0x2800, $0x38;
	[tilespmem:$0x12F40] =	vst v63  }
0x37: {  	_ =	swait.ge [sflag:s19], $0x2800  }
0x38: {  	[sflag:s19] =	ssyncset.done $0x0  }
0x39: {  	[sflag:s19] =	ssyncadd.s32 $0xFFFFD800  }
0x3a: {  	s30 =	simm.s32 $0x0;
	[bflag:$0x0] =	sbarrier.arrive $0xFFFF  }
0x3b: {  	[tilespmem:s22], [sflag:$0x1] =	stream.indirect.gather [hbm4b:s0+s21], $0x40, s30, s21, $0xb8;
	[tilespmem:$0x12F40] =	vst v63  }
0x3c: {  	_ =	swait.ge [sflag:s23], $0x1F40  }
0x3d: {  	[sflag:s23] =	ssyncset.done $0x0  }
0x3e: {  	s31 =	simm.s32 $0x2800;
	[sflag:s23] =	ssyncadd.s32 $0xFFFFE0C0  }
0x3f: {  	[spmem:s3] =	stream.indirect.scatter.add.f32 [tilespmem:s22], [sflag:$0x2], $0x40, s31, s21, $0xb8;
	[tilespmem:$0x12F40] =	vst v63  }
0x40: {  	_ =	swait.ge [sflag:s19], $0x1F40  }
0x41: {  	s25 =	simm.s32 $0x200;
	s26 =	simm.s32 $0x400;
	[sflag:s19] =	ssyncset.done $0x0  }
.LBB2_4:
0x42: {  	s28 =	sshra.s32 s25, $0x2  }
0x43: {  	[sflag:s19] =	ssyncadd.s32 $0xFFFFE0C0;
	s25 =	smov.u32 s26;
	s29 =	sadd.s32 $0x200, s26  }
0x44: {  	[tilespmem:s22], [sflag:$0x1] =	stream.indirect.gather [hbm4b:s0+s21], $0x40, s28, s21, $0xb8;
	[tilespmem:$0x12F40] =	vst v63  }
0x45: {  	p0 =	sne.s32 s26, $0x9E00;
	_ =	swait.ge [sflag:s23], $0x1F40  }
.Ltmp1:
0x46: {  	[sflag:s23] =	ssyncset.done $0x0;
	(pc) =	sbr.rel @p0 .LBB2_4-.Ltmp1, $4  }
0x47: {  	s26 =	sadd.s32 $0x2800, s28;
	[sflag:s23] =	ssyncadd.s32 $0xFFFFE0C0  }
0x48: {  	[spmem:s3] =	stream.indirect.scatter.add.f32 [tilespmem:s22], [sflag:$0x2], $0x40, s26, s21, $0xb8;
	[tilespmem:$0x12F40] =	vst v63  }
0x49: {  	_ =	swait.ge [sflag:s19], $0x1F40  }
0x4a: {  	s26 =	smov.u32 s29;
	[sflag:s19] =	ssyncset.done $0x0  }
0x4b: {  	s25 =	sshra.s32 s25, $0x2;
	[sflag:s19] =	ssyncadd.s32 $0xFFFFE0C0  }
0x4c: {  	[tilespmem:s22], [sflag:$0x1] =	stream.indirect.gather [hbm4b:s0+s21], $0x40, s25, s21, $0xb8;
	[tilespmem:$0x12F40] =	vst v63  }
0x4d: {  	_ =	swait.ge [sflag:s23], $0x1F40  }
0x4e: {  	[sflag:s23] =	ssyncset.done $0x0  }
0x4f: {  	s25 =	sadd.s32 $0x2800, s25;
	[sflag:s23] =	ssyncadd.s32 $0xFFFFE0C0  }
0x50: {  	[spmem:s3] =	stream.indirect.scatter.add.f32 [tilespmem:s22], [sflag:$0x2], $0x40, s25, s21, $0xb8;
	[tilespmem:$0x12F40] =	vst v63  }
0x51: {  	_ =	swait.ge [sflag:s19], $0x1F40  }
0x52: {  	[sflag:s19] =	ssyncset.done $0x0  }
0x53: {  	[sflag:s19] =	ssyncadd.s32 $0xFFFFE0C0  }
0x54: {  	[bflag:$0x0] =	sbarrier.arrive $0xFFFF  }
0x55: {  	[tilespmem:s18], [sflag:$0x2] =	stream.linear.gather [spmem:s5], $0x2000, $0x38;
	[tilespmem:$0x12F40] =	vst v63  }
0x56: {  	_ =	swait.ge [sflag:s19], $0x2000  }
0x57: {  	[sflag:s19] =	ssyncset.done $0x0  }
0x58: {  	[sflag:s19] =	ssyncadd.s32 $0xFFFFE000  }
0x59: {  	[hbm4b:s12+s4] =	stream.linear.scatter [tilespmem:s18], [sflag:$0x2], $0x2000, $0x38;
	[tilespmem:$0x12F40] =	vst v63  }
0x5a: {  	_ =	swait.ge [sflag:s19], $0x2000  }
0x5b: {  	[sflag:s19] =	ssyncset.done $0x0  }
0x5c: {  	[sflag:s19] =	ssyncadd.s32 $0xFFFFE000  }
0x5d: {  	[tilespmem:s18], [sflag:$0x2] =	stream.linear.gather [spmem:s6], $0x2000, $0x38;
	[tilespmem:$0x12F40] =	vst v63  }
0x5e: {  	_ =	swait.ge [sflag:s19], $0x2000  }
0x5f: {  	[sflag:s19] =	ssyncset.done $0x0  }
0x60: {  	[sflag:s19] =	ssyncadd.s32 $0xFFFFE000  }
0x61: {  	[hbm4b:s13+s4] =	stream.linear.scatter [tilespmem:s18], [sflag:$0x2], $0x2000, $0x38;
	[tilespmem:$0x12F40] =	vst v63  }
0x62: {  	_ =	swait.ge [sflag:s19], $0x2000  }
0x63: {  	[sflag:s19] =	ssyncset.done $0x0  }
0x64: {  	[sflag:s19] =	ssyncadd.s32 $0xFFFFE000  }
0x65: {  	[tilespmem:s18], [sflag:$0x2] =	stream.linear.gather [spmem:s7], $0x2000, $0x38;
	[tilespmem:$0x12F40] =	vst v63  }
0x66: {  	_ =	swait.ge [sflag:s19], $0x2000  }
0x67: {  	[sflag:s19] =	ssyncset.done $0x0  }
0x68: {  	[sflag:s19] =	ssyncadd.s32 $0xFFFFE000  }
0x69: {  	[hbm4b:s14+s4] =	stream.linear.scatter [tilespmem:s18], [sflag:$0x2], $0x2000, $0x38;
	[tilespmem:$0x12F40] =	vst v63  }
0x6a: {  	_ =	swait.ge [sflag:s19], $0x2000  }
0x6b: {  	[sflag:s19] =	ssyncset.done $0x0  }
0x6c: {  	[sflag:s19] =	ssyncadd.s32 $0xFFFFE000  }
0x6d: {  	[tilespmem:s18], [sflag:$0x2] =	stream.linear.gather [spmem:s8], $0x2000, $0x38;
	[tilespmem:$0x12F40] =	vst v63  }
0x6e: {  	_ =	swait.ge [sflag:s19], $0x2000  }
0x6f: {  	[sflag:s19] =	ssyncset.done $0x0  }
0x70: {  	[sflag:s19] =	ssyncadd.s32 $0xFFFFE000  }
0x71: {  	[hbm4b:s15+s4] =	stream.linear.scatter [tilespmem:s18], [sflag:$0x2], $0x2000, $0x38;
	[tilespmem:$0x12F40] =	vst v63  }
0x72: {  	_ =	swait.ge [sflag:s19], $0x2000  }
0x73: {  	[sflag:s19] =	ssyncset.done $0x0  }
0x74: {  	[sflag:s19] =	ssyncadd.s32 $0xFFFFE000  }
0x75: {  	[tilespmem:s18], [sflag:$0x2] =	stream.linear.gather [spmem:s9], $0x2000, $0x38;
	[tilespmem:$0x12F40] =	vst v63  }
0x76: {  	s24 =	sadd.s32 $0x1, s24;
	_ =	swait.ge [sflag:s19], $0x2000  }
0x77: {  	p0 =	sne.s32 s24, s17;
	[sflag:s19] =	ssyncset.done $0x0  }
.Ltmp2:
0x78: {  	[sflag:s19] =	ssyncadd.s32 $0xFFFFE000;
	(pc) =	sbr.rel @p0 .LBB2_1-.Ltmp2, $4  }
0x79: {  	[hbm4b:s16+s4] =	stream.linear.scatter [tilespmem:s18], [sflag:$0x2], $0x2000, $0x38;
	[tilespmem:$0x12F40] =	vst v63  }
0x7a: {  	_ =	swait.ge [sflag:s19], $0x2000  }
0x7b: {  	[sflag:s19] =	ssyncset.done $0x0  }
0x7c: {  	[sflag:s19] =	ssyncadd.s32 $0xFFFFE000  }
0x7d: {  	_ =	sfence.sel $0x180000  }
0x7e: {  	[bflag:$0x0] =	sbarrier.arrive $0xFFFF  }
0x7f: {  	p0 =	sne.s32 s2, $0x0;
	_ =	strace $0x90000050  }
0x80: {  	s0 =	sadd.s32 @!p0 $0x100000, s1;
	[bflag:$0x2] =	sbarrier.arrive $0xFFFF  }
0x81: {  	[sflag:s0] =	ssyncadd.tile.s32 @!p0 $0x1;
	_ =	shalt  }
.Lfunc_end2:
_tile_overlayer_lowered:
.L_overlay_start_2:
0x82: {  	(tag) =	ssettag $0x2  }
0x83: {  	s0 =	rddreg [dreg:$0x0];
	s2 =	stileid.u32  }
0x84: {  	s1 =	rddreg [dreg:$0x1];
	p0 =	sne.s32 s2, $0x0  }
0x85: {  	s3 =	rddreg [dreg:$0x2];
	[bflag:$0x3] =	sbarrier.arrive $0xFFFF;
	s2 =	simm.s32 @!p0 $0x1C02  }
0x86: {  	[timem:s3], [sflag:s2] =	dma.local @!p0 [hbm:s0], s1  }
0x87: {  	s0 =	simm.s32 @!p0 $0x2  }
0x88: {  	_ =	swait.ge @!p0 [sflag:s0], s1  }
0x89: {  	s1 =	ssub.s32 @!p0 $0x0, s1;
	[sflag:s0] =	ssyncset.done @!p0 $0x0  }
0x8a: {  	[sflag:s0] =	ssyncadd.s32 @!p0 s1  }
0x8b: {  	[bflag:$0x3] =	sbarrier.arrive $0xFFFF  }
0x8c: {  	_ =	shalt  }

</sc_bundles>
